<compile_context>
chip_gen: v7x
topology: tpu7x:2x2x1
jax: 0.10.2.dev20260603
libtpu: 0.0.44.dev20260713+nightly
codegen_flags: <defaults>
</compile_context>

<pallas_src>
import functools

import jax
import jax.numpy as jnp
import numpy as np
from jax import lax
from jax.experimental import pallas as pl
from jax.experimental.pallas import tpu as pltpu
from jax.experimental.pallas import tpu_sc as plsc

N = 10000
E = 320000
D = 128
H = 128
C = 64

NC = 2
NS = 16
NW = NC * NS
CHUNK = 80
CPW = E // (NW * CHUNK)
ACH = 128
CPWS = 160
NBUF = 5
RPS = 640
N_ACC = NS * RPS
E_PAD = NS * CPWS * ACH
CPW2 = E_PAD // (NW * ACH)
N_PAD_ROWS = N_ACC - N
ZROWS = 64
BR = 2000


_SC_PARAMS = pltpu.CompilerParams(use_tc_tiling_on_sc=False)


def _run_edge_pipeline(nch, gather, wait_gather, scatter, wait_scatter):
    for b in range(NBUF):
        gather(b, b)

    @pl.loop(0, nch - NBUF, step=NBUF)
    def _(i):
        for b in range(NBUF):
            wait_gather(i + b, b)
            scatter(i + b, b)
        for b in range(NBUF):
            wait_scatter(i + b, b)
            gather(i + NBUF + b, b)

    for b in range(NBUF):
        wait_gather(nch - NBUF + b, b)
        scatter(nch - NBUF + b, b)
    for b in range(NBUF):
        wait_scatter(nch - NBUF + b, b)


def _sc_degree(dst3d):
    mesh = plsc.VectorSubcoreMesh(core_axis_name="c", subcore_axis_name="s")

    @functools.partial(
        pl.kernel,
        out_type=jax.ShapeDtypeStruct((NC, N_ACC), jnp.float32),
        mesh=mesh,
        compiler_params=_SC_PARAMS,
        scratch_types=[
            pltpu.VMEM((CPW, CHUNK), jnp.int32),
            pltpu.VMEM((CHUNK,), jnp.float32),
            pltpu.VMEM((RPS,), jnp.float32),
            pltpu.VMEM_SHARED((N_ACC,), jnp.float32),
            pltpu.SemaphoreType.DMA,
        ],
    )
    def k(dst_hbm, out_hbm, idx_v, ones_v, zeros_v, acc_sh, sem):
        c = lax.axis_index("c")
        s = lax.axis_index("s")
        w = s * NC + c

        @pl.loop(0, CHUNK, step=16)
        def _(i):
            ones_v[pl.ds(i, 16)] = jnp.full((16,), 1.0, jnp.float32)

        @pl.loop(0, RPS, step=16)
        def _(i):
            zeros_v[pl.ds(i, 16)] = jnp.zeros((16,), jnp.float32)

        pltpu.sync_copy(zeros_v, acc_sh.at[pl.ds(s * RPS, RPS)])
        plsc.subcore_barrier()

        pltpu.sync_copy(dst_hbm.at[w], idx_v)

        @pl.loop(0, CPW, step=5)
        def _(i0):
            for j in range(5):
                pltpu.async_copy(ones_v, acc_sh.at[idx_v.at[i0 + j]], sem,
                                 add=True)
            for j in range(5):
                pltpu.make_async_copy(ones_v, acc_sh.at[idx_v.at[i0 + j]],
                                      sem).wait()

        plsc.subcore_barrier()
        pltpu.sync_copy(acc_sh.at[pl.ds(s * RPS, RPS)],
                        out_hbm.at[c, pl.ds(s * RPS, RPS)])

    return k(dst3d)


def _sc_edge_agg(yr, src3d, dst3d):
    Wc = yr.shape[1]
    M = 128 // Wc
    mesh = plsc.VectorSubcoreMesh(core_axis_name="c", subcore_axis_name="s")

    @functools.partial(
        pl.kernel,
        out_type=jax.ShapeDtypeStruct((N_ACC, 128), jnp.float32),
        mesh=mesh,
        compiler_params=_SC_PARAMS,
        scratch_types=[
            pltpu.VMEM((CPWS, ACH), jnp.int32),
            pltpu.VMEM((CPWS, ACH), jnp.int32),
            [pltpu.VMEM((ACH, Wc), jnp.float32) for _ in range(NBUF)],
            pltpu.VMEM((ZROWS, Wc), jnp.float32),
            pltpu.VMEM_SHARED((N_ACC, Wc), jnp.float32),
            [pltpu.SemaphoreType.DMA for _ in range(NBUF)],
            [pltpu.SemaphoreType.DMA for _ in range(NBUF)],
        ],
    )
    def k(y_hbm, src_hbm, dst_hbm, out_hbm, src_v, dst_v, bufs,
          zeros_v, acc_sh, gsems, ssems):
        c = lax.axis_index("c")
        s = lax.axis_index("s")

        @pl.loop(0, ZROWS)
        def _(i):
            @pl.loop(0, Wc, step=16)
            def _(j):
                zeros_v[i, pl.ds(j, 16)] = jnp.zeros((16,), jnp.float32)

        @pl.loop(0, RPS, step=ZROWS)
        def _(r):
            pltpu.sync_copy(zeros_v, acc_sh.at[pl.ds(s * RPS + r, ZROWS)])

        plsc.subcore_barrier()

        pltpu.sync_copy(src_hbm.at[s], src_v)
        pltpu.sync_copy(dst_hbm.at[s], dst_v)

        @pl.loop(0, CPWS)
        def _(i):
            @pl.loop(0, ACH, step=16)
            def _(j):
                v = src_v[i, pl.ds(j, 16)]
                src_v[i, pl.ds(j, 16)] = v * M + c

        def gather(i, b):
            pltpu.async_copy(y_hbm.at[src_v.at[i]], bufs[b], gsems[b])

        def wait_gather(i, b):
            pltpu.make_async_copy(y_hbm.at[src_v.at[i]], bufs[b],
                                  gsems[b]).wait()

        def scatter(i, b):
            pltpu.async_copy(bufs[b], acc_sh.at[dst_v.at[i]], ssems[b],
                             add=True)

        def wait_scatter(i, b):
            pltpu.make_async_copy(bufs[b], acc_sh.at[dst_v.at[i]],
                                  ssems[b]).wait()

        _run_edge_pipeline(CPWS, gather, wait_gather, scatter, wait_scatter)

        plsc.subcore_barrier()
        pltpu.sync_copy(acc_sh.at[pl.ds(s * RPS, RPS)],
                        out_hbm.at[pl.ds(s * RPS, RPS),
                                   pl.ds(c * Wc, Wc)])

    return k(yr, src3d, dst3d)


def _sc_edge_agg_es(yr, src3d, dst3d):
    Wc = yr.shape[1]
    mesh = plsc.VectorSubcoreMesh(core_axis_name="c", subcore_axis_name="s")

    @functools.partial(
        pl.kernel,
        out_type=jax.ShapeDtypeStruct((N_ACC, 128), jnp.float32),
        mesh=mesh,
        compiler_params=_SC_PARAMS,
        scratch_types=[
            pltpu.VMEM((CPW2, ACH), jnp.int32),
            pltpu.VMEM((CPW2, ACH), jnp.int32),
            [pltpu.VMEM((ACH, Wc), jnp.float32) for _ in range(NBUF)],
            pltpu.VMEM((ZROWS, Wc), jnp.float32),
            pltpu.VMEM_SHARED((N_ACC, Wc), jnp.float32),
            [pltpu.SemaphoreType.DMA for _ in range(NBUF)],
            [pltpu.SemaphoreType.DMA for _ in range(NBUF)],
        ],
    )
    def k(y_hbm, src_hbm, dst_hbm, out_hbm, src_v, dst_v, bufs,
          zeros_v, acc_sh, gsems, ssems):
        c = lax.axis_index("c")
        s = lax.axis_index("s")
        w = s * NC + c

        @pl.loop(0, ZROWS)
        def _(i):
            @pl.loop(0, Wc, step=16)
            def _(j):
                zeros_v[i, pl.ds(j, 16)] = jnp.zeros((16,), jnp.float32)

        @pl.loop(0, RPS, step=ZROWS)
        def _(r):
            pltpu.sync_copy(zeros_v, acc_sh.at[pl.ds(s * RPS + r, ZROWS)])

        plsc.subcore_barrier()

        pltpu.sync_copy(src_hbm.at[w], src_v)
        pltpu.sync_copy(dst_hbm.at[w], dst_v)

        @pl.loop(0, CPW2)
        def _(i):
            @pl.loop(0, ACH, step=16)
            def _(j):
                v = src_v[i, pl.ds(j, 16)]
                src_v[i, pl.ds(j, 16)] = v * 2

        def gather(i, b):
            pltpu.async_copy(y_hbm.at[src_v.at[i]], bufs[b], gsems[b])

        def wait_gather(i, b):
            pltpu.make_async_copy(y_hbm.at[src_v.at[i]], bufs[b],
                                  gsems[b]).wait()

        def scatter(i, b):
            pltpu.async_copy(bufs[b], acc_sh.at[dst_v.at[i]], ssems[b],
                             add=True)

        def wait_scatter(i, b):
            pltpu.make_async_copy(bufs[b], acc_sh.at[dst_v.at[i]],
                                  ssems[b]).wait()

        _run_edge_pipeline(CPW2, gather, wait_gather, scatter, wait_scatter)

        plsc.subcore_barrier()
        pltpu.sync_copy(acc_sh.at[pl.ds(s * RPS, RPS)],
                        out_hbm.at[pl.ds(s * RPS, RPS),
                                   pl.ds(c * Wc, Wc)])

    return k(yr, src3d, dst3d)


def _tc_matmul1(x, W1):
    def body(x_ref, w_ref, o_ref):
        o_ref[...] = jnp.dot(x_ref[...], w_ref[...],
                             preferred_element_type=jnp.float32)

    return pl.pallas_call(
        body,
        grid=(N // BR,),
        in_specs=[
            pl.BlockSpec((BR, D), lambda i: (i, 0)),
            pl.BlockSpec((D, H), lambda i: (0, 0)),
        ],
        out_specs=pl.BlockSpec((BR, H), lambda i: (i, 0)),
        out_shape=jax.ShapeDtypeStruct((N, H), jnp.float32),
    )(x, W1)


def _tc_layer1(xw, degp0, degp1):
    def body(xw_ref, d0_ref, d1_ref, y_ref, dinv_ref):
        deg = d0_ref[...] + d1_ref[...] + 1.0
        dinv = lax.rsqrt(deg)
        y_ref[...] = xw_ref[...] * dinv
        dinv_ref[...] = jnp.broadcast_to(dinv, (BR, H))

    return pl.pallas_call(
        body,
        grid=(N // BR,),
        in_specs=[
            pl.BlockSpec((BR, H), lambda i: (i, 0)),
            pl.BlockSpec((BR, 1), lambda i: (i, 0)),
            pl.BlockSpec((BR, 1), lambda i: (i, 0)),
        ],
        out_specs=[
            pl.BlockSpec((BR, H), lambda i: (i, 0)),
            pl.BlockSpec((BR, H), lambda i: (i, 0)),
        ],
        out_shape=[
            jax.ShapeDtypeStruct((N, H), jnp.float32),
            jax.ShapeDtypeStruct((N, H), jnp.float32),
        ],
    )(xw, degp0, degp1)


def _tc_layer2(y1, aggp, dinvb, b1r, W2):
    def body(y_ref, p_ref, dinv_ref, b_ref, w_ref, y2_ref):
        dinv = dinv_ref[...]
        agg = p_ref[...] + y_ref[...]
        h = jnp.maximum(dinv * agg + b_ref[...], 0.0)
        hw = jnp.dot(h, w_ref[...], preferred_element_type=jnp.float32)
        y2 = hw * dinv[:, :C]
        y2_ref[...] = jnp.concatenate([y2, y2], axis=1)

    return pl.pallas_call(
        body,
        grid=(N // BR,),
        in_specs=[
            pl.BlockSpec((BR, H), lambda i: (i, 0)),
            pl.BlockSpec((BR, H), lambda i: (i, 0)),
            pl.BlockSpec((BR, H), lambda i: (i, 0)),
            pl.BlockSpec((1, H), lambda i: (0, 0)),
            pl.BlockSpec((H, C), lambda i: (0, 0)),
        ],
        out_specs=pl.BlockSpec((BR, H), lambda i: (i, 0)),
        out_shape=jax.ShapeDtypeStruct((N, H), jnp.float32),
    )(y1, aggp, dinvb, b1r, W2)


def _tc_layer3(y2w, aggp, dinvb, b2r):
    def body(y_ref, p_ref, dinv_ref, b_ref, o_ref):
        p = p_ref[...]
        agg = p[:, :C] + p[:, C:] + y_ref[...][:, :C]
        o = dinv_ref[...][:, :C] * agg + b_ref[...]
        m = jnp.max(o, axis=1, keepdims=True)
        lse = jnp.log(jnp.sum(jnp.exp(o - m), axis=1, keepdims=True)) + m
        o_ref[...] = o - lse

    return pl.pallas_call(
        body,
        grid=(N // BR,),
        in_specs=[
            pl.BlockSpec((BR, H), lambda i: (i, 0)),
            pl.BlockSpec((BR, H), lambda i: (i, 0)),
            pl.BlockSpec((BR, H), lambda i: (i, 0)),
            pl.BlockSpec((1, C), lambda i: (0, 0)),
        ],
        out_specs=pl.BlockSpec((BR, C), lambda i: (i, 0)),
        out_shape=jax.ShapeDtypeStruct((N, C), jnp.float32),
    )(y2w, aggp, dinvb, b2r)


def kernel(x, edge_index, W1, b1, W2, b2):
    pad_n = E_PAD - E
    pad_iota = np.arange(pad_n, dtype=np.int32)
    dst_deg3d = edge_index[1].reshape(NW, CPW, CHUNK)
    src3d = jnp.concatenate(
        [edge_index[0], jnp.asarray(pad_iota % N)]).reshape(NS, CPWS, ACH)
    dst3d = jnp.concatenate(
        [edge_index[1],
         jnp.asarray(N + pad_iota % N_PAD_ROWS)]).reshape(NS, CPWS, ACH)

    degp = _sc_degree(dst_deg3d)
    degp0 = degp[0, :N].reshape(N, 1)
    degp1 = degp[1, :N].reshape(N, 1)

    xw = _tc_matmul1(x, W1)
    y1, dinvb = _tc_layer1(xw, degp0, degp1)
    aggp1 = _sc_edge_agg(y1.reshape(2 * N, H // 2), src3d, dst3d)
    y2w = _tc_layer2(y1, aggp1, dinvb, b1.reshape(1, H), W2)
    aggp2 = _sc_edge_agg_es(y2w.reshape(2 * N, C),
                            src3d.reshape(NW, CPW2, ACH),
                            dst3d.reshape(NW, CPW2, ACH))
    return _tc_layer3(y2w, aggp2, dinvb, b2.reshape(1, C))

# --- scband reference (transcript-rebuilt; emitter-appended) ---
"""Pipeline reference for scband-gcn-5514738008402 (READ-ONLY COPY).

The authoritative reference and input builder live on the scoring server;
editing this copy changes nothing except your own understanding.
"""

import jax, jax.numpy as jnp
import numpy as np

N = 10000
E = 320000
D = 128
H = 128
C = 64


def setup_inputs(seed: int = 0) -> dict:
    key = jax.random.key(seed)
    k1, k2, k3, k4, k5, k6 = jax.random.split(key, 6)
    x = jax.random.normal(k1, (N, D), dtype=jnp.float32)
    edge_index = jax.random.randint(k2, (2, E), 0, N, dtype=jnp.int32)
    W1 = jax.random.normal(k3, (D, H), dtype=jnp.float32) * (1.0 / np.sqrt(D))
    b1 = jnp.zeros((H,), dtype=jnp.float32)
    W2 = jax.random.normal(k4, (H, C), dtype=jnp.float32) * (1.0 / np.sqrt(H))
    b2 = jnp.zeros((C,), dtype=jnp.float32)
    return {"x": x, "edge_index": edge_index, "W1": W1, "b1": b1, "W2": W2, "b2": b2}


def _gcn_conv(x, W, b, src, dst, n):
    # GCNConv: x' = D^{-1/2} (A + I) D^{-1/2} (x W) + b  (self-loops already appended)
    xw = x @ W
    ones = jnp.ones(src.shape[0], dtype=xw.dtype)
    deg = jnp.zeros((n,), dtype=xw.dtype).at[dst].add(ones)
    dinv = jnp.where(deg > 0, 1.0 / jnp.sqrt(deg), 0.0)
    norm = dinv[src] * dinv[dst]
    msg = xw[src] * norm[:, None]
    out = jnp.zeros((n, W.shape[1]), dtype=xw.dtype).at[dst].add(msg)
    return out + b


def reference(x, edge_index, W1, b1, W2, b2):
    n = x.shape[0]
    loops = jnp.arange(n, dtype=edge_index.dtype)
    src = jnp.concatenate([edge_index[0], loops])
    dst = jnp.concatenate([edge_index[1], loops])
    h = _gcn_conv(x, W1, b1, src, dst, n)
    h = jax.nn.relu(h)
    # F.dropout with training=False is identity (eval mode)
    h = _gcn_conv(h, W2, b2, src, dst, n)
    return jax.nn.log_softmax(h, axis=1)

if __name__ == "__main__":
    import jax
    _d = setup_inputs()
    print(jax.jit(kernel)(*tuple(_d.values())))

</pallas_src>

<mosaic_0001>
#map = affine_map<(d0, d1) -> (0, 0)>
#map1 = affine_map<(d0, d1) -> (0, 0, 0)>
module attributes {stable_mosaic.version = 14 : i64} {
  func.func @k(%arg0: i32, %arg1: i32, %arg2: memref<20000x64xf32, #tpu.memory_space<hbm>>, %arg3: memref<32x80x128xi32, #tpu.memory_space<hbm>>, %arg4: memref<32x80x128xi32, #tpu.memory_space<hbm>>, %arg5: memref<10240x128xf32, #tpu.memory_space<hbm>>, %arg6: memref<80x128xi32, #tpu.memory_space<vmem>>, %arg7: memref<80x128xi32, #tpu.memory_space<vmem>>, %arg8: memref<128x64xf32, #tpu.memory_space<vmem>>, %arg9: memref<128x64xf32, #tpu.memory_space<vmem>>, %arg10: memref<128x64xf32, #tpu.memory_space<vmem>>, %arg11: memref<128x64xf32, #tpu.memory_space<vmem>>, %arg12: memref<128x64xf32, #tpu.memory_space<vmem>>, %arg13: memref<64x64xf32, #tpu.memory_space<vmem>>, %arg14: memref<10240x64xf32, #tpu.memory_space<vmem_shared>>, %arg15: memref<!tpu.dma_semaphore, #tpu.memory_space<semaphore_mem>>, %arg16: memref<!tpu.dma_semaphore, #tpu.memory_space<semaphore_mem>>, %arg17: memref<!tpu.dma_semaphore, #tpu.memory_space<semaphore_mem>>, %arg18: memref<!tpu.dma_semaphore, #tpu.memory_space<semaphore_mem>>, %arg19: memref<!tpu.dma_semaphore, #tpu.memory_space<semaphore_mem>>, %arg20: memref<!tpu.dma_semaphore, #tpu.memory_space<semaphore_mem>>, %arg21: memref<!tpu.dma_semaphore, #tpu.memory_space<semaphore_mem>>, %arg22: memref<!tpu.dma_semaphore, #tpu.memory_space<semaphore_mem>>, %arg23: memref<!tpu.dma_semaphore, #tpu.memory_space<semaphore_mem>>, %arg24: memref<!tpu.dma_semaphore, #tpu.memory_space<semaphore_mem>>) attributes {dimension_semantics = [#tpu.dimension_semantics<core_parallel>, #tpu.dimension_semantics<subcore_parallel>], iteration_bounds = array<i64: 2, 16>, scalar_prefetch = 0 : i64, scratch_operands = 19 : i64, tpu.core_type = #tpu.core_type<sc_vector_subcore>, window_params = [{transform_indices = #map}, {transform_indices = #map1}, {transform_indices = #map1}, {transform_indices = #map}]} {
    %mul3A = arith.constant 2 : i32
    %mul3A_0 = arith.muli %arg1, %mul3A : i32
    %add3A = arith.addi %mul3A_0, %arg0 : i32
    %scan3A = arith.constant 0 : i32
    %scan3A_1 = arith.constant 64 : i32
    %scan3A_2 = arith.addi %scan3A, %scan3A_1 : i32
    %scan3A_3 = arith.constant 1 : i32
    scf.for %scan3A_165 = %scan3A to %scan3A_2 step %scan3A_3  : i32 {
      %mul3A_166 = arith.constant 1 : i32
      %mul3A_167 = arith.muli %scan3A_165, %mul3A_166 : i32
      %add3A_168 = arith.constant 0 : i32
      %add3A_169 = arith.addi %add3A_168, %mul3A_167 : i32
      %scan3A_170 = arith.constant 0 : i32
      %scan3A_171 = arith.constant 4 : i32
      %scan3A_172 = arith.addi %scan3A_170, %scan3A_171 : i32
      %scan3A_173 = arith.constant 1 : i32
      scf.for %scan3A_175 = %scan3A_170 to %scan3A_172 step %scan3A_173  : i32 {
        %mul3A_176 = arith.constant 16 : i32
        %mul3A_177 = arith.muli %scan3A_175, %mul3A_176 : i32
        %add3A_178 = arith.constant 0 : i32
        %add3A_179 = arith.addi %add3A_178, %mul3A_177 : i32
        %broadcast_in_dim3A = arith.constant 0.000000e+00 : f32
        %broadcast_in_dim3A_180 = vector.broadcast %broadcast_in_dim3A : f32 to vector<16xf32>
        %swap3A = arith.index_cast %add3A_169 : i32 to index
        %swap3A_181 = arith.index_cast %add3A_179 : i32 to index
        %swap3A_182 = tpu.vector_load %arg13[%swap3A, %swap3A_181] {strides = array<i32>} : memref<64x64xf32, #tpu.memory_space<vmem>>, vector<1x16xf32>,
        %swap3A_183 = vector.shape_cast %swap3A_182 : vector<1x16xf32> to vector<16xf32>
        %swap3A_184 = vector.shape_cast %broadcast_in_dim3A_180 : vector<16xf32> to vector<1x16xf32>
        tpu.vector_store %arg13[%swap3A, %swap3A_181], %swap3A_184 {strides = array<i32>} : memref<64x64xf32, #tpu.memory_space<vmem>>, vector<1x16xf32>,
      }
      %scan3A_174 = arith.constant 4 : i32
    }
    %scan3A_4 = arith.constant 64 : i32
    %scan3A_5 = arith.constant 0 : i32
    %scan3A_6 = arith.constant 10 : i32
    %scan3A_7 = arith.addi %scan3A_5, %scan3A_6 : i32
    %scan3A_8 = arith.constant 1 : i32
    scf.for %scan3A_165 = %scan3A_5 to %scan3A_7 step %scan3A_8  : i32 {
      %mul3A_166 = arith.constant 64 : i32
      %mul3A_167 = arith.muli %scan3A_165, %mul3A_166 : i32
      %add3A_168 = arith.constant 0 : i32
      %add3A_169 = arith.addi %add3A_168, %mul3A_167 : i32
      %mul3A_170 = arith.constant 640 : i32
      %mul3A_171 = arith.muli %arg1, %mul3A_170 : i32
      %add3A_172 = arith.addi %mul3A_171, %add3A_169 : i32
      "tpu.region"() ({
        %run_scoped3A = tpu.sem_alloc : memref<!tpu.dma_semaphore, #tpu.memory_space<semaphore_mem>>
        %dma_start3A_173 = arith.constant 0 : i32
        %dma_start3A_174 = tpu.memref_slice %arg14[%add3A_172, %dma_start3A_173] : memref<10240x64xf32, #tpu.memory_space<vmem_shared>> -> memref<64x64xf32, #tpu.memory_space<vmem_shared>>
        %dma_start3A_175 = arith.constant 0 : i32
        %dma_start3A_176 = tpu.memref_slice %arg14[%add3A_172, %dma_start3A_175] : memref<10240x64xf32, #tpu.memory_space<vmem_shared>> -> memref<64x64xf32, #tpu.memory_space<vmem_shared>>
        tpu.enqueue_dma source(%arg13 : memref<64x64xf32, #tpu.memory_space<vmem>>) target(%dma_start3A_176 : memref<64x64xf32, #tpu.memory_space<vmem_shared>>) target_semaphore(%run_scoped3A : memref<!tpu.dma_semaphore, #tpu.memory_space<semaphore_mem>>)
        %dma_wait3A_177 = arith.constant 0 : i32
        %dma_wait3A_178 = tpu.memref_slice %arg14[%add3A_172, %dma_wait3A_177] : memref<10240x64xf32, #tpu.memory_space<vmem_shared>> -> memref<64x64xf32, #tpu.memory_space<vmem_shared>>
        %dma_wait3A_179 = arith.constant 0 : i32
        %dma_wait3A_180 = tpu.memref_slice %arg14[%add3A_172, %dma_wait3A_179] : memref<10240x64xf32, #tpu.memory_space<vmem_shared>> -> memref<64x64xf32, #tpu.memory_space<vmem_shared>>
        tpu.wait_dma2 semaphore(%run_scoped3A : memref<!tpu.dma_semaphore, #tpu.memory_space<semaphore_mem>>) src(%arg13 : memref<64x64xf32, #tpu.memory_space<vmem>>) dst(%dma_wait3A_180 : memref<64x64xf32, #tpu.memory_space<vmem_shared>>)
        tpu.yield
      }) : () -> ()
    }
    %scan3A_9 = arith.constant 10 : i32
    %barrier3A = arith.constant 0 : index
    tpu.barrier barrier_id(%barrier3A)
    "tpu.region"() ({
      %run_scoped3A = tpu.sem_alloc : memref<!tpu.dma_semaphore, #tpu.memory_space<semaphore_mem>>
      %dma_start3A_165 = arith.constant 0 : i32
      %dma_start3A_166 = arith.constant 0 : i32
      %dma_start3A_167 = tpu.memref_slice %arg3[%add3A, %dma_start3A_165, %dma_start3A_166] : memref<32x80x128xi32, #tpu.memory_space<hbm>> -> memref<1x80x128xi32, #tpu.memory_space<hbm>>
      %dma_start3A_168 = tpu.memref_squeeze %dma_start3A_167 : memref<1x80x128xi32, #tpu.memory_space<hbm>> -> memref<80x128xi32, #tpu.memory_space<hbm>>
      %dma_start3A_169 = arith.constant 0 : i32
      %dma_start3A_170 = arith.constant 0 : i32
      %dma_start3A_171 = tpu.memref_slice %arg3[%add3A, %dma_start3A_169, %dma_start3A_170] : memref<32x80x128xi32, #tpu.memory_space<hbm>> -> memref<1x80x128xi32, #tpu.memory_space<hbm>>
      %dma_start3A_172 = tpu.memref_squeeze %dma_start3A_171 : memref<1x80x128xi32, #tpu.memory_space<hbm>> -> memref<80x128xi32, #tpu.memory_space<hbm>>
      tpu.enqueue_dma source(%dma_start3A_172 : memref<80x128xi32, #tpu.memory_space<hbm>>) target(%arg6 : memref<80x128xi32, #tpu.memory_space<vmem>>) target_semaphore(%run_scoped3A : memref<!tpu.dma_semaphore, #tpu.memory_space<semaphore_mem>>)
      %dma_wait3A_173 = arith.constant 0 : i32
      %dma_wait3A_174 = arith.constant 0 : i32
      %dma_wait3A_175 = tpu.memref_slice %arg3[%add3A, %dma_wait3A_173, %dma_wait3A_174] : memref<32x80x128xi32, #tpu.memory_space<hbm>> -> memref<1x80x128xi32, #tpu.memory_space<hbm>>
      %dma_wait3A_176 = tpu.memref_squeeze %dma_wait3A_175 : memref<1x80x128xi32, #tpu.memory_space<hbm>> -> memref<80x128xi32, #tpu.memory_space<hbm>>
      %dma_wait3A_177 = arith.constant 0 : i32
      %dma_wait3A_178 = arith.constant 0 : i32
      %dma_wait3A_179 = tpu.memref_slice %arg3[%add3A, %dma_wait3A_177, %dma_wait3A_178] : memref<32x80x128xi32, #tpu.memory_space<hbm>> -> memref<1x80x128xi32, #tpu.memory_space<hbm>>
      %dma_wait3A_180 = tpu.memref_squeeze %dma_wait3A_179 : memref<1x80x128xi32, #tpu.memory_space<hbm>> -> memref<80x128xi32, #tpu.memory_space<hbm>>
      tpu.wait_dma2 semaphore(%run_scoped3A : memref<!tpu.dma_semaphore, #tpu.memory_space<semaphore_mem>>) src(%dma_wait3A_180 : memref<80x128xi32, #tpu.memory_space<hbm>>) dst(%arg6 : memref<80x128xi32, #tpu.memory_space<vmem>>)
      tpu.yield
    }) : () -> ()
    "tpu.region"() ({
      %run_scoped3A = tpu.sem_alloc : memref<!tpu.dma_semaphore, #tpu.memory_space<semaphore_mem>>
      %dma_start3A_165 = arith.constant 0 : i32
      %dma_start3A_166 = arith.constant 0 : i32
      %dma_start3A_167 = tpu.memref_slice %arg4[%add3A, %dma_start3A_165, %dma_start3A_166] : memref<32x80x128xi32, #tpu.memory_space<hbm>> -> memref<1x80x128xi32, #tpu.memory_space<hbm>>
      %dma_start3A_168 = tpu.memref_squeeze %dma_start3A_167 : memref<1x80x128xi32, #tpu.memory_space<hbm>> -> memref<80x128xi32, #tpu.memory_space<hbm>>
      %dma_start3A_169 = arith.constant 0 : i32
      %dma_start3A_170 = arith.constant 0 : i32
      %dma_start3A_171 = tpu.memref_slice %arg4[%add3A, %dma_start3A_169, %dma_start3A_170] : memref<32x80x128xi32, #tpu.memory_space<hbm>> -> memref<1x80x128xi32, #tpu.memory_space<hbm>>
      %dma_start3A_172 = tpu.memref_squeeze %dma_start3A_171 : memref<1x80x128xi32, #tpu.memory_space<hbm>> -> memref<80x128xi32, #tpu.memory_space<hbm>>
      tpu.enqueue_dma source(%dma_start3A_172 : memref<80x128xi32, #tpu.memory_space<hbm>>) target(%arg7 : memref<80x128xi32, #tpu.memory_space<vmem>>) target_semaphore(%run_scoped3A : memref<!tpu.dma_semaphore, #tpu.memory_space<semaphore_mem>>)
      %dma_wait3A_173 = arith.constant 0 : i32
      %dma_wait3A_174 = arith.constant 0 : i32
      %dma_wait3A_175 = tpu.memref_slice %arg4[%add3A, %dma_wait3A_173, %dma_wait3A_174] : memref<32x80x128xi32, #tpu.memory_space<hbm>> -> memref<1x80x128xi32, #tpu.memory_space<hbm>>
      %dma_wait3A_176 = tpu.memref_squeeze %dma_wait3A_175 : memref<1x80x128xi32, #tpu.memory_space<hbm>> -> memref<80x128xi32, #tpu.memory_space<hbm>>
      %dma_wait3A_177 = arith.constant 0 : i32
      %dma_wait3A_178 = arith.constant 0 : i32
      %dma_wait3A_179 = tpu.memref_slice %arg4[%add3A, %dma_wait3A_177, %dma_wait3A_178] : memref<32x80x128xi32, #tpu.memory_space<hbm>> -> memref<1x80x128xi32, #tpu.memory_space<hbm>>
      %dma_wait3A_180 = tpu.memref_squeeze %dma_wait3A_179 : memref<1x80x128xi32, #tpu.memory_space<hbm>> -> memref<80x128xi32, #tpu.memory_space<hbm>>
      tpu.wait_dma2 semaphore(%run_scoped3A : memref<!tpu.dma_semaphore, #tpu.memory_space<semaphore_mem>>) src(%dma_wait3A_180 : memref<80x128xi32, #tpu.memory_space<hbm>>) dst(%arg7 : memref<80x128xi32, #tpu.memory_space<vmem>>)
      tpu.yield
    }) : () -> ()
    %scan3A_10 = arith.constant 0 : i32
    %scan3A_11 = arith.constant 80 : i32
    %scan3A_12 = arith.addi %scan3A_10, %scan3A_11 : i32
    %scan3A_13 = arith.constant 1 : i32
    scf.for %scan3A_165 = %scan3A_10 to %scan3A_12 step %scan3A_13  : i32 {
      %mul3A_166 = arith.constant 1 : i32
      %mul3A_167 = arith.muli %scan3A_165, %mul3A_166 : i32
      %add3A_168 = arith.constant 0 : i32
      %add3A_169 = arith.addi %add3A_168, %mul3A_167 : i32
      %scan3A_170 = arith.constant 0 : i32
      %scan3A_171 = arith.constant 8 : i32
      %scan3A_172 = arith.addi %scan3A_170, %scan3A_171 : i32
      %scan3A_173 = arith.constant 1 : i32
      scf.for %scan3A_175 = %scan3A_170 to %scan3A_172 step %scan3A_173  : i32 {
        %mul3A_176 = arith.constant 16 : i32
        %mul3A_177 = arith.muli %scan3A_175, %mul3A_176 : i32
        %add3A_178 = arith.constant 0 : i32
        %add3A_179 = arith.addi %add3A_178, %mul3A_177 : i32
        %get3A = arith.index_cast %add3A_169 : i32 to index
        %get3A_180 = arith.index_cast %add3A_179 : i32 to index
        %get3A_181 = tpu.vector_load %arg6[%get3A, %get3A_180] {strides = array<i32>} : memref<80x128xi32, #tpu.memory_space<vmem>>, vector<1x16xi32>,
        %get3A_182 = vector.shape_cast %get3A_181 : vector<1x16xi32> to vector<16xi32>
        %mul3A_183 = arith.constant 2 : i32
        %mul3A_184 = vector.broadcast %mul3A_183 : i32 to vector<16xi32>
        %mul3A_185 = arith.muli %get3A_182, %mul3A_184 : vector<16xi32>
        %swap3A = arith.index_cast %add3A_169 : i32 to index
        %swap3A_186 = arith.index_cast %add3A_179 : i32 to index
        %swap3A_187 = tpu.vector_load %arg6[%swap3A, %swap3A_186] {strides = array<i32>} : memref<80x128xi32, #tpu.memory_space<vmem>>, vector<1x16xi32>,
        %swap3A_188 = vector.shape_cast %swap3A_187 : vector<1x16xi32> to vector<16xi32>
        %swap3A_189 = vector.shape_cast %mul3A_185 : vector<16xi32> to vector<1x16xi32>
        tpu.vector_store %arg6[%swap3A, %swap3A_186], %swap3A_189 {strides = array<i32>} : memref<80x128xi32, #tpu.memory_space<vmem>>, vector<1x16xi32>,
      }
      %scan3A_174 = arith.constant 8 : i32
    }
    %scan3A_14 = arith.constant 80 : i32
    %dma_start3A = arith.constant 0 : i32
    %dma_start3A_15 = arith.constant 0 : i32
    %dma_start3A_16 = tpu.memref_slice %arg6[%dma_start3A, %dma_start3A_15] : memref<80x128xi32, #tpu.memory_space<vmem>> -> memref<1x128xi32, #tpu.memory_space<vmem>>
    %dma_start3A_17 = tpu.memref_squeeze %dma_start3A_16 : memref<1x128xi32, #tpu.memory_space<vmem>> -> memref<128xi32, #tpu.memory_space<vmem>>
    %dma_start3A_18 = arith.constant 0 : i32
    %dma_start3A_19 = arith.constant 0 : i32
    %dma_start3A_20 = tpu.memref_slice %arg2[%dma_start3A_18, %dma_start3A_19] : memref<20000x64xf32, #tpu.memory_space<hbm>> -> memref<20000x64xf32, #tpu.memory_space<hbm>>
    tpu.enqueue_indirect_dma source(%dma_start3A_20 : memref<20000x64xf32, #tpu.memory_space<hbm>>) target(%arg8 : memref<128x64xf32, #tpu.memory_space<vmem>>) offsets(%dma_start3A_17 : memref<128xi32, #tpu.memory_space<vmem>>) semaphore(%arg15 : memref<!tpu.dma_semaphore, #tpu.memory_space<semaphore_mem>>)
    %dma_start3A_21 = arith.constant 1 : i32
    %dma_start3A_22 = arith.constant 0 : i32
    %dma_start3A_23 = tpu.memref_slice %arg6[%dma_start3A_21, %dma_start3A_22] : memref<80x128xi32, #tpu.memory_space<vmem>> -> memref<1x128xi32, #tpu.memory_space<vmem>>
    %dma_start3A_24 = tpu.memref_squeeze %dma_start3A_23 : memref<1x128xi32, #tpu.memory_space<vmem>> -> memref<128xi32, #tpu.memory_space<vmem>>
    %dma_start3A_25 = arith.constant 0 : i32
    %dma_start3A_26 = arith.constant 0 : i32
    %dma_start3A_27 = tpu.memref_slice %arg2[%dma_start3A_25, %dma_start3A_26] : memref<20000x64xf32, #tpu.memory_space<hbm>> -> memref<20000x64xf32, #tpu.memory_space<hbm>>
    tpu.enqueue_indirect_dma source(%dma_start3A_27 : memref<20000x64xf32, #tpu.memory_space<hbm>>) target(%arg9 : memref<128x64xf32, #tpu.memory_space<vmem>>) offsets(%dma_start3A_24 : memref<128xi32, #tpu.memory_space<vmem>>) semaphore(%arg16 : memref<!tpu.dma_semaphore, #tpu.memory_space<semaphore_mem>>)
    %dma_start3A_28 = arith.constant 2 : i32
    %dma_start3A_29 = arith.constant 0 : i32
    %dma_start3A_30 = tpu.memref_slice %arg6[%dma_start3A_28, %dma_start3A_29] : memref<80x128xi32, #tpu.memory_space<vmem>> -> memref<1x128xi32, #tpu.memory_space<vmem>>
    %dma_start3A_31 = tpu.memref_squeeze %dma_start3A_30 : memref<1x128xi32, #tpu.memory_space<vmem>> -> memref<128xi32, #tpu.memory_space<vmem>>
    %dma_start3A_32 = arith.constant 0 : i32
    %dma_start3A_33 = arith.constant 0 : i32
    %dma_start3A_34 = tpu.memref_slice %arg2[%dma_start3A_32, %dma_start3A_33] : memref<20000x64xf32, #tpu.memory_space<hbm>> -> memref<20000x64xf32, #tpu.memory_space<hbm>>
    tpu.enqueue_indirect_dma source(%dma_start3A_34 : memref<20000x64xf32, #tpu.memory_space<hbm>>) target(%arg10 : memref<128x64xf32, #tpu.memory_space<vmem>>) offsets(%dma_start3A_31 : memref<128xi32, #tpu.memory_space<vmem>>) semaphore(%arg17 : memref<!tpu.dma_semaphore, #tpu.memory_space<semaphore_mem>>)
    %dma_start3A_35 = arith.constant 3 : i32
    %dma_start3A_36 = arith.constant 0 : i32
    %dma_start3A_37 = tpu.memref_slice %arg6[%dma_start3A_35, %dma_start3A_36] : memref<80x128xi32, #tpu.memory_space<vmem>> -> memref<1x128xi32, #tpu.memory_space<vmem>>
    %dma_start3A_38 = tpu.memref_squeeze %dma_start3A_37 : memref<1x128xi32, #tpu.memory_space<vmem>> -> memref<128xi32, #tpu.memory_space<vmem>>
    %dma_start3A_39 = arith.constant 0 : i32
    %dma_start3A_40 = arith.constant 0 : i32
    %dma_start3A_41 = tpu.memref_slice %arg2[%dma_start3A_39, %dma_start3A_40] : memref<20000x64xf32, #tpu.memory_space<hbm>> -> memref<20000x64xf32, #tpu.memory_space<hbm>>
    tpu.enqueue_indirect_dma source(%dma_start3A_41 : memref<20000x64xf32, #tpu.memory_space<hbm>>) target(%arg11 : memref<128x64xf32, #tpu.memory_space<vmem>>) offsets(%dma_start3A_38 : memref<128xi32, #tpu.memory_space<vmem>>) semaphore(%arg18 : memref<!tpu.dma_semaphore, #tpu.memory_space<semaphore_mem>>)
    %dma_start3A_42 = arith.constant 4 : i32
    %dma_start3A_43 = arith.constant 0 : i32
    %dma_start3A_44 = tpu.memref_slice %arg6[%dma_start3A_42, %dma_start3A_43] : memref<80x128xi32, #tpu.memory_space<vmem>> -> memref<1x128xi32, #tpu.memory_space<vmem>>
    %dma_start3A_45 = tpu.memref_squeeze %dma_start3A_44 : memref<1x128xi32, #tpu.memory_space<vmem>> -> memref<128xi32, #tpu.memory_space<vmem>>
    %dma_start3A_46 = arith.constant 0 : i32
    %dma_start3A_47 = arith.constant 0 : i32
    %dma_start3A_48 = tpu.memref_slice %arg2[%dma_start3A_46, %dma_start3A_47] : memref<20000x64xf32, #tpu.memory_space<hbm>> -> memref<20000x64xf32, #tpu.memory_space<hbm>>
    tpu.enqueue_indirect_dma source(%dma_start3A_48 : memref<20000x64xf32, #tpu.memory_space<hbm>>) target(%arg12 : memref<128x64xf32, #tpu.memory_space<vmem>>) offsets(%dma_start3A_45 : memref<128xi32, #tpu.memory_space<vmem>>) semaphore(%arg19 : memref<!tpu.dma_semaphore, #tpu.memory_space<semaphore_mem>>)
    %scan3A_49 = arith.constant 0 : i32
    %scan3A_50 = arith.constant 15 : i32
    %scan3A_51 = arith.addi %scan3A_49, %scan3A_50 : i32
    %scan3A_52 = arith.constant 1 : i32
    scf.for %scan3A_165 = %scan3A_49 to %scan3A_51 step %scan3A_52  : i32 {
      %mul3A_166 = arith.constant 5 : i32
      %mul3A_167 = arith.muli %scan3A_165, %mul3A_166 : i32
      %add3A_168 = arith.constant 0 : i32
      %add3A_169 = arith.addi %add3A_168, %mul3A_167 : i32
      %add3A_170 = arith.constant 0 : i32
      %add3A_171 = arith.addi %add3A_169, %add3A_170 : i32
      %dma_wait3A_172 = arith.constant 0 : i32
      %dma_wait3A_173 = tpu.memref_slice %arg6[%add3A_171, %dma_wait3A_172] : memref<80x128xi32, #tpu.memory_space<vmem>> -> memref<1x128xi32, #tpu.memory_space<vmem>>
      %dma_wait3A_174 = tpu.memref_squeeze %dma_wait3A_173 : memref<1x128xi32, #tpu.memory_space<vmem>> -> memref<128xi32, #tpu.memory_space<vmem>>
      %dma_wait3A_175 = arith.constant 0 : i32
      %dma_wait3A_176 = arith.constant 0 : i32
      %dma_wait3A_177 = tpu.memref_slice %arg2[%dma_wait3A_175, %dma_wait3A_176] : memref<20000x64xf32, #tpu.memory_space<hbm>> -> memref<20000x64xf32, #tpu.memory_space<hbm>>
      tpu.wait_indirect_dma semaphore(%arg15 : memref<!tpu.dma_semaphore, #tpu.memory_space<semaphore_mem>>) src(%dma_wait3A_177 : memref<20000x64xf32, #tpu.memory_space<hbm>>) dst(%arg8 : memref<128x64xf32, #tpu.memory_space<vmem>>)
      %add3A_178 = arith.constant 0 : i32
      %add3A_179 = arith.addi %add3A_169, %add3A_178 : i32
      %dma_start3A_180 = arith.constant 0 : i32
      %dma_start3A_181 = tpu.memref_slice %arg7[%add3A_179, %dma_start3A_180] : memref<80x128xi32, #tpu.memory_space<vmem>> -> memref<1x128xi32, #tpu.memory_space<vmem>>
      %dma_start3A_182 = tpu.memref_squeeze %dma_start3A_181 : memref<1x128xi32, #tpu.memory_space<vmem>> -> memref<128xi32, #tpu.memory_space<vmem>>
      %dma_start3A_183 = arith.constant 0 : i32
      %dma_start3A_184 = arith.constant 0 : i32
      %dma_start3A_185 = tpu.memref_slice %arg14[%dma_start3A_183, %dma_start3A_184] : memref<10240x64xf32, #tpu.memory_space<vmem_shared>> -> memref<10240x64xf32, #tpu.memory_space<vmem_shared>>
      tpu.enqueue_indirect_dma source(%arg8 : memref<128x64xf32, #tpu.memory_space<vmem>>) target(%dma_start3A_185 : memref<10240x64xf32, #tpu.memory_space<vmem_shared>>) offsets(%dma_start3A_182 : memref<128xi32, #tpu.memory_space<vmem>>) semaphore(%arg20 : memref<!tpu.dma_semaphore, #tpu.memory_space<semaphore_mem>>) {add = true}
      %add3A_186 = arith.constant 1 : i32
      %add3A_187 = arith.addi %add3A_169, %add3A_186 : i32
      %dma_wait3A_188 = arith.constant 0 : i32
      %dma_wait3A_189 = tpu.memref_slice %arg6[%add3A_187, %dma_wait3A_188] : memref<80x128xi32, #tpu.memory_space<vmem>> -> memref<1x128xi32, #tpu.memory_space<vmem>>
      %dma_wait3A_190 = tpu.memref_squeeze %dma_wait3A_189 : memref<1x128xi32, #tpu.memory_space<vmem>> -> memref<128xi32, #tpu.memory_space<vmem>>
      %dma_wait3A_191 = arith.constant 0 : i32
      %dma_wait3A_192 = arith.constant 0 : i32
      %dma_wait3A_193 = tpu.memref_slice %arg2[%dma_wait3A_191, %dma_wait3A_192] : memref<20000x64xf32, #tpu.memory_space<hbm>> -> memref<20000x64xf32, #tpu.memory_space<hbm>>
      tpu.wait_indirect_dma semaphore(%arg16 : memref<!tpu.dma_semaphore, #tpu.memory_space<semaphore_mem>>) src(%dma_wait3A_193 : memref<20000x64xf32, #tpu.memory_space<hbm>>) dst(%arg9 : memref<128x64xf32, #tpu.memory_space<vmem>>)
      %add3A_194 = arith.constant 1 : i32
      %add3A_195 = arith.addi %add3A_169, %add3A_194 : i32
      %dma_start3A_196 = arith.constant 0 : i32
      %dma_start3A_197 = tpu.memref_slice %arg7[%add3A_195, %dma_start3A_196] : memref<80x128xi32, #tpu.memory_space<vmem>> -> memref<1x128xi32, #tpu.memory_space<vmem>>
      %dma_start3A_198 = tpu.memref_squeeze %dma_start3A_197 : memref<1x128xi32, #tpu.memory_space<vmem>> -> memref<128xi32, #tpu.memory_space<vmem>>
      %dma_start3A_199 = arith.constant 0 : i32
      %dma_start3A_200 = arith.constant 0 : i32
      %dma_start3A_201 = tpu.memref_slice %arg14[%dma_start3A_199, %dma_start3A_200] : memref<10240x64xf32, #tpu.memory_space<vmem_shared>> -> memref<10240x64xf32, #tpu.memory_space<vmem_shared>>
      tpu.enqueue_indirect_dma source(%arg9 : memref<128x64xf32, #tpu.memory_space<vmem>>) target(%dma_start3A_201 : memref<10240x64xf32, #tpu.memory_space<vmem_shared>>) offsets(%dma_start3A_198 : memref<128xi32, #tpu.memory_space<vmem>>) semaphore(%arg21 : memref<!tpu.dma_semaphore, #tpu.memory_space<semaphore_mem>>) {add = true}
      %add3A_202 = arith.constant 2 : i32
      %add3A_203 = arith.addi %add3A_169, %add3A_202 : i32
      %dma_wait3A_204 = arith.constant 0 : i32
      %dma_wait3A_205 = tpu.memref_slice %arg6[%add3A_203, %dma_wait3A_204] : memref<80x128xi32, #tpu.memory_space<vmem>> -> memref<1x128xi32, #tpu.memory_space<vmem>>
      %dma_wait3A_206 = tpu.memref_squeeze %dma_wait3A_205 : memref<1x128xi32, #tpu.memory_space<vmem>> -> memref<128xi32, #tpu.memory_space<vmem>>
      %dma_wait3A_207 = arith.constant 0 : i32
      %dma_wait3A_208 = arith.constant 0 : i32
      %dma_wait3A_209 = tpu.memref_slice %arg2[%dma_wait3A_207, %dma_wait3A_208] : memref<20000x64xf32, #tpu.memory_space<hbm>> -> memref<20000x64xf32, #tpu.memory_space<hbm>>
      tpu.wait_indirect_dma semaphore(%arg17 : memref<!tpu.dma_semaphore, #tpu.memory_space<semaphore_mem>>) src(%dma_wait3A_209 : memref<20000x64xf32, #tpu.memory_space<hbm>>) dst(%arg10 : memref<128x64xf32, #tpu.memory_space<vmem>>)
      %add3A_210 = arith.constant 2 : i32
      %add3A_211 = arith.addi %add3A_169, %add3A_210 : i32
      %dma_start3A_212 = arith.constant 0 : i32
      %dma_start3A_213 = tpu.memref_slice %arg7[%add3A_211, %dma_start3A_212] : memref<80x128xi32, #tpu.memory_space<vmem>> -> memref<1x128xi32, #tpu.memory_space<vmem>>
      %dma_start3A_214 = tpu.memref_squeeze %dma_start3A_213 : memref<1x128xi32, #tpu.memory_space<vmem>> -> memref<128xi32, #tpu.memory_space<vmem>>
      %dma_start3A_215 = arith.constant 0 : i32
      %dma_start3A_216 = arith.constant 0 : i32
      %dma_start3A_217 = tpu.memref_slice %arg14[%dma_start3A_215, %dma_start3A_216] : memref<10240x64xf32, #tpu.memory_space<vmem_shared>> -> memref<10240x64xf32, #tpu.memory_space<vmem_shared>>
      tpu.enqueue_indirect_dma source(%arg10 : memref<128x64xf32, #tpu.memory_space<vmem>>) target(%dma_start3A_217 : memref<10240x64xf32, #tpu.memory_space<vmem_shared>>) offsets(%dma_start3A_214 : memref<128xi32, #tpu.memory_space<vmem>>) semaphore(%arg22 : memref<!tpu.dma_semaphore, #tpu.memory_space<semaphore_mem>>) {add = true}
      %add3A_218 = arith.constant 3 : i32
      %add3A_219 = arith.addi %add3A_169, %add3A_218 : i32
      %dma_wait3A_220 = arith.constant 0 : i32
      %dma_wait3A_221 = tpu.memref_slice %arg6[%add3A_219, %dma_wait3A_220] : memref<80x128xi32, #tpu.memory_space<vmem>> -> memref<1x128xi32, #tpu.memory_space<vmem>>
      %dma_wait3A_222 = tpu.memref_squeeze %dma_wait3A_221 : memref<1x128xi32, #tpu.memory_space<vmem>> -> memref<128xi32, #tpu.memory_space<vmem>>
      %dma_wait3A_223 = arith.constant 0 : i32
      %dma_wait3A_224 = arith.constant 0 : i32
      %dma_wait3A_225 = tpu.memref_slice %arg2[%dma_wait3A_223, %dma_wait3A_224] : memref<20000x64xf32, #tpu.memory_space<hbm>> -> memref<20000x64xf32, #tpu.memory_space<hbm>>
      tpu.wait_indirect_dma semaphore(%arg18 : memref<!tpu.dma_semaphore, #tpu.memory_space<semaphore_mem>>) src(%dma_wait3A_225 : memref<20000x64xf32, #tpu.memory_space<hbm>>) dst(%arg11 : memref<128x64xf32, #tpu.memory_space<vmem>>)
      %add3A_226 = arith.constant 3 : i32
      %add3A_227 = arith.addi %add3A_169, %add3A_226 : i32
      %dma_start3A_228 = arith.constant 0 : i32
      %dma_start3A_229 = tpu.memref_slice %arg7[%add3A_227, %dma_start3A_228] : memref<80x128xi32, #tpu.memory_space<vmem>> -> memref<1x128xi32, #tpu.memory_space<vmem>>
      %dma_start3A_230 = tpu.memref_squeeze %dma_start3A_229 : memref<1x128xi32, #tpu.memory_space<vmem>> -> memref<128xi32, #tpu.memory_space<vmem>>
      %dma_start3A_231 = arith.constant 0 : i32
      %dma_start3A_232 = arith.constant 0 : i32
      %dma_start3A_233 = tpu.memref_slice %arg14[%dma_start3A_231, %dma_start3A_232] : memref<10240x64xf32, #tpu.memory_space<vmem_shared>> -> memref<10240x64xf32, #tpu.memory_space<vmem_shared>>
      tpu.enqueue_indirect_dma source(%arg11 : memref<128x64xf32, #tpu.memory_space<vmem>>) target(%dma_start3A_233 : memref<10240x64xf32, #tpu.memory_space<vmem_shared>>) offsets(%dma_start3A_230 : memref<128xi32, #tpu.memory_space<vmem>>) semaphore(%arg23 : memref<!tpu.dma_semaphore, #tpu.memory_space<semaphore_mem>>) {add = true}
      %add3A_234 = arith.constant 4 : i32
      %add3A_235 = arith.addi %add3A_169, %add3A_234 : i32
      %dma_wait3A_236 = arith.constant 0 : i32
      %dma_wait3A_237 = tpu.memref_slice %arg6[%add3A_235, %dma_wait3A_236] : memref<80x128xi32, #tpu.memory_space<vmem>> -> memref<1x128xi32, #tpu.memory_space<vmem>>
      %dma_wait3A_238 = tpu.memref_squeeze %dma_wait3A_237 : memref<1x128xi32, #tpu.memory_space<vmem>> -> memref<128xi32, #tpu.memory_space<vmem>>
      %dma_wait3A_239 = arith.constant 0 : i32
      %dma_wait3A_240 = arith.constant 0 : i32
      %dma_wait3A_241 = tpu.memref_slice %arg2[%dma_wait3A_239, %dma_wait3A_240] : memref<20000x64xf32, #tpu.memory_space<hbm>> -> memref<20000x64xf32, #tpu.memory_space<hbm>>
      tpu.wait_indirect_dma semaphore(%arg19 : memref<!tpu.dma_semaphore, #tpu.memory_space<semaphore_mem>>) src(%dma_wait3A_241 : memref<20000x64xf32, #tpu.memory_space<hbm>>) dst(%arg12 : memref<128x64xf32, #tpu.memory_space<vmem>>)
      %add3A_242 = arith.constant 4 : i32
      %add3A_243 = arith.addi %add3A_169, %add3A_242 : i32
      %dma_start3A_244 = arith.constant 0 : i32
      %dma_start3A_245 = tpu.memref_slice %arg7[%add3A_243, %dma_start3A_244] : memref<80x128xi32, #tpu.memory_space<vmem>> -> memref<1x128xi32, #tpu.memory_space<vmem>>
      %dma_start3A_246 = tpu.memref_squeeze %dma_start3A_245 : memref<1x128xi32, #tpu.memory_space<vmem>> -> memref<128xi32, #tpu.memory_space<vmem>>
      %dma_start3A_247 = arith.constant 0 : i32
      %dma_start3A_248 = arith.constant 0 : i32
      %dma_start3A_249 = tpu.memref_slice %arg14[%dma_start3A_247, %dma_start3A_248] : memref<10240x64xf32, #tpu.memory_space<vmem_shared>> -> memref<10240x64xf32, #tpu.memory_space<vmem_shared>>
      tpu.enqueue_indirect_dma source(%arg12 : memref<128x64xf32, #tpu.memory_space<vmem>>) target(%dma_start3A_249 : memref<10240x64xf32, #tpu.memory_space<vmem_shared>>) offsets(%dma_start3A_246 : memref<128xi32, #tpu.memory_space<vmem>>) semaphore(%arg24 : memref<!tpu.dma_semaphore, #tpu.memory_space<semaphore_mem>>) {add = true}
      %add3A_250 = arith.constant 0 : i32
      %add3A_251 = arith.addi %add3A_169, %add3A_250 : i32
      %dma_wait3A_252 = arith.constant 0 : i32
      %dma_wait3A_253 = tpu.memref_slice %arg7[%add3A_251, %dma_wait3A_252] : memref<80x128xi32, #tpu.memory_space<vmem>> -> memref<1x128xi32, #tpu.memory_space<vmem>>
      %dma_wait3A_254 = tpu.memref_squeeze %dma_wait3A_253 : memref<1x128xi32, #tpu.memory_space<vmem>> -> memref<128xi32, #tpu.memory_space<vmem>>
      %dma_wait3A_255 = arith.constant 0 : i32
      %dma_wait3A_256 = arith.constant 0 : i32
      %dma_wait3A_257 = tpu.memref_slice %arg14[%dma_wait3A_255, %dma_wait3A_256] : memref<10240x64xf32, #tpu.memory_space<vmem_shared>> -> memref<10240x64xf32, #tpu.memory_space<vmem_shared>>
      tpu.wait_indirect_dma semaphore(%arg20 : memref<!tpu.dma_semaphore, #tpu.memory_space<semaphore_mem>>) src(%arg8 : memref<128x64xf32, #tpu.memory_space<vmem>>) dst(%dma_wait3A_257 : memref<10240x64xf32, #tpu.memory_space<vmem_shared>>)
      %add3A_258 = arith.constant 5 : i32
      %add3A_259 = arith.addi %add3A_169, %add3A_258 : i32
      %add3A_260 = arith.constant 0 : i32
      %add3A_261 = arith.addi %add3A_259, %add3A_260 : i32
      %dma_start3A_262 = arith.constant 0 : i32
      %dma_start3A_263 = tpu.memref_slice %arg6[%add3A_261, %dma_start3A_262] : memref<80x128xi32, #tpu.memory_space<vmem>> -> memref<1x128xi32, #tpu.memory_space<vmem>>
      %dma_start3A_264 = tpu.memref_squeeze %dma_start3A_263 : memref<1x128xi32, #tpu.memory_space<vmem>> -> memref<128xi32, #tpu.memory_space<vmem>>
      %dma_start3A_265 = arith.constant 0 : i32
      %dma_start3A_266 = arith.constant 0 : i32
      %dma_start3A_267 = tpu.memref_slice %arg2[%dma_start3A_265, %dma_start3A_266] : memref<20000x64xf32, #tpu.memory_space<hbm>> -> memref<20000x64xf32, #tpu.memory_space<hbm>>
      tpu.enqueue_indirect_dma source(%dma_start3A_267 : memref<20000x64xf32, #tpu.memory_space<hbm>>) target(%arg8 : memref<128x64xf32, #tpu.memory_space<vmem>>) offsets(%dma_start3A_264 : memref<128xi32, #tpu.memory_space<vmem>>) semaphore(%arg15 : memref<!tpu.dma_semaphore, #tpu.memory_space<semaphore_mem>>)
      %add3A_268 = arith.constant 1 : i32
      %add3A_269 = arith.addi %add3A_169, %add3A_268 : i32
      %dma_wait3A_270 = arith.constant 0 : i32
      %dma_wait3A_271 = tpu.memref_slice %arg7[%add3A_269, %dma_wait3A_270] : memref<80x128xi32, #tpu.memory_space<vmem>> -> memref<1x128xi32, #tpu.memory_space<vmem>>
      %dma_wait3A_272 = tpu.memref_squeeze %dma_wait3A_271 : memref<1x128xi32, #tpu.memory_space<vmem>> -> memref<128xi32, #tpu.memory_space<vmem>>
      %dma_wait3A_273 = arith.constant 0 : i32
      %dma_wait3A_274 = arith.constant 0 : i32
      %dma_wait3A_275 = tpu.memref_slice %arg14[%dma_wait3A_273, %dma_wait3A_274] : memref<10240x64xf32, #tpu.memory_space<vmem_shared>> -> memref<10240x64xf32, #tpu.memory_space<vmem_shared>>
      tpu.wait_indirect_dma semaphore(%arg21 : memref<!tpu.dma_semaphore, #tpu.memory_space<semaphore_mem>>) src(%arg9 : memref<128x64xf32, #tpu.memory_space<vmem>>) dst(%dma_wait3A_275 : memref<10240x64xf32, #tpu.memory_space<vmem_shared>>)
      %add3A_276 = arith.constant 5 : i32
      %add3A_277 = arith.addi %add3A_169, %add3A_276 : i32
      %add3A_278 = arith.constant 1 : i32
      %add3A_279 = arith.addi %add3A_277, %add3A_278 : i32
      %dma_start3A_280 = arith.constant 0 : i32
      %dma_start3A_281 = tpu.memref_slice %arg6[%add3A_279, %dma_start3A_280] : memref<80x128xi32, #tpu.memory_space<vmem>> -> memref<1x128xi32, #tpu.memory_space<vmem>>
      %dma_start3A_282 = tpu.memref_squeeze %dma_start3A_281 : memref<1x128xi32, #tpu.memory_space<vmem>> -> memref<128xi32, #tpu.memory_space<vmem>>
      %dma_start3A_283 = arith.constant 0 : i32
      %dma_start3A_284 = arith.constant 0 : i32
      %dma_start3A_285 = tpu.memref_slice %arg2[%dma_start3A_283, %dma_start3A_284] : memref<20000x64xf32, #tpu.memory_space<hbm>> -> memref<20000x64xf32, #tpu.memory_space<hbm>>
      tpu.enqueue_indirect_dma source(%dma_start3A_285 : memref<20000x64xf32, #tpu.memory_space<hbm>>) target(%arg9 : memref<128x64xf32, #tpu.memory_space<vmem>>) offsets(%dma_start3A_282 : memref<128xi32, #tpu.memory_space<vmem>>) semaphore(%arg16 : memref<!tpu.dma_semaphore, #tpu.memory_space<semaphore_mem>>)
      %add3A_286 = arith.constant 2 : i32
      %add3A_287 = arith.addi %add3A_169, %add3A_286 : i32
      %dma_wait3A_288 = arith.constant 0 : i32
      %dma_wait3A_289 = tpu.memref_slice %arg7[%add3A_287, %dma_wait3A_288] : memref<80x128xi32, #tpu.memory_space<vmem>> -> memref<1x128xi32, #tpu.memory_space<vmem>>
      %dma_wait3A_290 = tpu.memref_squeeze %dma_wait3A_289 : memref<1x128xi32, #tpu.memory_space<vmem>> -> memref<128xi32, #tpu.memory_space<vmem>>
      %dma_wait3A_291 = arith.constant 0 : i32
      %dma_wait3A_292 = arith.constant 0 : i32
      %dma_wait3A_293 = tpu.memref_slice %arg14[%dma_wait3A_291, %dma_wait3A_292] : memref<10240x64xf32, #tpu.memory_space<vmem_shared>> -> memref<10240x64xf32, #tpu.memory_space<vmem_shared>>
      tpu.wait_indirect_dma semaphore(%arg22 : memref<!tpu.dma_semaphore, #tpu.memory_space<semaphore_mem>>) src(%arg10 : memref<128x64xf32, #tpu.memory_space<vmem>>) dst(%dma_wait3A_293 : memref<10240x64xf32, #tpu.memory_space<vmem_shared>>)
      %add3A_294 = arith.constant 5 : i32
      %add3A_295 = arith.addi %add3A_169, %add3A_294 : i32
      %add3A_296 = arith.constant 2 : i32
      %add3A_297 = arith.addi %add3A_295, %add3A_296 : i32
      %dma_start3A_298 = arith.constant 0 : i32
      %dma_start3A_299 = tpu.memref_slice %arg6[%add3A_297, %dma_start3A_298] : memref<80x128xi32, #tpu.memory_space<vmem>> -> memref<1x128xi32, #tpu.memory_space<vmem>>
      %dma_start3A_300 = tpu.memref_squeeze %dma_start3A_299 : memref<1x128xi32, #tpu.memory_space<vmem>> -> memref<128xi32, #tpu.memory_space<vmem>>
      %dma_start3A_301 = arith.constant 0 : i32
      %dma_start3A_302 = arith.constant 0 : i32
      %dma_start3A_303 = tpu.memref_slice %arg2[%dma_start3A_301, %dma_start3A_302] : memref<20000x64xf32, #tpu.memory_space<hbm>> -> memref<20000x64xf32, #tpu.memory_space<hbm>>
      tpu.enqueue_indirect_dma source(%dma_start3A_303 : memref<20000x64xf32, #tpu.memory_space<hbm>>) target(%arg10 : memref<128x64xf32, #tpu.memory_space<vmem>>) offsets(%dma_start3A_300 : memref<128xi32, #tpu.memory_space<vmem>>) semaphore(%arg17 : memref<!tpu.dma_semaphore, #tpu.memory_space<semaphore_mem>>)
      %add3A_304 = arith.constant 3 : i32
      %add3A_305 = arith.addi %add3A_169, %add3A_304 : i32
      %dma_wait3A_306 = arith.constant 0 : i32
      %dma_wait3A_307 = tpu.memref_slice %arg7[%add3A_305, %dma_wait3A_306] : memref<80x128xi32, #tpu.memory_space<vmem>> -> memref<1x128xi32, #tpu.memory_space<vmem>>
      %dma_wait3A_308 = tpu.memref_squeeze %dma_wait3A_307 : memref<1x128xi32, #tpu.memory_space<vmem>> -> memref<128xi32, #tpu.memory_space<vmem>>
      %dma_wait3A_309 = arith.constant 0 : i32
      %dma_wait3A_310 = arith.constant 0 : i32
      %dma_wait3A_311 = tpu.memref_slice %arg14[%dma_wait3A_309, %dma_wait3A_310] : memref<10240x64xf32, #tpu.memory_space<vmem_shared>> -> memref<10240x64xf32, #tpu.memory_space<vmem_shared>>
      tpu.wait_indirect_dma semaphore(%arg23 : memref<!tpu.dma_semaphore, #tpu.memory_space<semaphore_mem>>) src(%arg11 : memref<128x64xf32, #tpu.memory_space<vmem>>) dst(%dma_wait3A_311 : memref<10240x64xf32, #tpu.memory_space<vmem_shared>>)
      %add3A_312 = arith.constant 5 : i32
      %add3A_313 = arith.addi %add3A_169, %add3A_312 : i32
      %add3A_314 = arith.constant 3 : i32
      %add3A_315 = arith.addi %add3A_313, %add3A_314 : i32
      %dma_start3A_316 = arith.constant 0 : i32
      %dma_start3A_317 = tpu.memref_slice %arg6[%add3A_315, %dma_start3A_316] : memref<80x128xi32, #tpu.memory_space<vmem>> -> memref<1x128xi32, #tpu.memory_space<vmem>>
      %dma_start3A_318 = tpu.memref_squeeze %dma_start3A_317 : memref<1x128xi32, #tpu.memory_space<vmem>> -> memref<128xi32, #tpu.memory_space<vmem>>
      %dma_start3A_319 = arith.constant 0 : i32
      %dma_start3A_320 = arith.constant 0 : i32
      %dma_start3A_321 = tpu.memref_slice %arg2[%dma_start3A_319, %dma_start3A_320] : memref<20000x64xf32, #tpu.memory_space<hbm>> -> memref<20000x64xf32, #tpu.memory_space<hbm>>
      tpu.enqueue_indirect_dma source(%dma_start3A_321 : memref<20000x64xf32, #tpu.memory_space<hbm>>) target(%arg11 : memref<128x64xf32, #tpu.memory_space<vmem>>) offsets(%dma_start3A_318 : memref<128xi32, #tpu.memory_space<vmem>>) semaphore(%arg18 : memref<!tpu.dma_semaphore, #tpu.memory_space<semaphore_mem>>)
      %add3A_322 = arith.constant 4 : i32
      %add3A_323 = arith.addi %add3A_169, %add3A_322 : i32
      %dma_wait3A_324 = arith.constant 0 : i32
      %dma_wait3A_325 = tpu.memref_slice %arg7[%add3A_323, %dma_wait3A_324] : memref<80x128xi32, #tpu.memory_space<vmem>> -> memref<1x128xi32, #tpu.memory_space<vmem>>
      %dma_wait3A_326 = tpu.memref_squeeze %dma_wait3A_325 : memref<1x128xi32, #tpu.memory_space<vmem>> -> memref<128xi32, #tpu.memory_space<vmem>>
      %dma_wait3A_327 = arith.constant 0 : i32
      %dma_wait3A_328 = arith.constant 0 : i32
      %dma_wait3A_329 = tpu.memref_slice %arg14[%dma_wait3A_327, %dma_wait3A_328] : memref<10240x64xf32, #tpu.memory_space<vmem_shared>> -> memref<10240x64xf32, #tpu.memory_space<vmem_shared>>
      tpu.wait_indirect_dma semaphore(%arg24 : memref<!tpu.dma_semaphore, #tpu.memory_space<semaphore_mem>>) src(%arg12 : memref<128x64xf32, #tpu.memory_space<vmem>>) dst(%dma_wait3A_329 : memref<10240x64xf32, #tpu.memory_space<vmem_shared>>)
      %add3A_330 = arith.constant 5 : i32
      %add3A_331 = arith.addi %add3A_169, %add3A_330 : i32
      %add3A_332 = arith.constant 4 : i32
      %add3A_333 = arith.addi %add3A_331, %add3A_332 : i32
      %dma_start3A_334 = arith.constant 0 : i32
      %dma_start3A_335 = tpu.memref_slice %arg6[%add3A_333, %dma_start3A_334] : memref<80x128xi32, #tpu.memory_space<vmem>> -> memref<1x128xi32, #tpu.memory_space<vmem>>
      %dma_start3A_336 = tpu.memref_squeeze %dma_start3A_335 : memref<1x128xi32, #tpu.memory_space<vmem>> -> memref<128xi32, #tpu.memory_space<vmem>>
      %dma_start3A_337 = arith.constant 0 : i32
      %dma_start3A_338 = arith.constant 0 : i32
      %dma_start3A_339 = tpu.memref_slice %arg2[%dma_start3A_337, %dma_start3A_338] : memref<20000x64xf32, #tpu.memory_space<hbm>> -> memref<20000x64xf32, #tpu.memory_space<hbm>>
      tpu.enqueue_indirect_dma source(%dma_start3A_339 : memref<20000x64xf32, #tpu.memory_space<hbm>>) target(%arg12 : memref<128x64xf32, #tpu.memory_space<vmem>>) offsets(%dma_start3A_336 : memref<128xi32, #tpu.memory_space<vmem>>) semaphore(%arg19 : memref<!tpu.dma_semaphore, #tpu.memory_space<semaphore_mem>>)
    }
    %scan3A_53 = arith.constant 15 : i32
    %dma_wait3A = arith.constant 75 : i32
    %dma_wait3A_54 = arith.constant 0 : i32
    %dma_wait3A_55 = tpu.memref_slice %arg6[%dma_wait3A, %dma_wait3A_54] : memref<80x128xi32, #tpu.memory_space<vmem>> -> memref<1x128xi32, #tpu.memory_space<vmem>>
    %dma_wait3A_56 = tpu.memref_squeeze %dma_wait3A_55 : memref<1x128xi32, #tpu.memory_space<vmem>> -> memref<128xi32, #tpu.memory_space<vmem>>
    %dma_wait3A_57 = arith.constant 0 : i32
    %dma_wait3A_58 = arith.constant 0 : i32
    %dma_wait3A_59 = tpu.memref_slice %arg2[%dma_wait3A_57, %dma_wait3A_58] : memref<20000x64xf32, #tpu.memory_space<hbm>> -> memref<20000x64xf32, #tpu.memory_space<hbm>>
    tpu.wait_indirect_dma semaphore(%arg15 : memref<!tpu.dma_semaphore, #tpu.memory_space<semaphore_mem>>) src(%dma_wait3A_59 : memref<20000x64xf32, #tpu.memory_space<hbm>>) dst(%arg8 : memref<128x64xf32, #tpu.memory_space<vmem>>)
    %dma_start3A_60 = arith.constant 75 : i32
    %dma_start3A_61 = arith.constant 0 : i32
    %dma_start3A_62 = tpu.memref_slice %arg7[%dma_start3A_60, %dma_start3A_61] : memref<80x128xi32, #tpu.memory_space<vmem>> -> memref<1x128xi32, #tpu.memory_space<vmem>>
    %dma_start3A_63 = tpu.memref_squeeze %dma_start3A_62 : memref<1x128xi32, #tpu.memory_space<vmem>> -> memref<128xi32, #tpu.memory_space<vmem>>
    %dma_start3A_64 = arith.constant 0 : i32
    %dma_start3A_65 = arith.constant 0 : i32
    %dma_start3A_66 = tpu.memref_slice %arg14[%dma_start3A_64, %dma_start3A_65] : memref<10240x64xf32, #tpu.memory_space<vmem_shared>> -> memref<10240x64xf32, #tpu.memory_space<vmem_shared>>
    tpu.enqueue_indirect_dma source(%arg8 : memref<128x64xf32, #tpu.memory_space<vmem>>) target(%dma_start3A_66 : memref<10240x64xf32, #tpu.memory_space<vmem_shared>>) offsets(%dma_start3A_63 : memref<128xi32, #tpu.memory_space<vmem>>) semaphore(%arg20 : memref<!tpu.dma_semaphore, #tpu.memory_space<semaphore_mem>>) {add = true}
    %dma_wait3A_67 = arith.constant 76 : i32
    %dma_wait3A_68 = arith.constant 0 : i32
    %dma_wait3A_69 = tpu.memref_slice %arg6[%dma_wait3A_67, %dma_wait3A_68] : memref<80x128xi32, #tpu.memory_space<vmem>> -> memref<1x128xi32, #tpu.memory_space<vmem>>
    %dma_wait3A_70 = tpu.memref_squeeze %dma_wait3A_69 : memref<1x128xi32, #tpu.memory_space<vmem>> -> memref<128xi32, #tpu.memory_space<vmem>>
    %dma_wait3A_71 = arith.constant 0 : i32
    %dma_wait3A_72 = arith.constant 0 : i32
    %dma_wait3A_73 = tpu.memref_slice %arg2[%dma_wait3A_71, %dma_wait3A_72] : memref<20000x64xf32, #tpu.memory_space<hbm>> -> memref<20000x64xf32, #tpu.memory_space<hbm>>
    tpu.wait_indirect_dma semaphore(%arg16 : memref<!tpu.dma_semaphore, #tpu.memory_space<semaphore_mem>>) src(%dma_wait3A_73 : memref<20000x64xf32, #tpu.memory_space<hbm>>) dst(%arg9 : memref<128x64xf32, #tpu.memory_space<vmem>>)
    %dma_start3A_74 = arith.constant 76 : i32
    %dma_start3A_75 = arith.constant 0 : i32
    %dma_start3A_76 = tpu.memref_slice %arg7[%dma_start3A_74, %dma_start3A_75] : memref<80x128xi32, #tpu.memory_space<vmem>> -> memref<1x128xi32, #tpu.memory_space<vmem>>
    %dma_start3A_77 = tpu.memref_squeeze %dma_start3A_76 : memref<1x128xi32, #tpu.memory_space<vmem>> -> memref<128xi32, #tpu.memory_space<vmem>>
    %dma_start3A_78 = arith.constant 0 : i32
    %dma_start3A_79 = arith.constant 0 : i32
    %dma_start3A_80 = tpu.memref_slice %arg14[%dma_start3A_78, %dma_start3A_79] : memref<10240x64xf32, #tpu.memory_space<vmem_shared>> -> memref<10240x64xf32, #tpu.memory_space<vmem_shared>>
    tpu.enqueue_indirect_dma source(%arg9 : memref<128x64xf32, #tpu.memory_space<vmem>>) target(%dma_start3A_80 : memref<10240x64xf32, #tpu.memory_space<vmem_shared>>) offsets(%dma_start3A_77 : memref<128xi32, #tpu.memory_space<vmem>>) semaphore(%arg21 : memref<!tpu.dma_semaphore, #tpu.memory_space<semaphore_mem>>) {add = true}
    %dma_wait3A_81 = arith.constant 77 : i32
    %dma_wait3A_82 = arith.constant 0 : i32
    %dma_wait3A_83 = tpu.memref_slice %arg6[%dma_wait3A_81, %dma_wait3A_82] : memref<80x128xi32, #tpu.memory_space<vmem>> -> memref<1x128xi32, #tpu.memory_space<vmem>>
    %dma_wait3A_84 = tpu.memref_squeeze %dma_wait3A_83 : memref<1x128xi32, #tpu.memory_space<vmem>> -> memref<128xi32, #tpu.memory_space<vmem>>
    %dma_wait3A_85 = arith.constant 0 : i32
    %dma_wait3A_86 = arith.constant 0 : i32
    %dma_wait3A_87 = tpu.memref_slice %arg2[%dma_wait3A_85, %dma_wait3A_86] : memref<20000x64xf32, #tpu.memory_space<hbm>> -> memref<20000x64xf32, #tpu.memory_space<hbm>>
    tpu.wait_indirect_dma semaphore(%arg17 : memref<!tpu.dma_semaphore, #tpu.memory_space<semaphore_mem>>) src(%dma_wait3A_87 : memref<20000x64xf32, #tpu.memory_space<hbm>>) dst(%arg10 : memref<128x64xf32, #tpu.memory_space<vmem>>)
    %dma_start3A_88 = arith.constant 77 : i32
    %dma_start3A_89 = arith.constant 0 : i32
    %dma_start3A_90 = tpu.memref_slice %arg7[%dma_start3A_88, %dma_start3A_89] : memref<80x128xi32, #tpu.memory_space<vmem>> -> memref<1x128xi32, #tpu.memory_space<vmem>>
    %dma_start3A_91 = tpu.memref_squeeze %dma_start3A_90 : memref<1x128xi32, #tpu.memory_space<vmem>> -> memref<128xi32, #tpu.memory_space<vmem>>
    %dma_start3A_92 = arith.constant 0 : i32
    %dma_start3A_93 = arith.constant 0 : i32
    %dma_start3A_94 = tpu.memref_slice %arg14[%dma_start3A_92, %dma_start3A_93] : memref<10240x64xf32, #tpu.memory_space<vmem_shared>> -> memref<10240x64xf32, #tpu.memory_space<vmem_shared>>
    tpu.enqueue_indirect_dma source(%arg10 : memref<128x64xf32, #tpu.memory_space<vmem>>) target(%dma_start3A_94 : memref<10240x64xf32, #tpu.memory_space<vmem_shared>>) offsets(%dma_start3A_91 : memref<128xi32, #tpu.memory_space<vmem>>) semaphore(%arg22 : memref<!tpu.dma_semaphore, #tpu.memory_space<semaphore_mem>>) {add = true}
    %dma_wait3A_95 = arith.constant 78 : i32
    %dma_wait3A_96 = arith.constant 0 : i32
    %dma_wait3A_97 = tpu.memref_slice %arg6[%dma_wait3A_95, %dma_wait3A_96] : memref<80x128xi32, #tpu.memory_space<vmem>> -> memref<1x128xi32, #tpu.memory_space<vmem>>
    %dma_wait3A_98 = tpu.memref_squeeze %dma_wait3A_97 : memref<1x128xi32, #tpu.memory_space<vmem>> -> memref<128xi32, #tpu.memory_space<vmem>>
    %dma_wait3A_99 = arith.constant 0 : i32
    %dma_wait3A_100 = arith.constant 0 : i32
    %dma_wait3A_101 = tpu.memref_slice %arg2[%dma_wait3A_99, %dma_wait3A_100] : memref<20000x64xf32, #tpu.memory_space<hbm>> -> memref<20000x64xf32, #tpu.memory_space<hbm>>
    tpu.wait_indirect_dma semaphore(%arg18 : memref<!tpu.dma_semaphore, #tpu.memory_space<semaphore_mem>>) src(%dma_wait3A_101 : memref<20000x64xf32, #tpu.memory_space<hbm>>) dst(%arg11 : memref<128x64xf32, #tpu.memory_space<vmem>>)
    %dma_start3A_102 = arith.constant 78 : i32
    %dma_start3A_103 = arith.constant 0 : i32
    %dma_start3A_104 = tpu.memref_slice %arg7[%dma_start3A_102, %dma_start3A_103] : memref<80x128xi32, #tpu.memory_space<vmem>> -> memref<1x128xi32, #tpu.memory_space<vmem>>
    %dma_start3A_105 = tpu.memref_squeeze %dma_start3A_104 : memref<1x128xi32, #tpu.memory_space<vmem>> -> memref<128xi32, #tpu.memory_space<vmem>>
    %dma_start3A_106 = arith.constant 0 : i32
    %dma_start3A_107 = arith.constant 0 : i32
    %dma_start3A_108 = tpu.memref_slice %arg14[%dma_start3A_106, %dma_start3A_107] : memref<10240x64xf32, #tpu.memory_space<vmem_shared>> -> memref<10240x64xf32, #tpu.memory_space<vmem_shared>>
    tpu.enqueue_indirect_dma source(%arg11 : memref<128x64xf32, #tpu.memory_space<vmem>>) target(%dma_start3A_108 : memref<10240x64xf32, #tpu.memory_space<vmem_shared>>) offsets(%dma_start3A_105 : memref<128xi32, #tpu.memory_space<vmem>>) semaphore(%arg23 : memref<!tpu.dma_semaphore, #tpu.memory_space<semaphore_mem>>) {add = true}
    %dma_wait3A_109 = arith.constant 79 : i32
    %dma_wait3A_110 = arith.constant 0 : i32
    %dma_wait3A_111 = tpu.memref_slice %arg6[%dma_wait3A_109, %dma_wait3A_110] : memref<80x128xi32, #tpu.memory_space<vmem>> -> memref<1x128xi32, #tpu.memory_space<vmem>>
    %dma_wait3A_112 = tpu.memref_squeeze %dma_wait3A_111 : memref<1x128xi32, #tpu.memory_space<vmem>> -> memref<128xi32, #tpu.memory_space<vmem>>
    %dma_wait3A_113 = arith.constant 0 : i32
    %dma_wait3A_114 = arith.constant 0 : i32
    %dma_wait3A_115 = tpu.memref_slice %arg2[%dma_wait3A_113, %dma_wait3A_114] : memref<20000x64xf32, #tpu.memory_space<hbm>> -> memref<20000x64xf32, #tpu.memory_space<hbm>>
    tpu.wait_indirect_dma semaphore(%arg19 : memref<!tpu.dma_semaphore, #tpu.memory_space<semaphore_mem>>) src(%dma_wait3A_115 : memref<20000x64xf32, #tpu.memory_space<hbm>>) dst(%arg12 : memref<128x64xf32, #tpu.memory_space<vmem>>)
    %dma_start3A_116 = arith.constant 79 : i32
    %dma_start3A_117 = arith.constant 0 : i32
    %dma_start3A_118 = tpu.memref_slice %arg7[%dma_start3A_116, %dma_start3A_117] : memref<80x128xi32, #tpu.memory_space<vmem>> -> memref<1x128xi32, #tpu.memory_space<vmem>>
    %dma_start3A_119 = tpu.memref_squeeze %dma_start3A_118 : memref<1x128xi32, #tpu.memory_space<vmem>> -> memref<128xi32, #tpu.memory_space<vmem>>
    %dma_start3A_120 = arith.constant 0 : i32
    %dma_start3A_121 = arith.constant 0 : i32
    %dma_start3A_122 = tpu.memref_slice %arg14[%dma_start3A_120, %dma_start3A_121] : memref<10240x64xf32, #tpu.memory_space<vmem_shared>> -> memref<10240x64xf32, #tpu.memory_space<vmem_shared>>
    tpu.enqueue_indirect_dma source(%arg12 : memref<128x64xf32, #tpu.memory_space<vmem>>) target(%dma_start3A_122 : memref<10240x64xf32, #tpu.memory_space<vmem_shared>>) offsets(%dma_start3A_119 : memref<128xi32, #tpu.memory_space<vmem>>) semaphore(%arg24 : memref<!tpu.dma_semaphore, #tpu.memory_space<semaphore_mem>>) {add = true}
    %dma_wait3A_123 = arith.constant 75 : i32
    %dma_wait3A_124 = arith.constant 0 : i32
    %dma_wait3A_125 = tpu.memref_slice %arg7[%dma_wait3A_123, %dma_wait3A_124] : memref<80x128xi32, #tpu.memory_space<vmem>> -> memref<1x128xi32, #tpu.memory_space<vmem>>
    %dma_wait3A_126 = tpu.memref_squeeze %dma_wait3A_125 : memref<1x128xi32, #tpu.memory_space<vmem>> -> memref<128xi32, #tpu.memory_space<vmem>>
    %dma_wait3A_127 = arith.constant 0 : i32
    %dma_wait3A_128 = arith.constant 0 : i32
    %dma_wait3A_129 = tpu.memref_slice %arg14[%dma_wait3A_127, %dma_wait3A_128] : memref<10240x64xf32, #tpu.memory_space<vmem_shared>> -> memref<10240x64xf32, #tpu.memory_space<vmem_shared>>
    tpu.wait_indirect_dma semaphore(%arg20 : memref<!tpu.dma_semaphore, #tpu.memory_space<semaphore_mem>>) src(%arg8 : memref<128x64xf32, #tpu.memory_space<vmem>>) dst(%dma_wait3A_129 : memref<10240x64xf32, #tpu.memory_space<vmem_shared>>)
    %dma_wait3A_130 = arith.constant 76 : i32
    %dma_wait3A_131 = arith.constant 0 : i32
    %dma_wait3A_132 = tpu.memref_slice %arg7[%dma_wait3A_130, %dma_wait3A_131] : memref<80x128xi32, #tpu.memory_space<vmem>> -> memref<1x128xi32, #tpu.memory_space<vmem>>
    %dma_wait3A_133 = tpu.memref_squeeze %dma_wait3A_132 : memref<1x128xi32, #tpu.memory_space<vmem>> -> memref<128xi32, #tpu.memory_space<vmem>>
    %dma_wait3A_134 = arith.constant 0 : i32
    %dma_wait3A_135 = arith.constant 0 : i32
    %dma_wait3A_136 = tpu.memref_slice %arg14[%dma_wait3A_134, %dma_wait3A_135] : memref<10240x64xf32, #tpu.memory_space<vmem_shared>> -> memref<10240x64xf32, #tpu.memory_space<vmem_shared>>
    tpu.wait_indirect_dma semaphore(%arg21 : memref<!tpu.dma_semaphore, #tpu.memory_space<semaphore_mem>>) src(%arg9 : memref<128x64xf32, #tpu.memory_space<vmem>>) dst(%dma_wait3A_136 : memref<10240x64xf32, #tpu.memory_space<vmem_shared>>)
    %dma_wait3A_137 = arith.constant 77 : i32
    %dma_wait3A_138 = arith.constant 0 : i32
    %dma_wait3A_139 = tpu.memref_slice %arg7[%dma_wait3A_137, %dma_wait3A_138] : memref<80x128xi32, #tpu.memory_space<vmem>> -> memref<1x128xi32, #tpu.memory_space<vmem>>
    %dma_wait3A_140 = tpu.memref_squeeze %dma_wait3A_139 : memref<1x128xi32, #tpu.memory_space<vmem>> -> memref<128xi32, #tpu.memory_space<vmem>>
    %dma_wait3A_141 = arith.constant 0 : i32
    %dma_wait3A_142 = arith.constant 0 : i32
    %dma_wait3A_143 = tpu.memref_slice %arg14[%dma_wait3A_141, %dma_wait3A_142] : memref<10240x64xf32, #tpu.memory_space<vmem_shared>> -> memref<10240x64xf32, #tpu.memory_space<vmem_shared>>
    tpu.wait_indirect_dma semaphore(%arg22 : memref<!tpu.dma_semaphore, #tpu.memory_space<semaphore_mem>>) src(%arg10 : memref<128x64xf32, #tpu.memory_space<vmem>>) dst(%dma_wait3A_143 : memref<10240x64xf32, #tpu.memory_space<vmem_shared>>)
    %dma_wait3A_144 = arith.constant 78 : i32
    %dma_wait3A_145 = arith.constant 0 : i32
    %dma_wait3A_146 = tpu.memref_slice %arg7[%dma_wait3A_144, %dma_wait3A_145] : memref<80x128xi32, #tpu.memory_space<vmem>> -> memref<1x128xi32, #tpu.memory_space<vmem>>
    %dma_wait3A_147 = tpu.memref_squeeze %dma_wait3A_146 : memref<1x128xi32, #tpu.memory_space<vmem>> -> memref<128xi32, #tpu.memory_space<vmem>>
    %dma_wait3A_148 = arith.constant 0 : i32
    %dma_wait3A_149 = arith.constant 0 : i32
    %dma_wait3A_150 = tpu.memref_slice %arg14[%dma_wait3A_148, %dma_wait3A_149] : memref<10240x64xf32, #tpu.memory_space<vmem_shared>> -> memref<10240x64xf32, #tpu.memory_space<vmem_shared>>
    tpu.wait_indirect_dma semaphore(%arg23 : memref<!tpu.dma_semaphore, #tpu.memory_space<semaphore_mem>>) src(%arg11 : memref<128x64xf32, #tpu.memory_space<vmem>>) dst(%dma_wait3A_150 : memref<10240x64xf32, #tpu.memory_space<vmem_shared>>)
    %dma_wait3A_151 = arith.constant 79 : i32
    %dma_wait3A_152 = arith.constant 0 : i32
    %dma_wait3A_153 = tpu.memref_slice %arg7[%dma_wait3A_151, %dma_wait3A_152] : memref<80x128xi32, #tpu.memory_space<vmem>> -> memref<1x128xi32, #tpu.memory_space<vmem>>
    %dma_wait3A_154 = tpu.memref_squeeze %dma_wait3A_153 : memref<1x128xi32, #tpu.memory_space<vmem>> -> memref<128xi32, #tpu.memory_space<vmem>>
    %dma_wait3A_155 = arith.constant 0 : i32
    %dma_wait3A_156 = arith.constant 0 : i32
    %dma_wait3A_157 = tpu.memref_slice %arg14[%dma_wait3A_155, %dma_wait3A_156] : memref<10240x64xf32, #tpu.memory_space<vmem_shared>> -> memref<10240x64xf32, #tpu.memory_space<vmem_shared>>
    tpu.wait_indirect_dma semaphore(%arg24 : memref<!tpu.dma_semaphore, #tpu.memory_space<semaphore_mem>>) src(%arg12 : memref<128x64xf32, #tpu.memory_space<vmem>>) dst(%dma_wait3A_157 : memref<10240x64xf32, #tpu.memory_space<vmem_shared>>)
    %barrier3A_158 = arith.constant 0 : index
    tpu.barrier barrier_id(%barrier3A_158)
    %mul3A_159 = arith.constant 640 : i32
    %mul3A_160 = arith.muli %arg1, %mul3A_159 : i32
    %mul3A_161 = arith.constant 640 : i32
    %mul3A_162 = arith.muli %arg1, %mul3A_161 : i32
    %mul3A_163 = arith.constant 64 : i32
    %mul3A_164 = arith.muli %arg0, %mul3A_163 : i32
    "tpu.region"() ({
      %run_scoped3A = tpu.sem_alloc : memref<!tpu.dma_semaphore, #tpu.memory_space<semaphore_mem>>
      %dma_start3A_165 = tpu.memref_slice %arg5[%mul3A_162, %mul3A_164] : memref<10240x128xf32, #tpu.memory_space<hbm>> -> memref<640x64xf32, #tpu.memory_space<hbm>>
      %dma_start3A_166 = arith.constant 0 : i32
      %dma_start3A_167 = tpu.memref_slice %arg14[%mul3A_160, %dma_start3A_166] : memref<10240x64xf32, #tpu.memory_space<vmem_shared>> -> memref<640x64xf32, #tpu.memory_space<vmem_shared>>
      tpu.enqueue_dma source(%dma_start3A_167 : memref<640x64xf32, #tpu.memory_space<vmem_shared>>) target(%dma_start3A_165 : memref<640x64xf32, #tpu.memory_space<hbm>>) target_semaphore(%run_scoped3A : memref<!tpu.dma_semaphore, #tpu.memory_space<semaphore_mem>>)
      %dma_wait3A_168 = tpu.memref_slice %arg5[%mul3A_162, %mul3A_164] : memref<10240x128xf32, #tpu.memory_space<hbm>> -> memref<640x64xf32, #tpu.memory_space<hbm>>
      %dma_wait3A_169 = arith.constant 0 : i32
      %dma_wait3A_170 = tpu.memref_slice %arg14[%mul3A_160, %dma_wait3A_169] : memref<10240x64xf32, #tpu.memory_space<vmem_shared>> -> memref<640x64xf32, #tpu.memory_space<vmem_shared>>
      tpu.wait_dma2 semaphore(%run_scoped3A : memref<!tpu.dma_semaphore, #tpu.memory_space<semaphore_mem>>) src(%dma_wait3A_170 : memref<640x64xf32, #tpu.memory_space<vmem_shared>>) dst(%dma_wait3A_168 : memref<640x64xf32, #tpu.memory_space<hbm>>)
      tpu.yield
    }) : () -> ()
    return
  }
}

#map = affine_map<(d0, d1) -> (0, 0)>
#map1 = affine_map<(d0, d1) -> (0, 0, 0)>
module attributes {stable_mosaic.version = 14 : i64} {
  func.func @k(%arg0: i32, %arg1: i32, %arg2: memref<20000x64xf32, #tpu.memory_space<hbm>>, %arg3: memref<16x160x128xi32, #tpu.memory_space<hbm>>, %arg4: memref<16x160x128xi32, #tpu.memory_space<hbm>>, %arg5: memref<10240x128xf32, #tpu.memory_space<hbm>>, %arg6: memref<160x128xi32, #tpu.memory_space<vmem>>, %arg7: memref<160x128xi32, #tpu.memory_space<vmem>>, %arg8: memref<128x64xf32, #tpu.memory_space<vmem>>, %arg9: memref<128x64xf32, #tpu.memory_space<vmem>>, %arg10: memref<128x64xf32, #tpu.memory_space<vmem>>, %arg11: memref<128x64xf32, #tpu.memory_space<vmem>>, %arg12: memref<128x64xf32, #tpu.memory_space<vmem>>, %arg13: memref<64x64xf32, #tpu.memory_space<vmem>>, %arg14: memref<10240x64xf32, #tpu.memory_space<vmem_shared>>, %arg15: memref<!tpu.dma_semaphore, #tpu.memory_space<semaphore_mem>>, %arg16: memref<!tpu.dma_semaphore, #tpu.memory_space<semaphore_mem>>, %arg17: memref<!tpu.dma_semaphore, #tpu.memory_space<semaphore_mem>>, %arg18: memref<!tpu.dma_semaphore, #tpu.memory_space<semaphore_mem>>, %arg19: memref<!tpu.dma_semaphore, #tpu.memory_space<semaphore_mem>>, %arg20: memref<!tpu.dma_semaphore, #tpu.memory_space<semaphore_mem>>, %arg21: memref<!tpu.dma_semaphore, #tpu.memory_space<semaphore_mem>>, %arg22: memref<!tpu.dma_semaphore, #tpu.memory_space<semaphore_mem>>, %arg23: memref<!tpu.dma_semaphore, #tpu.memory_space<semaphore_mem>>, %arg24: memref<!tpu.dma_semaphore, #tpu.memory_space<semaphore_mem>>) attributes {dimension_semantics = [#tpu.dimension_semantics<core_parallel>, #tpu.dimension_semantics<subcore_parallel>], iteration_bounds = array<i64: 2, 16>, scalar_prefetch = 0 : i64, scratch_operands = 19 : i64, tpu.core_type = #tpu.core_type<sc_vector_subcore>, window_params = [{transform_indices = #map}, {transform_indices = #map1}, {transform_indices = #map1}, {transform_indices = #map}]} {
    %scan3A = arith.constant 0 : i32
    %scan3A_0 = arith.constant 64 : i32
    %scan3A_1 = arith.addi %scan3A, %scan3A_0 : i32
    %scan3A_2 = arith.constant 1 : i32
    scf.for %scan3A_163 = %scan3A to %scan3A_1 step %scan3A_2  : i32 {
      %mul3A_164 = arith.constant 1 : i32
      %mul3A_165 = arith.muli %scan3A_163, %mul3A_164 : i32
      %add3A = arith.constant 0 : i32
      %add3A_166 = arith.addi %add3A, %mul3A_165 : i32
      %scan3A_167 = arith.constant 0 : i32
      %scan3A_168 = arith.constant 4 : i32
      %scan3A_169 = arith.addi %scan3A_167, %scan3A_168 : i32
      %scan3A_170 = arith.constant 1 : i32
      scf.for %scan3A_172 = %scan3A_167 to %scan3A_169 step %scan3A_170  : i32 {
        %mul3A_173 = arith.constant 16 : i32
        %mul3A_174 = arith.muli %scan3A_172, %mul3A_173 : i32
        %add3A_175 = arith.constant 0 : i32
        %add3A_176 = arith.addi %add3A_175, %mul3A_174 : i32
        %broadcast_in_dim3A = arith.constant 0.000000e+00 : f32
        %broadcast_in_dim3A_177 = vector.broadcast %broadcast_in_dim3A : f32 to vector<16xf32>
        %swap3A = arith.index_cast %add3A_166 : i32 to index
        %swap3A_178 = arith.index_cast %add3A_176 : i32 to index
        %swap3A_179 = tpu.vector_load %arg13[%swap3A, %swap3A_178] {strides = array<i32>} : memref<64x64xf32, #tpu.memory_space<vmem>>, vector<1x16xf32>,
        %swap3A_180 = vector.shape_cast %swap3A_179 : vector<1x16xf32> to vector<16xf32>
        %swap3A_181 = vector.shape_cast %broadcast_in_dim3A_177 : vector<16xf32> to vector<1x16xf32>
        tpu.vector_store %arg13[%swap3A, %swap3A_178], %swap3A_181 {strides = array<i32>} : memref<64x64xf32, #tpu.memory_space<vmem>>, vector<1x16xf32>,
      }
      %scan3A_171 = arith.constant 4 : i32
    }
    %scan3A_3 = arith.constant 64 : i32
    %scan3A_4 = arith.constant 0 : i32
    %scan3A_5 = arith.constant 10 : i32
    %scan3A_6 = arith.addi %scan3A_4, %scan3A_5 : i32
    %scan3A_7 = arith.constant 1 : i32
    scf.for %scan3A_163 = %scan3A_4 to %scan3A_6 step %scan3A_7  : i32 {
      %mul3A_164 = arith.constant 64 : i32
      %mul3A_165 = arith.muli %scan3A_163, %mul3A_164 : i32
      %add3A = arith.constant 0 : i32
      %add3A_166 = arith.addi %add3A, %mul3A_165 : i32
      %mul3A_167 = arith.constant 640 : i32
      %mul3A_168 = arith.muli %arg1, %mul3A_167 : i32
      %add3A_169 = arith.addi %mul3A_168, %add3A_166 : i32
      "tpu.region"() ({
        %run_scoped3A = tpu.sem_alloc : memref<!tpu.dma_semaphore, #tpu.memory_space<semaphore_mem>>
        %dma_start3A_170 = arith.constant 0 : i32
        %dma_start3A_171 = tpu.memref_slice %arg14[%add3A_169, %dma_start3A_170] : memref<10240x64xf32, #tpu.memory_space<vmem_shared>> -> memref<64x64xf32, #tpu.memory_space<vmem_shared>>
        %dma_start3A_172 = arith.constant 0 : i32
        %dma_start3A_173 = tpu.memref_slice %arg14[%add3A_169, %dma_start3A_172] : memref<10240x64xf32, #tpu.memory_space<vmem_shared>> -> memref<64x64xf32, #tpu.memory_space<vmem_shared>>
        tpu.enqueue_dma source(%arg13 : memref<64x64xf32, #tpu.memory_space<vmem>>) target(%dma_start3A_173 : memref<64x64xf32, #tpu.memory_space<vmem_shared>>) target_semaphore(%run_scoped3A : memref<!tpu.dma_semaphore, #tpu.memory_space<semaphore_mem>>)
        %dma_wait3A_174 = arith.constant 0 : i32
        %dma_wait3A_175 = tpu.memref_slice %arg14[%add3A_169, %dma_wait3A_174] : memref<10240x64xf32, #tpu.memory_space<vmem_shared>> -> memref<64x64xf32, #tpu.memory_space<vmem_shared>>
        %dma_wait3A_176 = arith.constant 0 : i32
        %dma_wait3A_177 = tpu.memref_slice %arg14[%add3A_169, %dma_wait3A_176] : memref<10240x64xf32, #tpu.memory_space<vmem_shared>> -> memref<64x64xf32, #tpu.memory_space<vmem_shared>>
        tpu.wait_dma2 semaphore(%run_scoped3A : memref<!tpu.dma_semaphore, #tpu.memory_space<semaphore_mem>>) src(%arg13 : memref<64x64xf32, #tpu.memory_space<vmem>>) dst(%dma_wait3A_177 : memref<64x64xf32, #tpu.memory_space<vmem_shared>>)
        tpu.yield
      }) : () -> ()
    }
    %scan3A_8 = arith.constant 10 : i32
    %barrier3A = arith.constant 0 : index
    tpu.barrier barrier_id(%barrier3A)
    "tpu.region"() ({
      %run_scoped3A = tpu.sem_alloc : memref<!tpu.dma_semaphore, #tpu.memory_space<semaphore_mem>>
      %dma_start3A_163 = arith.constant 0 : i32
      %dma_start3A_164 = arith.constant 0 : i32
      %dma_start3A_165 = tpu.memref_slice %arg3[%arg1, %dma_start3A_163, %dma_start3A_164] : memref<16x160x128xi32, #tpu.memory_space<hbm>> -> memref<1x160x128xi32, #tpu.memory_space<hbm>>
      %dma_start3A_166 = tpu.memref_squeeze %dma_start3A_165 : memref<1x160x128xi32, #tpu.memory_space<hbm>> -> memref<160x128xi32, #tpu.memory_space<hbm>>
      %dma_start3A_167 = arith.constant 0 : i32
      %dma_start3A_168 = arith.constant 0 : i32
      %dma_start3A_169 = tpu.memref_slice %arg3[%arg1, %dma_start3A_167, %dma_start3A_168] : memref<16x160x128xi32, #tpu.memory_space<hbm>> -> memref<1x160x128xi32, #tpu.memory_space<hbm>>
      %dma_start3A_170 = tpu.memref_squeeze %dma_start3A_169 : memref<1x160x128xi32, #tpu.memory_space<hbm>> -> memref<160x128xi32, #tpu.memory_space<hbm>>
      tpu.enqueue_dma source(%dma_start3A_170 : memref<160x128xi32, #tpu.memory_space<hbm>>) target(%arg6 : memref<160x128xi32, #tpu.memory_space<vmem>>) target_semaphore(%run_scoped3A : memref<!tpu.dma_semaphore, #tpu.memory_space<semaphore_mem>>)
      %dma_wait3A_171 = arith.constant 0 : i32
      %dma_wait3A_172 = arith.constant 0 : i32
      %dma_wait3A_173 = tpu.memref_slice %arg3[%arg1, %dma_wait3A_171, %dma_wait3A_172] : memref<16x160x128xi32, #tpu.memory_space<hbm>> -> memref<1x160x128xi32, #tpu.memory_space<hbm>>
      %dma_wait3A_174 = tpu.memref_squeeze %dma_wait3A_173 : memref<1x160x128xi32, #tpu.memory_space<hbm>> -> memref<160x128xi32, #tpu.memory_space<hbm>>
      %dma_wait3A_175 = arith.constant 0 : i32
      %dma_wait3A_176 = arith.constant 0 : i32
      %dma_wait3A_177 = tpu.memref_slice %arg3[%arg1, %dma_wait3A_175, %dma_wait3A_176] : memref<16x160x128xi32, #tpu.memory_space<hbm>> -> memref<1x160x128xi32, #tpu.memory_space<hbm>>
      %dma_wait3A_178 = tpu.memref_squeeze %dma_wait3A_177 : memref<1x160x128xi32, #tpu.memory_space<hbm>> -> memref<160x128xi32, #tpu.memory_space<hbm>>
      tpu.wait_dma2 semaphore(%run_scoped3A : memref<!tpu.dma_semaphore, #tpu.memory_space<semaphore_mem>>) src(%dma_wait3A_178 : memref<160x128xi32, #tpu.memory_space<hbm>>) dst(%arg6 : memref<160x128xi32, #tpu.memory_space<vmem>>)
      tpu.yield
    }) : () -> ()
    "tpu.region"() ({
      %run_scoped3A = tpu.sem_alloc : memref<!tpu.dma_semaphore, #tpu.memory_space<semaphore_mem>>
      %dma_start3A_163 = arith.constant 0 : i32
      %dma_start3A_164 = arith.constant 0 : i32
      %dma_start3A_165 = tpu.memref_slice %arg4[%arg1, %dma_start3A_163, %dma_start3A_164] : memref<16x160x128xi32, #tpu.memory_space<hbm>> -> memref<1x160x128xi32, #tpu.memory_space<hbm>>
      %dma_start3A_166 = tpu.memref_squeeze %dma_start3A_165 : memref<1x160x128xi32, #tpu.memory_space<hbm>> -> memref<160x128xi32, #tpu.memory_space<hbm>>
      %dma_start3A_167 = arith.constant 0 : i32
      %dma_start3A_168 = arith.constant 0 : i32
      %dma_start3A_169 = tpu.memref_slice %arg4[%arg1, %dma_start3A_167, %dma_start3A_168] : memref<16x160x128xi32, #tpu.memory_space<hbm>> -> memref<1x160x128xi32, #tpu.memory_space<hbm>>
      %dma_start3A_170 = tpu.memref_squeeze %dma_start3A_169 : memref<1x160x128xi32, #tpu.memory_space<hbm>> -> memref<160x128xi32, #tpu.memory_space<hbm>>
      tpu.enqueue_dma source(%dma_start3A_170 : memref<160x128xi32, #tpu.memory_space<hbm>>) target(%arg7 : memref<160x128xi32, #tpu.memory_space<vmem>>) target_semaphore(%run_scoped3A : memref<!tpu.dma_semaphore, #tpu.memory_space<semaphore_mem>>)
      %dma_wait3A_171 = arith.constant 0 : i32
      %dma_wait3A_172 = arith.constant 0 : i32
      %dma_wait3A_173 = tpu.memref_slice %arg4[%arg1, %dma_wait3A_171, %dma_wait3A_172] : memref<16x160x128xi32, #tpu.memory_space<hbm>> -> memref<1x160x128xi32, #tpu.memory_space<hbm>>
      %dma_wait3A_174 = tpu.memref_squeeze %dma_wait3A_173 : memref<1x160x128xi32, #tpu.memory_space<hbm>> -> memref<160x128xi32, #tpu.memory_space<hbm>>
      %dma_wait3A_175 = arith.constant 0 : i32
      %dma_wait3A_176 = arith.constant 0 : i32
      %dma_wait3A_177 = tpu.memref_slice %arg4[%arg1, %dma_wait3A_175, %dma_wait3A_176] : memref<16x160x128xi32, #tpu.memory_space<hbm>> -> memref<1x160x128xi32, #tpu.memory_space<hbm>>
      %dma_wait3A_178 = tpu.memref_squeeze %dma_wait3A_177 : memref<1x160x128xi32, #tpu.memory_space<hbm>> -> memref<160x128xi32, #tpu.memory_space<hbm>>
      tpu.wait_dma2 semaphore(%run_scoped3A : memref<!tpu.dma_semaphore, #tpu.memory_space<semaphore_mem>>) src(%dma_wait3A_178 : memref<160x128xi32, #tpu.memory_space<hbm>>) dst(%arg7 : memref<160x128xi32, #tpu.memory_space<vmem>>)
      tpu.yield
    }) : () -> ()
    %scan3A_9 = arith.constant 0 : i32
    %scan3A_10 = arith.constant 160 : i32
    %scan3A_11 = arith.addi %scan3A_9, %scan3A_10 : i32
    %scan3A_12 = arith.constant 1 : i32
    scf.for %scan3A_163 = %scan3A_9 to %scan3A_11 step %scan3A_12  : i32 {
      %mul3A_164 = arith.constant 1 : i32
      %mul3A_165 = arith.muli %scan3A_163, %mul3A_164 : i32
      %add3A = arith.constant 0 : i32
      %add3A_166 = arith.addi %add3A, %mul3A_165 : i32
      %scan3A_167 = arith.constant 0 : i32
      %scan3A_168 = arith.constant 8 : i32
      %scan3A_169 = arith.addi %scan3A_167, %scan3A_168 : i32
      %scan3A_170 = arith.constant 1 : i32
      scf.for %scan3A_172 = %scan3A_167 to %scan3A_169 step %scan3A_170  : i32 {
        %mul3A_173 = arith.constant 16 : i32
        %mul3A_174 = arith.muli %scan3A_172, %mul3A_173 : i32
        %add3A_175 = arith.constant 0 : i32
        %add3A_176 = arith.addi %add3A_175, %mul3A_174 : i32
        %get3A = arith.index_cast %add3A_166 : i32 to index
        %get3A_177 = arith.index_cast %add3A_176 : i32 to index
        %get3A_178 = tpu.vector_load %arg6[%get3A, %get3A_177] {strides = array<i32>} : memref<160x128xi32, #tpu.memory_space<vmem>>, vector<1x16xi32>,
        %get3A_179 = vector.shape_cast %get3A_178 : vector<1x16xi32> to vector<16xi32>
        %mul3A_180 = arith.constant 2 : i32
        %mul3A_181 = vector.broadcast %mul3A_180 : i32 to vector<16xi32>
        %mul3A_182 = arith.muli %get3A_179, %mul3A_181 : vector<16xi32>
        %add3A_183 = vector.broadcast %arg0 : i32 to vector<16xi32>
        %add3A_184 = arith.addi %mul3A_182, %add3A_183 : vector<16xi32>
        %swap3A = arith.index_cast %add3A_166 : i32 to index
        %swap3A_185 = arith.index_cast %add3A_176 : i32 to index
        %swap3A_186 = tpu.vector_load %arg6[%swap3A, %swap3A_185] {strides = array<i32>} : memref<160x128xi32, #tpu.memory_space<vmem>>, vector<1x16xi32>,
        %swap3A_187 = vector.shape_cast %swap3A_186 : vector<1x16xi32> to vector<16xi32>
        %swap3A_188 = vector.shape_cast %add3A_184 : vector<16xi32> to vector<1x16xi32>
        tpu.vector_store %arg6[%swap3A, %swap3A_185], %swap3A_188 {strides = array<i32>} : memref<160x128xi32, #tpu.memory_space<vmem>>, vector<1x16xi32>,
      }
      %scan3A_171 = arith.constant 8 : i32
    }
    %scan3A_13 = arith.constant 160 : i32
    %dma_start3A = arith.constant 0 : i32
    %dma_start3A_14 = arith.constant 0 : i32
    %dma_start3A_15 = tpu.memref_slice %arg6[%dma_start3A, %dma_start3A_14] : memref<160x128xi32, #tpu.memory_space<vmem>> -> memref<1x128xi32, #tpu.memory_space<vmem>>
    %dma_start3A_16 = tpu.memref_squeeze %dma_start3A_15 : memref<1x128xi32, #tpu.memory_space<vmem>> -> memref<128xi32, #tpu.memory_space<vmem>>
    %dma_start3A_17 = arith.constant 0 : i32
    %dma_start3A_18 = arith.constant 0 : i32
    %dma_start3A_19 = tpu.memref_slice %arg2[%dma_start3A_17, %dma_start3A_18] : memref<20000x64xf32, #tpu.memory_space<hbm>> -> memref<20000x64xf32, #tpu.memory_space<hbm>>
    tpu.enqueue_indirect_dma source(%dma_start3A_19 : memref<20000x64xf32, #tpu.memory_space<hbm>>) target(%arg8 : memref<128x64xf32, #tpu.memory_space<vmem>>) offsets(%dma_start3A_16 : memref<128xi32, #tpu.memory_space<vmem>>) semaphore(%arg15 : memref<!tpu.dma_semaphore, #tpu.memory_space<semaphore_mem>>)
    %dma_start3A_20 = arith.constant 1 : i32
    %dma_start3A_21 = arith.constant 0 : i32
    %dma_start3A_22 = tpu.memref_slice %arg6[%dma_start3A_20, %dma_start3A_21] : memref<160x128xi32, #tpu.memory_space<vmem>> -> memref<1x128xi32, #tpu.memory_space<vmem>>
    %dma_start3A_23 = tpu.memref_squeeze %dma_start3A_22 : memref<1x128xi32, #tpu.memory_space<vmem>> -> memref<128xi32, #tpu.memory_space<vmem>>
    %dma_start3A_24 = arith.constant 0 : i32
    %dma_start3A_25 = arith.constant 0 : i32
    %dma_start3A_26 = tpu.memref_slice %arg2[%dma_start3A_24, %dma_start3A_25] : memref<20000x64xf32, #tpu.memory_space<hbm>> -> memref<20000x64xf32, #tpu.memory_space<hbm>>
    tpu.enqueue_indirect_dma source(%dma_start3A_26 : memref<20000x64xf32, #tpu.memory_space<hbm>>) target(%arg9 : memref<128x64xf32, #tpu.memory_space<vmem>>) offsets(%dma_start3A_23 : memref<128xi32, #tpu.memory_space<vmem>>) semaphore(%arg16 : memref<!tpu.dma_semaphore, #tpu.memory_space<semaphore_mem>>)
    %dma_start3A_27 = arith.constant 2 : i32
    %dma_start3A_28 = arith.constant 0 : i32
    %dma_start3A_29 = tpu.memref_slice %arg6[%dma_start3A_27, %dma_start3A_28] : memref<160x128xi32, #tpu.memory_space<vmem>> -> memref<1x128xi32, #tpu.memory_space<vmem>>
    %dma_start3A_30 = tpu.memref_squeeze %dma_start3A_29 : memref<1x128xi32, #tpu.memory_space<vmem>> -> memref<128xi32, #tpu.memory_space<vmem>>
    %dma_start3A_31 = arith.constant 0 : i32
    %dma_start3A_32 = arith.constant 0 : i32
    %dma_start3A_33 = tpu.memref_slice %arg2[%dma_start3A_31, %dma_start3A_32] : memref<20000x64xf32, #tpu.memory_space<hbm>> -> memref<20000x64xf32, #tpu.memory_space<hbm>>
    tpu.enqueue_indirect_dma source(%dma_start3A_33 : memref<20000x64xf32, #tpu.memory_space<hbm>>) target(%arg10 : memref<128x64xf32, #tpu.memory_space<vmem>>) offsets(%dma_start3A_30 : memref<128xi32, #tpu.memory_space<vmem>>) semaphore(%arg17 : memref<!tpu.dma_semaphore, #tpu.memory_space<semaphore_mem>>)
    %dma_start3A_34 = arith.constant 3 : i32
    %dma_start3A_35 = arith.constant 0 : i32
    %dma_start3A_36 = tpu.memref_slice %arg6[%dma_start3A_34, %dma_start3A_35] : memref<160x128xi32, #tpu.memory_space<vmem>> -> memref<1x128xi32, #tpu.memory_space<vmem>>
    %dma_start3A_37 = tpu.memref_squeeze %dma_start3A_36 : memref<1x128xi32, #tpu.memory_space<vmem>> -> memref<128xi32, #tpu.memory_space<vmem>>
    %dma_start3A_38 = arith.constant 0 : i32
    %dma_start3A_39 = arith.constant 0 : i32
    %dma_start3A_40 = tpu.memref_slice %arg2[%dma_start3A_38, %dma_start3A_39] : memref<20000x64xf32, #tpu.memory_space<hbm>> -> memref<20000x64xf32, #tpu.memory_space<hbm>>
    tpu.enqueue_indirect_dma source(%dma_start3A_40 : memref<20000x64xf32, #tpu.memory_space<hbm>>) target(%arg11 : memref<128x64xf32, #tpu.memory_space<vmem>>) offsets(%dma_start3A_37 : memref<128xi32, #tpu.memory_space<vmem>>) semaphore(%arg18 : memref<!tpu.dma_semaphore, #tpu.memory_space<semaphore_mem>>)
    %dma_start3A_41 = arith.constant 4 : i32
    %dma_start3A_42 = arith.constant 0 : i32
    %dma_start3A_43 = tpu.memref_slice %arg6[%dma_start3A_41, %dma_start3A_42] : memref<160x128xi32, #tpu.memory_space<vmem>> -> memref<1x128xi32, #tpu.memory_space<vmem>>
    %dma_start3A_44 = tpu.memref_squeeze %dma_start3A_43 : memref<1x128xi32, #tpu.memory_space<vmem>> -> memref<128xi32, #tpu.memory_space<vmem>>
    %dma_start3A_45 = arith.constant 0 : i32
    %dma_start3A_46 = arith.constant 0 : i32
    %dma_start3A_47 = tpu.memref_slice %arg2[%dma_start3A_45, %dma_start3A_46] : memref<20000x64xf32, #tpu.memory_space<hbm>> -> memref<20000x64xf32, #tpu.memory_space<hbm>>
    tpu.enqueue_indirect_dma source(%dma_start3A_47 : memref<20000x64xf32, #tpu.memory_space<hbm>>) target(%arg12 : memref<128x64xf32, #tpu.memory_space<vmem>>) offsets(%dma_start3A_44 : memref<128xi32, #tpu.memory_space<vmem>>) semaphore(%arg19 : memref<!tpu.dma_semaphore, #tpu.memory_space<semaphore_mem>>)
    %scan3A_48 = arith.constant 0 : i32
    %scan3A_49 = arith.constant 31 : i32
    %scan3A_50 = arith.addi %scan3A_48, %scan3A_49 : i32
    %scan3A_51 = arith.constant 1 : i32
    scf.for %scan3A_163 = %scan3A_48 to %scan3A_50 step %scan3A_51  : i32 {
      %mul3A_164 = arith.constant 5 : i32
      %mul3A_165 = arith.muli %scan3A_163, %mul3A_164 : i32
      %add3A = arith.constant 0 : i32
      %add3A_166 = arith.addi %add3A, %mul3A_165 : i32
      %add3A_167 = arith.constant 0 : i32
      %add3A_168 = arith.addi %add3A_166, %add3A_167 : i32
      %dma_wait3A_169 = arith.constant 0 : i32
      %dma_wait3A_170 = tpu.memref_slice %arg6[%add3A_168, %dma_wait3A_169] : memref<160x128xi32, #tpu.memory_space<vmem>> -> memref<1x128xi32, #tpu.memory_space<vmem>>
      %dma_wait3A_171 = tpu.memref_squeeze %dma_wait3A_170 : memref<1x128xi32, #tpu.memory_space<vmem>> -> memref<128xi32, #tpu.memory_space<vmem>>
      %dma_wait3A_172 = arith.constant 0 : i32
      %dma_wait3A_173 = arith.constant 0 : i32
      %dma_wait3A_174 = tpu.memref_slice %arg2[%dma_wait3A_172, %dma_wait3A_173] : memref<20000x64xf32, #tpu.memory_space<hbm>> -> memref<20000x64xf32, #tpu.memory_space<hbm>>
      tpu.wait_indirect_dma semaphore(%arg15 : memref<!tpu.dma_semaphore, #tpu.memory_space<semaphore_mem>>) src(%dma_wait3A_174 : memref<20000x64xf32, #tpu.memory_space<hbm>>) dst(%arg8 : memref<128x64xf32, #tpu.memory_space<vmem>>)
      %add3A_175 = arith.constant 0 : i32
      %add3A_176 = arith.addi %add3A_166, %add3A_175 : i32
      %dma_start3A_177 = arith.constant 0 : i32
      %dma_start3A_178 = tpu.memref_slice %arg7[%add3A_176, %dma_start3A_177] : memref<160x128xi32, #tpu.memory_space<vmem>> -> memref<1x128xi32, #tpu.memory_space<vmem>>
      %dma_start3A_179 = tpu.memref_squeeze %dma_start3A_178 : memref<1x128xi32, #tpu.memory_space<vmem>> -> memref<128xi32, #tpu.memory_space<vmem>>
      %dma_start3A_180 = arith.constant 0 : i32
      %dma_start3A_181 = arith.constant 0 : i32
      %dma_start3A_182 = tpu.memref_slice %arg14[%dma_start3A_180, %dma_start3A_181] : memref<10240x64xf32, #tpu.memory_space<vmem_shared>> -> memref<10240x64xf32, #tpu.memory_space<vmem_shared>>
      tpu.enqueue_indirect_dma source(%arg8 : memref<128x64xf32, #tpu.memory_space<vmem>>) target(%dma_start3A_182 : memref<10240x64xf32, #tpu.memory_space<vmem_shared>>) offsets(%dma_start3A_179 : memref<128xi32, #tpu.memory_space<vmem>>) semaphore(%arg20 : memref<!tpu.dma_semaphore, #tpu.memory_space<semaphore_mem>>) {add = true}
      %add3A_183 = arith.constant 1 : i32
      %add3A_184 = arith.addi %add3A_166, %add3A_183 : i32
      %dma_wait3A_185 = arith.constant 0 : i32
      %dma_wait3A_186 = tpu.memref_slice %arg6[%add3A_184, %dma_wait3A_185] : memref<160x128xi32, #tpu.memory_space<vmem>> -> memref<1x128xi32, #tpu.memory_space<vmem>>
      %dma_wait3A_187 = tpu.memref_squeeze %dma_wait3A_186 : memref<1x128xi32, #tpu.memory_space<vmem>> -> memref<128xi32, #tpu.memory_space<vmem>>
      %dma_wait3A_188 = arith.constant 0 : i32
      %dma_wait3A_189 = arith.constant 0 : i32
      %dma_wait3A_190 = tpu.memref_slice %arg2[%dma_wait3A_188, %dma_wait3A_189] : memref<20000x64xf32, #tpu.memory_space<hbm>> -> memref<20000x64xf32, #tpu.memory_space<hbm>>
      tpu.wait_indirect_dma semaphore(%arg16 : memref<!tpu.dma_semaphore, #tpu.memory_space<semaphore_mem>>) src(%dma_wait3A_190 : memref<20000x64xf32, #tpu.memory_space<hbm>>) dst(%arg9 : memref<128x64xf32, #tpu.memory_space<vmem>>)
      %add3A_191 = arith.constant 1 : i32
      %add3A_192 = arith.addi %add3A_166, %add3A_191 : i32
      %dma_start3A_193 = arith.constant 0 : i32
      %dma_start3A_194 = tpu.memref_slice %arg7[%add3A_192, %dma_start3A_193] : memref<160x128xi32, #tpu.memory_space<vmem>> -> memref<1x128xi32, #tpu.memory_space<vmem>>
      %dma_start3A_195 = tpu.memref_squeeze %dma_start3A_194 : memref<1x128xi32, #tpu.memory_space<vmem>> -> memref<128xi32, #tpu.memory_space<vmem>>
      %dma_start3A_196 = arith.constant 0 : i32
      %dma_start3A_197 = arith.constant 0 : i32
      %dma_start3A_198 = tpu.memref_slice %arg14[%dma_start3A_196, %dma_start3A_197] : memref<10240x64xf32, #tpu.memory_space<vmem_shared>> -> memref<10240x64xf32, #tpu.memory_space<vmem_shared>>
      tpu.enqueue_indirect_dma source(%arg9 : memref<128x64xf32, #tpu.memory_space<vmem>>) target(%dma_start3A_198 : memref<10240x64xf32, #tpu.memory_space<vmem_shared>>) offsets(%dma_start3A_195 : memref<128xi32, #tpu.memory_space<vmem>>) semaphore(%arg21 : memref<!tpu.dma_semaphore, #tpu.memory_space<semaphore_mem>>) {add = true}
      %add3A_199 = arith.constant 2 : i32
      %add3A_200 = arith.addi %add3A_166, %add3A_199 : i32
      %dma_wait3A_201 = arith.constant 0 : i32
      %dma_wait3A_202 = tpu.memref_slice %arg6[%add3A_200, %dma_wait3A_201] : memref<160x128xi32, #tpu.memory_space<vmem>> -> memref<1x128xi32, #tpu.memory_space<vmem>>
      %dma_wait3A_203 = tpu.memref_squeeze %dma_wait3A_202 : memref<1x128xi32, #tpu.memory_space<vmem>> -> memref<128xi32, #tpu.memory_space<vmem>>
      %dma_wait3A_204 = arith.constant 0 : i32
      %dma_wait3A_205 = arith.constant 0 : i32
      %dma_wait3A_206 = tpu.memref_slice %arg2[%dma_wait3A_204, %dma_wait3A_205] : memref<20000x64xf32, #tpu.memory_space<hbm>> -> memref<20000x64xf32, #tpu.memory_space<hbm>>
      tpu.wait_indirect_dma semaphore(%arg17 : memref<!tpu.dma_semaphore, #tpu.memory_space<semaphore_mem>>) src(%dma_wait3A_206 : memref<20000x64xf32, #tpu.memory_space<hbm>>) dst(%arg10 : memref<128x64xf32, #tpu.memory_space<vmem>>)
      %add3A_207 = arith.constant 2 : i32
      %add3A_208 = arith.addi %add3A_166, %add3A_207 : i32
      %dma_start3A_209 = arith.constant 0 : i32
      %dma_start3A_210 = tpu.memref_slice %arg7[%add3A_208, %dma_start3A_209] : memref<160x128xi32, #tpu.memory_space<vmem>> -> memref<1x128xi32, #tpu.memory_space<vmem>>
      %dma_start3A_211 = tpu.memref_squeeze %dma_start3A_210 : memref<1x128xi32, #tpu.memory_space<vmem>> -> memref<128xi32, #tpu.memory_space<vmem>>
      %dma_start3A_212 = arith.constant 0 : i32
      %dma_start3A_213 = arith.constant 0 : i32
      %dma_start3A_214 = tpu.memref_slice %arg14[%dma_start3A_212, %dma_start3A_213] : memref<10240x64xf32, #tpu.memory_space<vmem_shared>> -> memref<10240x64xf32, #tpu.memory_space<vmem_shared>>
      tpu.enqueue_indirect_dma source(%arg10 : memref<128x64xf32, #tpu.memory_space<vmem>>) target(%dma_start3A_214 : memref<10240x64xf32, #tpu.memory_space<vmem_shared>>) offsets(%dma_start3A_211 : memref<128xi32, #tpu.memory_space<vmem>>) semaphore(%arg22 : memref<!tpu.dma_semaphore, #tpu.memory_space<semaphore_mem>>) {add = true}
      %add3A_215 = arith.constant 3 : i32
      %add3A_216 = arith.addi %add3A_166, %add3A_215 : i32
      %dma_wait3A_217 = arith.constant 0 : i32
      %dma_wait3A_218 = tpu.memref_slice %arg6[%add3A_216, %dma_wait3A_217] : memref<160x128xi32, #tpu.memory_space<vmem>> -> memref<1x128xi32, #tpu.memory_space<vmem>>
      %dma_wait3A_219 = tpu.memref_squeeze %dma_wait3A_218 : memref<1x128xi32, #tpu.memory_space<vmem>> -> memref<128xi32, #tpu.memory_space<vmem>>
      %dma_wait3A_220 = arith.constant 0 : i32
      %dma_wait3A_221 = arith.constant 0 : i32
      %dma_wait3A_222 = tpu.memref_slice %arg2[%dma_wait3A_220, %dma_wait3A_221] : memref<20000x64xf32, #tpu.memory_space<hbm>> -> memref<20000x64xf32, #tpu.memory_space<hbm>>
      tpu.wait_indirect_dma semaphore(%arg18 : memref<!tpu.dma_semaphore, #tpu.memory_space<semaphore_mem>>) src(%dma_wait3A_222 : memref<20000x64xf32, #tpu.memory_space<hbm>>) dst(%arg11 : memref<128x64xf32, #tpu.memory_space<vmem>>)
      %add3A_223 = arith.constant 3 : i32
      %add3A_224 = arith.addi %add3A_166, %add3A_223 : i32
      %dma_start3A_225 = arith.constant 0 : i32
      %dma_start3A_226 = tpu.memref_slice %arg7[%add3A_224, %dma_start3A_225] : memref<160x128xi32, #tpu.memory_space<vmem>> -> memref<1x128xi32, #tpu.memory_space<vmem>>
      %dma_start3A_227 = tpu.memref_squeeze %dma_start3A_226 : memref<1x128xi32, #tpu.memory_space<vmem>> -> memref<128xi32, #tpu.memory_space<vmem>>
      %dma_start3A_228 = arith.constant 0 : i32
      %dma_start3A_229 = arith.constant 0 : i32
      %dma_start3A_230 = tpu.memref_slice %arg14[%dma_start3A_228, %dma_start3A_229] : memref<10240x64xf32, #tpu.memory_space<vmem_shared>> -> memref<10240x64xf32, #tpu.memory_space<vmem_shared>>
      tpu.enqueue_indirect_dma source(%arg11 : memref<128x64xf32, #tpu.memory_space<vmem>>) target(%dma_start3A_230 : memref<10240x64xf32, #tpu.memory_space<vmem_shared>>) offsets(%dma_start3A_227 : memref<128xi32, #tpu.memory_space<vmem>>) semaphore(%arg23 : memref<!tpu.dma_semaphore, #tpu.memory_space<semaphore_mem>>) {add = true}
      %add3A_231 = arith.constant 4 : i32
      %add3A_232 = arith.addi %add3A_166, %add3A_231 : i32
      %dma_wait3A_233 = arith.constant 0 : i32
      %dma_wait3A_234 = tpu.memref_slice %arg6[%add3A_232, %dma_wait3A_233] : memref<160x128xi32, #tpu.memory_space<vmem>> -> memref<1x128xi32, #tpu.memory_space<vmem>>
      %dma_wait3A_235 = tpu.memref_squeeze %dma_wait3A_234 : memref<1x128xi32, #tpu.memory_space<vmem>> -> memref<128xi32, #tpu.memory_space<vmem>>
      %dma_wait3A_236 = arith.constant 0 : i32
      %dma_wait3A_237 = arith.constant 0 : i32
      %dma_wait3A_238 = tpu.memref_slice %arg2[%dma_wait3A_236, %dma_wait3A_237] : memref<20000x64xf32, #tpu.memory_space<hbm>> -> memref<20000x64xf32, #tpu.memory_space<hbm>>
      tpu.wait_indirect_dma semaphore(%arg19 : memref<!tpu.dma_semaphore, #tpu.memory_space<semaphore_mem>>) src(%dma_wait3A_238 : memref<20000x64xf32, #tpu.memory_space<hbm>>) dst(%arg12 : memref<128x64xf32, #tpu.memory_space<vmem>>)
      %add3A_239 = arith.constant 4 : i32
      %add3A_240 = arith.addi %add3A_166, %add3A_239 : i32
      %dma_start3A_241 = arith.constant 0 : i32
      %dma_start3A_242 = tpu.memref_slice %arg7[%add3A_240, %dma_start3A_241] : memref<160x128xi32, #tpu.memory_space<vmem>> -> memref<1x128xi32, #tpu.memory_space<vmem>>
      %dma_start3A_243 = tpu.memref_squeeze %dma_start3A_242 : memref<1x128xi32, #tpu.memory_space<vmem>> -> memref<128xi32, #tpu.memory_space<vmem>>
      %dma_start3A_244 = arith.constant 0 : i32
      %dma_start3A_245 = arith.constant 0 : i32
      %dma_start3A_246 = tpu.memref_slice %arg14[%dma_start3A_244, %dma_start3A_245] : memref<10240x64xf32, #tpu.memory_space<vmem_shared>> -> memref<10240x64xf32, #tpu.memory_space<vmem_shared>>
      tpu.enqueue_indirect_dma source(%arg12 : memref<128x64xf32, #tpu.memory_space<vmem>>) target(%dma_start3A_246 : memref<10240x64xf32, #tpu.memory_space<vmem_shared>>) offsets(%dma_start3A_243 : memref<128xi32, #tpu.memory_space<vmem>>) semaphore(%arg24 : memref<!tpu.dma_semaphore, #tpu.memory_space<semaphore_mem>>) {add = true}
      %add3A_247 = arith.constant 0 : i32
      %add3A_248 = arith.addi %add3A_166, %add3A_247 : i32
      %dma_wait3A_249 = arith.constant 0 : i32
      %dma_wait3A_250 = tpu.memref_slice %arg7[%add3A_248, %dma_wait3A_249] : memref<160x128xi32, #tpu.memory_space<vmem>> -> memref<1x128xi32, #tpu.memory_space<vmem>>
      %dma_wait3A_251 = tpu.memref_squeeze %dma_wait3A_250 : memref<1x128xi32, #tpu.memory_space<vmem>> -> memref<128xi32, #tpu.memory_space<vmem>>
      %dma_wait3A_252 = arith.constant 0 : i32
      %dma_wait3A_253 = arith.constant 0 : i32
      %dma_wait3A_254 = tpu.memref_slice %arg14[%dma_wait3A_252, %dma_wait3A_253] : memref<10240x64xf32, #tpu.memory_space<vmem_shared>> -> memref<10240x64xf32, #tpu.memory_space<vmem_shared>>
      tpu.wait_indirect_dma semaphore(%arg20 : memref<!tpu.dma_semaphore, #tpu.memory_space<semaphore_mem>>) src(%arg8 : memref<128x64xf32, #tpu.memory_space<vmem>>) dst(%dma_wait3A_254 : memref<10240x64xf32, #tpu.memory_space<vmem_shared>>)
      %add3A_255 = arith.constant 5 : i32
      %add3A_256 = arith.addi %add3A_166, %add3A_255 : i32
      %add3A_257 = arith.constant 0 : i32
      %add3A_258 = arith.addi %add3A_256, %add3A_257 : i32
      %dma_start3A_259 = arith.constant 0 : i32
      %dma_start3A_260 = tpu.memref_slice %arg6[%add3A_258, %dma_start3A_259] : memref<160x128xi32, #tpu.memory_space<vmem>> -> memref<1x128xi32, #tpu.memory_space<vmem>>
      %dma_start3A_261 = tpu.memref_squeeze %dma_start3A_260 : memref<1x128xi32, #tpu.memory_space<vmem>> -> memref<128xi32, #tpu.memory_space<vmem>>
      %dma_start3A_262 = arith.constant 0 : i32
      %dma_start3A_263 = arith.constant 0 : i32
      %dma_start3A_264 = tpu.memref_slice %arg2[%dma_start3A_262, %dma_start3A_263] : memref<20000x64xf32, #tpu.memory_space<hbm>> -> memref<20000x64xf32, #tpu.memory_space<hbm>>
      tpu.enqueue_indirect_dma source(%dma_start3A_264 : memref<20000x64xf32, #tpu.memory_space<hbm>>) target(%arg8 : memref<128x64xf32, #tpu.memory_space<vmem>>) offsets(%dma_start3A_261 : memref<128xi32, #tpu.memory_space<vmem>>) semaphore(%arg15 : memref<!tpu.dma_semaphore, #tpu.memory_space<semaphore_mem>>)
      %add3A_265 = arith.constant 1 : i32
      %add3A_266 = arith.addi %add3A_166, %add3A_265 : i32
      %dma_wait3A_267 = arith.constant 0 : i32
      %dma_wait3A_268 = tpu.memref_slice %arg7[%add3A_266, %dma_wait3A_267] : memref<160x128xi32, #tpu.memory_space<vmem>> -> memref<1x128xi32, #tpu.memory_space<vmem>>
      %dma_wait3A_269 = tpu.memref_squeeze %dma_wait3A_268 : memref<1x128xi32, #tpu.memory_space<vmem>> -> memref<128xi32, #tpu.memory_space<vmem>>
      %dma_wait3A_270 = arith.constant 0 : i32
      %dma_wait3A_271 = arith.constant 0 : i32
      %dma_wait3A_272 = tpu.memref_slice %arg14[%dma_wait3A_270, %dma_wait3A_271] : memref<10240x64xf32, #tpu.memory_space<vmem_shared>> -> memref<10240x64xf32, #tpu.memory_space<vmem_shared>>
      tpu.wait_indirect_dma semaphore(%arg21 : memref<!tpu.dma_semaphore, #tpu.memory_space<semaphore_mem>>) src(%arg9 : memref<128x64xf32, #tpu.memory_space<vmem>>) dst(%dma_wait3A_272 : memref<10240x64xf32, #tpu.memory_space<vmem_shared>>)
      %add3A_273 = arith.constant 5 : i32
      %add3A_274 = arith.addi %add3A_166, %add3A_273 : i32
      %add3A_275 = arith.constant 1 : i32
      %add3A_276 = arith.addi %add3A_274, %add3A_275 : i32
      %dma_start3A_277 = arith.constant 0 : i32
      %dma_start3A_278 = tpu.memref_slice %arg6[%add3A_276, %dma_start3A_277] : memref<160x128xi32, #tpu.memory_space<vmem>> -> memref<1x128xi32, #tpu.memory_space<vmem>>
      %dma_start3A_279 = tpu.memref_squeeze %dma_start3A_278 : memref<1x128xi32, #tpu.memory_space<vmem>> -> memref<128xi32, #tpu.memory_space<vmem>>
      %dma_start3A_280 = arith.constant 0 : i32
      %dma_start3A_281 = arith.constant 0 : i32
      %dma_start3A_282 = tpu.memref_slice %arg2[%dma_start3A_280, %dma_start3A_281] : memref<20000x64xf32, #tpu.memory_space<hbm>> -> memref<20000x64xf32, #tpu.memory_space<hbm>>
      tpu.enqueue_indirect_dma source(%dma_start3A_282 : memref<20000x64xf32, #tpu.memory_space<hbm>>) target(%arg9 : memref<128x64xf32, #tpu.memory_space<vmem>>) offsets(%dma_start3A_279 : memref<128xi32, #tpu.memory_space<vmem>>) semaphore(%arg16 : memref<!tpu.dma_semaphore, #tpu.memory_space<semaphore_mem>>)
      %add3A_283 = arith.constant 2 : i32
      %add3A_284 = arith.addi %add3A_166, %add3A_283 : i32
      %dma_wait3A_285 = arith.constant 0 : i32
      %dma_wait3A_286 = tpu.memref_slice %arg7[%add3A_284, %dma_wait3A_285] : memref<160x128xi32, #tpu.memory_space<vmem>> -> memref<1x128xi32, #tpu.memory_space<vmem>>
      %dma_wait3A_287 = tpu.memref_squeeze %dma_wait3A_286 : memref<1x128xi32, #tpu.memory_space<vmem>> -> memref<128xi32, #tpu.memory_space<vmem>>
      %dma_wait3A_288 = arith.constant 0 : i32
      %dma_wait3A_289 = arith.constant 0 : i32
      %dma_wait3A_290 = tpu.memref_slice %arg14[%dma_wait3A_288, %dma_wait3A_289] : memref<10240x64xf32, #tpu.memory_space<vmem_shared>> -> memref<10240x64xf32, #tpu.memory_space<vmem_shared>>
      tpu.wait_indirect_dma semaphore(%arg22 : memref<!tpu.dma_semaphore, #tpu.memory_space<semaphore_mem>>) src(%arg10 : memref<128x64xf32, #tpu.memory_space<vmem>>) dst(%dma_wait3A_290 : memref<10240x64xf32, #tpu.memory_space<vmem_shared>>)
      %add3A_291 = arith.constant 5 : i32
      %add3A_292 = arith.addi %add3A_166, %add3A_291 : i32
      %add3A_293 = arith.constant 2 : i32
      %add3A_294 = arith.addi %add3A_292, %add3A_293 : i32
      %dma_start3A_295 = arith.constant 0 : i32
      %dma_start3A_296 = tpu.memref_slice %arg6[%add3A_294, %dma_start3A_295] : memref<160x128xi32, #tpu.memory_space<vmem>> -> memref<1x128xi32, #tpu.memory_space<vmem>>
      %dma_start3A_297 = tpu.memref_squeeze %dma_start3A_296 : memref<1x128xi32, #tpu.memory_space<vmem>> -> memref<128xi32, #tpu.memory_space<vmem>>
      %dma_start3A_298 = arith.constant 0 : i32
      %dma_start3A_299 = arith.constant 0 : i32
      %dma_start3A_300 = tpu.memref_slice %arg2[%dma_start3A_298, %dma_start3A_299] : memref<20000x64xf32, #tpu.memory_space<hbm>> -> memref<20000x64xf32, #tpu.memory_space<hbm>>
      tpu.enqueue_indirect_dma source(%dma_start3A_300 : memref<20000x64xf32, #tpu.memory_space<hbm>>) target(%arg10 : memref<128x64xf32, #tpu.memory_space<vmem>>) offsets(%dma_start3A_297 : memref<128xi32, #tpu.memory_space<vmem>>) semaphore(%arg17 : memref<!tpu.dma_semaphore, #tpu.memory_space<semaphore_mem>>)
      %add3A_301 = arith.constant 3 : i32
      %add3A_302 = arith.addi %add3A_166, %add3A_301 : i32
      %dma_wait3A_303 = arith.constant 0 : i32
      %dma_wait3A_304 = tpu.memref_slice %arg7[%add3A_302, %dma_wait3A_303] : memref<160x128xi32, #tpu.memory_space<vmem>> -> memref<1x128xi32, #tpu.memory_space<vmem>>
      %dma_wait3A_305 = tpu.memref_squeeze %dma_wait3A_304 : memref<1x128xi32, #tpu.memory_space<vmem>> -> memref<128xi32, #tpu.memory_space<vmem>>
      %dma_wait3A_306 = arith.constant 0 : i32
      %dma_wait3A_307 = arith.constant 0 : i32
      %dma_wait3A_308 = tpu.memref_slice %arg14[%dma_wait3A_306, %dma_wait3A_307] : memref<10240x64xf32, #tpu.memory_space<vmem_shared>> -> memref<10240x64xf32, #tpu.memory_space<vmem_shared>>
      tpu.wait_indirect_dma semaphore(%arg23 : memref<!tpu.dma_semaphore, #tpu.memory_space<semaphore_mem>>) src(%arg11 : memref<128x64xf32, #tpu.memory_space<vmem>>) dst(%dma_wait3A_308 : memref<10240x64xf32, #tpu.memory_space<vmem_shared>>)
      %add3A_309 = arith.constant 5 : i32
      %add3A_310 = arith.addi %add3A_166, %add3A_309 : i32
      %add3A_311 = arith.constant 3 : i32
      %add3A_312 = arith.addi %add3A_310, %add3A_311 : i32
      %dma_start3A_313 = arith.constant 0 : i32
      %dma_start3A_314 = tpu.memref_slice %arg6[%add3A_312, %dma_start3A_313] : memref<160x128xi32, #tpu.memory_space<vmem>> -> memref<1x128xi32, #tpu.memory_space<vmem>>
      %dma_start3A_315 = tpu.memref_squeeze %dma_start3A_314 : memref<1x128xi32, #tpu.memory_space<vmem>> -> memref<128xi32, #tpu.memory_space<vmem>>
      %dma_start3A_316 = arith.constant 0 : i32
      %dma_start3A_317 = arith.constant 0 : i32
      %dma_start3A_318 = tpu.memref_slice %arg2[%dma_start3A_316, %dma_start3A_317] : memref<20000x64xf32, #tpu.memory_space<hbm>> -> memref<20000x64xf32, #tpu.memory_space<hbm>>
      tpu.enqueue_indirect_dma source(%dma_start3A_318 : memref<20000x64xf32, #tpu.memory_space<hbm>>) target(%arg11 : memref<128x64xf32, #tpu.memory_space<vmem>>) offsets(%dma_start3A_315 : memref<128xi32, #tpu.memory_space<vmem>>) semaphore(%arg18 : memref<!tpu.dma_semaphore, #tpu.memory_space<semaphore_mem>>)
      %add3A_319 = arith.constant 4 : i32
      %add3A_320 = arith.addi %add3A_166, %add3A_319 : i32
      %dma_wait3A_321 = arith.constant 0 : i32
      %dma_wait3A_322 = tpu.memref_slice %arg7[%add3A_320, %dma_wait3A_321] : memref<160x128xi32, #tpu.memory_space<vmem>> -> memref<1x128xi32, #tpu.memory_space<vmem>>
      %dma_wait3A_323 = tpu.memref_squeeze %dma_wait3A_322 : memref<1x128xi32, #tpu.memory_space<vmem>> -> memref<128xi32, #tpu.memory_space<vmem>>
      %dma_wait3A_324 = arith.constant 0 : i32
      %dma_wait3A_325 = arith.constant 0 : i32
      %dma_wait3A_326 = tpu.memref_slice %arg14[%dma_wait3A_324, %dma_wait3A_325] : memref<10240x64xf32, #tpu.memory_space<vmem_shared>> -> memref<10240x64xf32, #tpu.memory_space<vmem_shared>>
      tpu.wait_indirect_dma semaphore(%arg24 : memref<!tpu.dma_semaphore, #tpu.memory_space<semaphore_mem>>) src(%arg12 : memref<128x64xf32, #tpu.memory_space<vmem>>) dst(%dma_wait3A_326 : memref<10240x64xf32, #tpu.memory_space<vmem_shared>>)
      %add3A_327 = arith.constant 5 : i32
      %add3A_328 = arith.addi %add3A_166, %add3A_327 : i32
      %add3A_329 = arith.constant 4 : i32
      %add3A_330 = arith.addi %add3A_328, %add3A_329 : i32
      %dma_start3A_331 = arith.constant 0 : i32
      %dma_start3A_332 = tpu.memref_slice %arg6[%add3A_330, %dma_start3A_331] : memref<160x128xi32, #tpu.memory_space<vmem>> -> memref<1x128xi32, #tpu.memory_space<vmem>>
      %dma_start3A_333 = tpu.memref_squeeze %dma_start3A_332 : memref<1x128xi32, #tpu.memory_space<vmem>> -> memref<128xi32, #tpu.memory_space<vmem>>
      %dma_start3A_334 = arith.constant 0 : i32
      %dma_start3A_335 = arith.constant 0 : i32
      %dma_start3A_336 = tpu.memref_slice %arg2[%dma_start3A_334, %dma_start3A_335] : memref<20000x64xf32, #tpu.memory_space<hbm>> -> memref<20000x64xf32, #tpu.memory_space<hbm>>
      tpu.enqueue_indirect_dma source(%dma_start3A_336 : memref<20000x64xf32, #tpu.memory_space<hbm>>) target(%arg12 : memref<128x64xf32, #tpu.memory_space<vmem>>) offsets(%dma_start3A_333 : memref<128xi32, #tpu.memory_space<vmem>>) semaphore(%arg19 : memref<!tpu.dma_semaphore, #tpu.memory_space<semaphore_mem>>)
    }
    %scan3A_52 = arith.constant 31 : i32
    %dma_wait3A = arith.constant 155 : i32
    %dma_wait3A_53 = arith.constant 0 : i32
    %dma_wait3A_54 = tpu.memref_slice %arg6[%dma_wait3A, %dma_wait3A_53] : memref<160x128xi32, #tpu.memory_space<vmem>> -> memref<1x128xi32, #tpu.memory_space<vmem>>
    %dma_wait3A_55 = tpu.memref_squeeze %dma_wait3A_54 : memref<1x128xi32, #tpu.memory_space<vmem>> -> memref<128xi32, #tpu.memory_space<vmem>>
    %dma_wait3A_56 = arith.constant 0 : i32
    %dma_wait3A_57 = arith.constant 0 : i32
    %dma_wait3A_58 = tpu.memref_slice %arg2[%dma_wait3A_56, %dma_wait3A_57] : memref<20000x64xf32, #tpu.memory_space<hbm>> -> memref<20000x64xf32, #tpu.memory_space<hbm>>
    tpu.wait_indirect_dma semaphore(%arg15 : memref<!tpu.dma_semaphore, #tpu.memory_space<semaphore_mem>>) src(%dma_wait3A_58 : memref<20000x64xf32, #tpu.memory_space<hbm>>) dst(%arg8 : memref<128x64xf32, #tpu.memory_space<vmem>>)
    %dma_start3A_59 = arith.constant 155 : i32
    %dma_start3A_60 = arith.constant 0 : i32
    %dma_start3A_61 = tpu.memref_slice %arg7[%dma_start3A_59, %dma_start3A_60] : memref<160x128xi32, #tpu.memory_space<vmem>> -> memref<1x128xi32, #tpu.memory_space<vmem>>
    %dma_start3A_62 = tpu.memref_squeeze %dma_start3A_61 : memref<1x128xi32, #tpu.memory_space<vmem>> -> memref<128xi32, #tpu.memory_space<vmem>>
    %dma_start3A_63 = arith.constant 0 : i32
    %dma_start3A_64 = arith.constant 0 : i32
    %dma_start3A_65 = tpu.memref_slice %arg14[%dma_start3A_63, %dma_start3A_64] : memref<10240x64xf32, #tpu.memory_space<vmem_shared>> -> memref<10240x64xf32, #tpu.memory_space<vmem_shared>>
    tpu.enqueue_indirect_dma source(%arg8 : memref<128x64xf32, #tpu.memory_space<vmem>>) target(%dma_start3A_65 : memref<10240x64xf32, #tpu.memory_space<vmem_shared>>) offsets(%dma_start3A_62 : memref<128xi32, #tpu.memory_space<vmem>>) semaphore(%arg20 : memref<!tpu.dma_semaphore, #tpu.memory_space<semaphore_mem>>) {add = true}
    %dma_wait3A_66 = arith.constant 156 : i32
    %dma_wait3A_67 = arith.constant 0 : i32
    %dma_wait3A_68 = tpu.memref_slice %arg6[%dma_wait3A_66, %dma_wait3A_67] : memref<160x128xi32, #tpu.memory_space<vmem>> -> memref<1x128xi32, #tpu.memory_space<vmem>>
    %dma_wait3A_69 = tpu.memref_squeeze %dma_wait3A_68 : memref<1x128xi32, #tpu.memory_space<vmem>> -> memref<128xi32, #tpu.memory_space<vmem>>
    %dma_wait3A_70 = arith.constant 0 : i32
    %dma_wait3A_71 = arith.constant 0 : i32
    %dma_wait3A_72 = tpu.memref_slice %arg2[%dma_wait3A_70, %dma_wait3A_71] : memref<20000x64xf32, #tpu.memory_space<hbm>> -> memref<20000x64xf32, #tpu.memory_space<hbm>>
    tpu.wait_indirect_dma semaphore(%arg16 : memref<!tpu.dma_semaphore, #tpu.memory_space<semaphore_mem>>) src(%dma_wait3A_72 : memref<20000x64xf32, #tpu.memory_space<hbm>>) dst(%arg9 : memref<128x64xf32, #tpu.memory_space<vmem>>)
    %dma_start3A_73 = arith.constant 156 : i32
    %dma_start3A_74 = arith.constant 0 : i32
    %dma_start3A_75 = tpu.memref_slice %arg7[%dma_start3A_73, %dma_start3A_74] : memref<160x128xi32, #tpu.memory_space<vmem>> -> memref<1x128xi32, #tpu.memory_space<vmem>>
    %dma_start3A_76 = tpu.memref_squeeze %dma_start3A_75 : memref<1x128xi32, #tpu.memory_space<vmem>> -> memref<128xi32, #tpu.memory_space<vmem>>
    %dma_start3A_77 = arith.constant 0 : i32
    %dma_start3A_78 = arith.constant 0 : i32
    %dma_start3A_79 = tpu.memref_slice %arg14[%dma_start3A_77, %dma_start3A_78] : memref<10240x64xf32, #tpu.memory_space<vmem_shared>> -> memref<10240x64xf32, #tpu.memory_space<vmem_shared>>
    tpu.enqueue_indirect_dma source(%arg9 : memref<128x64xf32, #tpu.memory_space<vmem>>) target(%dma_start3A_79 : memref<10240x64xf32, #tpu.memory_space<vmem_shared>>) offsets(%dma_start3A_76 : memref<128xi32, #tpu.memory_space<vmem>>) semaphore(%arg21 : memref<!tpu.dma_semaphore, #tpu.memory_space<semaphore_mem>>) {add = true}
    %dma_wait3A_80 = arith.constant 157 : i32
    %dma_wait3A_81 = arith.constant 0 : i32
    %dma_wait3A_82 = tpu.memref_slice %arg6[%dma_wait3A_80, %dma_wait3A_81] : memref<160x128xi32, #tpu.memory_space<vmem>> -> memref<1x128xi32, #tpu.memory_space<vmem>>
    %dma_wait3A_83 = tpu.memref_squeeze %dma_wait3A_82 : memref<1x128xi32, #tpu.memory_space<vmem>> -> memref<128xi32, #tpu.memory_space<vmem>>
    %dma_wait3A_84 = arith.constant 0 : i32
    %dma_wait3A_85 = arith.constant 0 : i32
    %dma_wait3A_86 = tpu.memref_slice %arg2[%dma_wait3A_84, %dma_wait3A_85] : memref<20000x64xf32, #tpu.memory_space<hbm>> -> memref<20000x64xf32, #tpu.memory_space<hbm>>
    tpu.wait_indirect_dma semaphore(%arg17 : memref<!tpu.dma_semaphore, #tpu.memory_space<semaphore_mem>>) src(%dma_wait3A_86 : memref<20000x64xf32, #tpu.memory_space<hbm>>) dst(%arg10 : memref<128x64xf32, #tpu.memory_space<vmem>>)
    %dma_start3A_87 = arith.constant 157 : i32
    %dma_start3A_88 = arith.constant 0 : i32
    %dma_start3A_89 = tpu.memref_slice %arg7[%dma_start3A_87, %dma_start3A_88] : memref<160x128xi32, #tpu.memory_space<vmem>> -> memref<1x128xi32, #tpu.memory_space<vmem>>
    %dma_start3A_90 = tpu.memref_squeeze %dma_start3A_89 : memref<1x128xi32, #tpu.memory_space<vmem>> -> memref<128xi32, #tpu.memory_space<vmem>>
    %dma_start3A_91 = arith.constant 0 : i32
    %dma_start3A_92 = arith.constant 0 : i32
    %dma_start3A_93 = tpu.memref_slice %arg14[%dma_start3A_91, %dma_start3A_92] : memref<10240x64xf32, #tpu.memory_space<vmem_shared>> -> memref<10240x64xf32, #tpu.memory_space<vmem_shared>>
    tpu.enqueue_indirect_dma source(%arg10 : memref<128x64xf32, #tpu.memory_space<vmem>>) target(%dma_start3A_93 : memref<10240x64xf32, #tpu.memory_space<vmem_shared>>) offsets(%dma_start3A_90 : memref<128xi32, #tpu.memory_space<vmem>>) semaphore(%arg22 : memref<!tpu.dma_semaphore, #tpu.memory_space<semaphore_mem>>) {add = true}
    %dma_wait3A_94 = arith.constant 158 : i32
    %dma_wait3A_95 = arith.constant 0 : i32
    %dma_wait3A_96 = tpu.memref_slice %arg6[%dma_wait3A_94, %dma_wait3A_95] : memref<160x128xi32, #tpu.memory_space<vmem>> -> memref<1x128xi32, #tpu.memory_space<vmem>>
    %dma_wait3A_97 = tpu.memref_squeeze %dma_wait3A_96 : memref<1x128xi32, #tpu.memory_space<vmem>> -> memref<128xi32, #tpu.memory_space<vmem>>
    %dma_wait3A_98 = arith.constant 0 : i32
    %dma_wait3A_99 = arith.constant 0 : i32
    %dma_wait3A_100 = tpu.memref_slice %arg2[%dma_wait3A_98, %dma_wait3A_99] : memref<20000x64xf32, #tpu.memory_space<hbm>> -> memref<20000x64xf32, #tpu.memory_space<hbm>>
    tpu.wait_indirect_dma semaphore(%arg18 : memref<!tpu.dma_semaphore, #tpu.memory_space<semaphore_mem>>) src(%dma_wait3A_100 : memref<20000x64xf32, #tpu.memory_space<hbm>>) dst(%arg11 : memref<128x64xf32, #tpu.memory_space<vmem>>)
    %dma_start3A_101 = arith.constant 158 : i32
    %dma_start3A_102 = arith.constant 0 : i32
    %dma_start3A_103 = tpu.memref_slice %arg7[%dma_start3A_101, %dma_start3A_102] : memref<160x128xi32, #tpu.memory_space<vmem>> -> memref<1x128xi32, #tpu.memory_space<vmem>>
    %dma_start3A_104 = tpu.memref_squeeze %dma_start3A_103 : memref<1x128xi32, #tpu.memory_space<vmem>> -> memref<128xi32, #tpu.memory_space<vmem>>
    %dma_start3A_105 = arith.constant 0 : i32
    %dma_start3A_106 = arith.constant 0 : i32
    %dma_start3A_107 = tpu.memref_slice %arg14[%dma_start3A_105, %dma_start3A_106] : memref<10240x64xf32, #tpu.memory_space<vmem_shared>> -> memref<10240x64xf32, #tpu.memory_space<vmem_shared>>
    tpu.enqueue_indirect_dma source(%arg11 : memref<128x64xf32, #tpu.memory_space<vmem>>) target(%dma_start3A_107 : memref<10240x64xf32, #tpu.memory_space<vmem_shared>>) offsets(%dma_start3A_104 : memref<128xi32, #tpu.memory_space<vmem>>) semaphore(%arg23 : memref<!tpu.dma_semaphore, #tpu.memory_space<semaphore_mem>>) {add = true}
    %dma_wait3A_108 = arith.constant 159 : i32
    %dma_wait3A_109 = arith.constant 0 : i32
    %dma_wait3A_110 = tpu.memref_slice %arg6[%dma_wait3A_108, %dma_wait3A_109] : memref<160x128xi32, #tpu.memory_space<vmem>> -> memref<1x128xi32, #tpu.memory_space<vmem>>
    %dma_wait3A_111 = tpu.memref_squeeze %dma_wait3A_110 : memref<1x128xi32, #tpu.memory_space<vmem>> -> memref<128xi32, #tpu.memory_space<vmem>>
    %dma_wait3A_112 = arith.constant 0 : i32
    %dma_wait3A_113 = arith.constant 0 : i32
    %dma_wait3A_114 = tpu.memref_slice %arg2[%dma_wait3A_112, %dma_wait3A_113] : memref<20000x64xf32, #tpu.memory_space<hbm>> -> memref<20000x64xf32, #tpu.memory_space<hbm>>
    tpu.wait_indirect_dma semaphore(%arg19 : memref<!tpu.dma_semaphore, #tpu.memory_space<semaphore_mem>>) src(%dma_wait3A_114 : memref<20000x64xf32, #tpu.memory_space<hbm>>) dst(%arg12 : memref<128x64xf32, #tpu.memory_space<vmem>>)
    %dma_start3A_115 = arith.constant 159 : i32
    %dma_start3A_116 = arith.constant 0 : i32
    %dma_start3A_117 = tpu.memref_slice %arg7[%dma_start3A_115, %dma_start3A_116] : memref<160x128xi32, #tpu.memory_space<vmem>> -> memref<1x128xi32, #tpu.memory_space<vmem>>
    %dma_start3A_118 = tpu.memref_squeeze %dma_start3A_117 : memref<1x128xi32, #tpu.memory_space<vmem>> -> memref<128xi32, #tpu.memory_space<vmem>>
    %dma_start3A_119 = arith.constant 0 : i32
    %dma_start3A_120 = arith.constant 0 : i32
    %dma_start3A_121 = tpu.memref_slice %arg14[%dma_start3A_119, %dma_start3A_120] : memref<10240x64xf32, #tpu.memory_space<vmem_shared>> -> memref<10240x64xf32, #tpu.memory_space<vmem_shared>>
    tpu.enqueue_indirect_dma source(%arg12 : memref<128x64xf32, #tpu.memory_space<vmem>>) target(%dma_start3A_121 : memref<10240x64xf32, #tpu.memory_space<vmem_shared>>) offsets(%dma_start3A_118 : memref<128xi32, #tpu.memory_space<vmem>>) semaphore(%arg24 : memref<!tpu.dma_semaphore, #tpu.memory_space<semaphore_mem>>) {add = true}
    %dma_wait3A_122 = arith.constant 155 : i32
    %dma_wait3A_123 = arith.constant 0 : i32
    %dma_wait3A_124 = tpu.memref_slice %arg7[%dma_wait3A_122, %dma_wait3A_123] : memref<160x128xi32, #tpu.memory_space<vmem>> -> memref<1x128xi32, #tpu.memory_space<vmem>>
    %dma_wait3A_125 = tpu.memref_squeeze %dma_wait3A_124 : memref<1x128xi32, #tpu.memory_space<vmem>> -> memref<128xi32, #tpu.memory_space<vmem>>
    %dma_wait3A_126 = arith.constant 0 : i32
    %dma_wait3A_127 = arith.constant 0 : i32
    %dma_wait3A_128 = tpu.memref_slice %arg14[%dma_wait3A_126, %dma_wait3A_127] : memref<10240x64xf32, #tpu.memory_space<vmem_shared>> -> memref<10240x64xf32, #tpu.memory_space<vmem_shared>>
    tpu.wait_indirect_dma semaphore(%arg20 : memref<!tpu.dma_semaphore, #tpu.memory_space<semaphore_mem>>) src(%arg8 : memref<128x64xf32, #tpu.memory_space<vmem>>) dst(%dma_wait3A_128 : memref<10240x64xf32, #tpu.memory_space<vmem_shared>>)
    %dma_wait3A_129 = arith.constant 156 : i32
    %dma_wait3A_130 = arith.constant 0 : i32
    %dma_wait3A_131 = tpu.memref_slice %arg7[%dma_wait3A_129, %dma_wait3A_130] : memref<160x128xi32, #tpu.memory_space<vmem>> -> memref<1x128xi32, #tpu.memory_space<vmem>>
    %dma_wait3A_132 = tpu.memref_squeeze %dma_wait3A_131 : memref<1x128xi32, #tpu.memory_space<vmem>> -> memref<128xi32, #tpu.memory_space<vmem>>
    %dma_wait3A_133 = arith.constant 0 : i32
    %dma_wait3A_134 = arith.constant 0 : i32
    %dma_wait3A_135 = tpu.memref_slice %arg14[%dma_wait3A_133, %dma_wait3A_134] : memref<10240x64xf32, #tpu.memory_space<vmem_shared>> -> memref<10240x64xf32, #tpu.memory_space<vmem_shared>>
    tpu.wait_indirect_dma semaphore(%arg21 : memref<!tpu.dma_semaphore, #tpu.memory_space<semaphore_mem>>) src(%arg9 : memref<128x64xf32, #tpu.memory_space<vmem>>) dst(%dma_wait3A_135 : memref<10240x64xf32, #tpu.memory_space<vmem_shared>>)
    %dma_wait3A_136 = arith.constant 157 : i32
    %dma_wait3A_137 = arith.constant 0 : i32
    %dma_wait3A_138 = tpu.memref_slice %arg7[%dma_wait3A_136, %dma_wait3A_137] : memref<160x128xi32, #tpu.memory_space<vmem>> -> memref<1x128xi32, #tpu.memory_space<vmem>>
    %dma_wait3A_139 = tpu.memref_squeeze %dma_wait3A_138 : memref<1x128xi32, #tpu.memory_space<vmem>> -> memref<128xi32, #tpu.memory_space<vmem>>
    %dma_wait3A_140 = arith.constant 0 : i32
    %dma_wait3A_141 = arith.constant 0 : i32
    %dma_wait3A_142 = tpu.memref_slice %arg14[%dma_wait3A_140, %dma_wait3A_141] : memref<10240x64xf32, #tpu.memory_space<vmem_shared>> -> memref<10240x64xf32, #tpu.memory_space<vmem_shared>>
    tpu.wait_indirect_dma semaphore(%arg22 : memref<!tpu.dma_semaphore, #tpu.memory_space<semaphore_mem>>) src(%arg10 : memref<128x64xf32, #tpu.memory_space<vmem>>) dst(%dma_wait3A_142 : memref<10240x64xf32, #tpu.memory_space<vmem_shared>>)
    %dma_wait3A_143 = arith.constant 158 : i32
    %dma_wait3A_144 = arith.constant 0 : i32
    %dma_wait3A_145 = tpu.memref_slice %arg7[%dma_wait3A_143, %dma_wait3A_144] : memref<160x128xi32, #tpu.memory_space<vmem>> -> memref<1x128xi32, #tpu.memory_space<vmem>>
    %dma_wait3A_146 = tpu.memref_squeeze %dma_wait3A_145 : memref<1x128xi32, #tpu.memory_space<vmem>> -> memref<128xi32, #tpu.memory_space<vmem>>
    %dma_wait3A_147 = arith.constant 0 : i32
    %dma_wait3A_148 = arith.constant 0 : i32
    %dma_wait3A_149 = tpu.memref_slice %arg14[%dma_wait3A_147, %dma_wait3A_148] : memref<10240x64xf32, #tpu.memory_space<vmem_shared>> -> memref<10240x64xf32, #tpu.memory_space<vmem_shared>>
    tpu.wait_indirect_dma semaphore(%arg23 : memref<!tpu.dma_semaphore, #tpu.memory_space<semaphore_mem>>) src(%arg11 : memref<128x64xf32, #tpu.memory_space<vmem>>) dst(%dma_wait3A_149 : memref<10240x64xf32, #tpu.memory_space<vmem_shared>>)
    %dma_wait3A_150 = arith.constant 159 : i32
    %dma_wait3A_151 = arith.constant 0 : i32
    %dma_wait3A_152 = tpu.memref_slice %arg7[%dma_wait3A_150, %dma_wait3A_151] : memref<160x128xi32, #tpu.memory_space<vmem>> -> memref<1x128xi32, #tpu.memory_space<vmem>>
    %dma_wait3A_153 = tpu.memref_squeeze %dma_wait3A_152 : memref<1x128xi32, #tpu.memory_space<vmem>> -> memref<128xi32, #tpu.memory_space<vmem>>
    %dma_wait3A_154 = arith.constant 0 : i32
    %dma_wait3A_155 = arith.constant 0 : i32
    %dma_wait3A_156 = tpu.memref_slice %arg14[%dma_wait3A_154, %dma_wait3A_155] : memref<10240x64xf32, #tpu.memory_space<vmem_shared>> -> memref<10240x64xf32, #tpu.memory_space<vmem_shared>>
    tpu.wait_indirect_dma semaphore(%arg24 : memref<!tpu.dma_semaphore, #tpu.memory_space<semaphore_mem>>) src(%arg12 : memref<128x64xf32, #tpu.memory_space<vmem>>) dst(%dma_wait3A_156 : memref<10240x64xf32, #tpu.memory_space<vmem_shared>>)
    %barrier3A_157 = arith.constant 0 : index
    tpu.barrier barrier_id(%barrier3A_157)
    %mul3A = arith.constant 640 : i32
    %mul3A_158 = arith.muli %arg1, %mul3A : i32
    %mul3A_159 = arith.constant 640 : i32
    %mul3A_160 = arith.muli %arg1, %mul3A_159 : i32
    %mul3A_161 = arith.constant 64 : i32
    %mul3A_162 = arith.muli %arg0, %mul3A_161 : i32
    "tpu.region"() ({
      %run_scoped3A = tpu.sem_alloc : memref<!tpu.dma_semaphore, #tpu.memory_space<semaphore_mem>>
      %dma_start3A_163 = tpu.memref_slice %arg5[%mul3A_160, %mul3A_162] : memref<10240x128xf32, #tpu.memory_space<hbm>> -> memref<640x64xf32, #tpu.memory_space<hbm>>
      %dma_start3A_164 = arith.constant 0 : i32
      %dma_start3A_165 = tpu.memref_slice %arg14[%mul3A_158, %dma_start3A_164] : memref<10240x64xf32, #tpu.memory_space<vmem_shared>> -> memref<640x64xf32, #tpu.memory_space<vmem_shared>>
      tpu.enqueue_dma source(%dma_start3A_165 : memref<640x64xf32, #tpu.memory_space<vmem_shared>>) target(%dma_start3A_163 : memref<640x64xf32, #tpu.memory_space<hbm>>) target_semaphore(%run_scoped3A : memref<!tpu.dma_semaphore, #tpu.memory_space<semaphore_mem>>)
      %dma_wait3A_166 = tpu.memref_slice %arg5[%mul3A_160, %mul3A_162] : memref<10240x128xf32, #tpu.memory_space<hbm>> -> memref<640x64xf32, #tpu.memory_space<hbm>>
      %dma_wait3A_167 = arith.constant 0 : i32
      %dma_wait3A_168 = tpu.memref_slice %arg14[%mul3A_158, %dma_wait3A_167] : memref<10240x64xf32, #tpu.memory_space<vmem_shared>> -> memref<640x64xf32, #tpu.memory_space<vmem_shared>>
      tpu.wait_dma2 semaphore(%run_scoped3A : memref<!tpu.dma_semaphore, #tpu.memory_space<semaphore_mem>>) src(%dma_wait3A_168 : memref<640x64xf32, #tpu.memory_space<vmem_shared>>) dst(%dma_wait3A_166 : memref<640x64xf32, #tpu.memory_space<hbm>>)
      tpu.yield
    }) : () -> ()
    return
  }
}

#map = affine_map<(d0, d1) -> (0, 0, 0)>
#map1 = affine_map<(d0, d1) -> (0, 0)>
module attributes {stable_mosaic.version = 14 : i64} {
  func.func @k(%arg0: i32, %arg1: i32, %arg2: memref<32x125x80xi32, #tpu.memory_space<hbm>>, %arg3: memref<2x10240xf32, #tpu.memory_space<hbm>>, %arg4: memref<125x80xi32, #tpu.memory_space<vmem>>, %arg5: memref<80xf32, #tpu.memory_space<vmem>>, %arg6: memref<640xf32, #tpu.memory_space<vmem>>, %arg7: memref<10240xf32, #tpu.memory_space<vmem_shared>>, %arg8: memref<!tpu.dma_semaphore, #tpu.memory_space<semaphore_mem>>) attributes {dimension_semantics = [#tpu.dimension_semantics<core_parallel>, #tpu.dimension_semantics<subcore_parallel>], iteration_bounds = array<i64: 2, 16>, scalar_prefetch = 0 : i64, scratch_operands = 5 : i64, tpu.core_type = #tpu.core_type<sc_vector_subcore>, window_params = [{transform_indices = #map}, {transform_indices = #map1}]} {
    %mul3A = arith.constant 2 : i32
    %mul3A_0 = arith.muli %arg1, %mul3A : i32
    %add3A = arith.addi %mul3A_0, %arg0 : i32
    %scan3A = arith.constant 0 : i32
    %scan3A_1 = arith.constant 5 : i32
    %scan3A_2 = arith.addi %scan3A, %scan3A_1 : i32
    %scan3A_3 = arith.constant 1 : i32
    scf.for %scan3A_22 = %scan3A to %scan3A_2 step %scan3A_3  : i32 {
      %mul3A_23 = arith.constant 16 : i32
      %mul3A_24 = arith.muli %scan3A_22, %mul3A_23 : i32
      %add3A_25 = arith.constant 0 : i32
      %add3A_26 = arith.addi %add3A_25, %mul3A_24 : i32
      %broadcast_in_dim3A = arith.constant 1.000000e+00 : f32
      %broadcast_in_dim3A_27 = vector.broadcast %broadcast_in_dim3A : f32 to vector<16xf32>
      %swap3A = arith.index_cast %add3A_26 : i32 to index
      %swap3A_28 = tpu.vector_load %arg5[%swap3A] {strides = array<i32>} : memref<80xf32, #tpu.memory_space<vmem>>, vector<16xf32>,
      %swap3A_29 = vector.shape_cast %swap3A_28 : vector<16xf32> to vector<16xf32>
      %swap3A_30 = vector.shape_cast %broadcast_in_dim3A_27 : vector<16xf32> to vector<16xf32>
      tpu.vector_store %arg5[%swap3A], %swap3A_30 {strides = array<i32>} : memref<80xf32, #tpu.memory_space<vmem>>, vector<16xf32>,
    }
    %scan3A_4 = arith.constant 5 : i32
    %scan3A_5 = arith.constant 0 : i32
    %scan3A_6 = arith.constant 40 : i32
    %scan3A_7 = arith.addi %scan3A_5, %scan3A_6 : i32
    %scan3A_8 = arith.constant 1 : i32
    scf.for %scan3A_22 = %scan3A_5 to %scan3A_7 step %scan3A_8  : i32 {
      %mul3A_23 = arith.constant 16 : i32
      %mul3A_24 = arith.muli %scan3A_22, %mul3A_23 : i32
      %add3A_25 = arith.constant 0 : i32
      %add3A_26 = arith.addi %add3A_25, %mul3A_24 : i32
      %broadcast_in_dim3A = arith.constant 0.000000e+00 : f32
      %broadcast_in_dim3A_27 = vector.broadcast %broadcast_in_dim3A : f32 to vector<16xf32>
      %swap3A = arith.index_cast %add3A_26 : i32 to index
      %swap3A_28 = tpu.vector_load %arg6[%swap3A] {strides = array<i32>} : memref<640xf32, #tpu.memory_space<vmem>>, vector<16xf32>,
      %swap3A_29 = vector.shape_cast %swap3A_28 : vector<16xf32> to vector<16xf32>
      %swap3A_30 = vector.shape_cast %broadcast_in_dim3A_27 : vector<16xf32> to vector<16xf32>
      tpu.vector_store %arg6[%swap3A], %swap3A_30 {strides = array<i32>} : memref<640xf32, #tpu.memory_space<vmem>>, vector<16xf32>,
    }
    %scan3A_9 = arith.constant 40 : i32
    %mul3A_10 = arith.constant 640 : i32
    %mul3A_11 = arith.muli %arg1, %mul3A_10 : i32
    "tpu.region"() ({
      %run_scoped3A = tpu.sem_alloc : memref<!tpu.dma_semaphore, #tpu.memory_space<semaphore_mem>>
      %dma_start3A = tpu.memref_slice %arg7[%mul3A_11] : memref<10240xf32, #tpu.memory_space<vmem_shared>> -> memref<640xf32, #tpu.memory_space<vmem_shared>>
      %dma_start3A_22 = tpu.memref_slice %arg7[%mul3A_11] : memref<10240xf32, #tpu.memory_space<vmem_shared>> -> memref<640xf32, #tpu.memory_space<vmem_shared>>
      tpu.enqueue_dma source(%arg6 : memref<640xf32, #tpu.memory_space<vmem>>) target(%dma_start3A_22 : memref<640xf32, #tpu.memory_space<vmem_shared>>) target_semaphore(%run_scoped3A : memref<!tpu.dma_semaphore, #tpu.memory_space<semaphore_mem>>)
      %dma_wait3A = tpu.memref_slice %arg7[%mul3A_11] : memref<10240xf32, #tpu.memory_space<vmem_shared>> -> memref<640xf32, #tpu.memory_space<vmem_shared>>
      %dma_wait3A_23 = tpu.memref_slice %arg7[%mul3A_11] : memref<10240xf32, #tpu.memory_space<vmem_shared>> -> memref<640xf32, #tpu.memory_space<vmem_shared>>
      tpu.wait_dma2 semaphore(%run_scoped3A : memref<!tpu.dma_semaphore, #tpu.memory_space<semaphore_mem>>) src(%arg6 : memref<640xf32, #tpu.memory_space<vmem>>) dst(%dma_wait3A_23 : memref<640xf32, #tpu.memory_space<vmem_shared>>)
      tpu.yield
    }) : () -> ()
    %barrier3A = arith.constant 0 : index
    tpu.barrier barrier_id(%barrier3A)
    "tpu.region"() ({
      %run_scoped3A = tpu.sem_alloc : memref<!tpu.dma_semaphore, #tpu.memory_space<semaphore_mem>>
      %dma_start3A = arith.constant 0 : i32
      %dma_start3A_22 = arith.constant 0 : i32
      %dma_start3A_23 = tpu.memref_slice %arg2[%add3A, %dma_start3A, %dma_start3A_22] : memref<32x125x80xi32, #tpu.memory_space<hbm>> -> memref<1x125x80xi32, #tpu.memory_space<hbm>>
      %dma_start3A_24 = tpu.memref_squeeze %dma_start3A_23 : memref<1x125x80xi32, #tpu.memory_space<hbm>> -> memref<125x80xi32, #tpu.memory_space<hbm>>
      %dma_start3A_25 = arith.constant 0 : i32
      %dma_start3A_26 = arith.constant 0 : i32
      %dma_start3A_27 = tpu.memref_slice %arg2[%add3A, %dma_start3A_25, %dma_start3A_26] : memref<32x125x80xi32, #tpu.memory_space<hbm>> -> memref<1x125x80xi32, #tpu.memory_space<hbm>>
      %dma_start3A_28 = tpu.memref_squeeze %dma_start3A_27 : memref<1x125x80xi32, #tpu.memory_space<hbm>> -> memref<125x80xi32, #tpu.memory_space<hbm>>
      tpu.enqueue_dma source(%dma_start3A_28 : memref<125x80xi32, #tpu.memory_space<hbm>>) target(%arg4 : memref<125x80xi32, #tpu.memory_space<vmem>>) target_semaphore(%run_scoped3A : memref<!tpu.dma_semaphore, #tpu.memory_space<semaphore_mem>>)
      %dma_wait3A = arith.constant 0 : i32
      %dma_wait3A_29 = arith.constant 0 : i32
      %dma_wait3A_30 = tpu.memref_slice %arg2[%add3A, %dma_wait3A, %dma_wait3A_29] : memref<32x125x80xi32, #tpu.memory_space<hbm>> -> memref<1x125x80xi32, #tpu.memory_space<hbm>>
      %dma_wait3A_31 = tpu.memref_squeeze %dma_wait3A_30 : memref<1x125x80xi32, #tpu.memory_space<hbm>> -> memref<125x80xi32, #tpu.memory_space<hbm>>
      %dma_wait3A_32 = arith.constant 0 : i32
      %dma_wait3A_33 = arith.constant 0 : i32
      %dma_wait3A_34 = tpu.memref_slice %arg2[%add3A, %dma_wait3A_32, %dma_wait3A_33] : memref<32x125x80xi32, #tpu.memory_space<hbm>> -> memref<1x125x80xi32, #tpu.memory_space<hbm>>
      %dma_wait3A_35 = tpu.memref_squeeze %dma_wait3A_34 : memref<1x125x80xi32, #tpu.memory_space<hbm>> -> memref<125x80xi32, #tpu.memory_space<hbm>>
      tpu.wait_dma2 semaphore(%run_scoped3A : memref<!tpu.dma_semaphore, #tpu.memory_space<semaphore_mem>>) src(%dma_wait3A_35 : memref<125x80xi32, #tpu.memory_space<hbm>>) dst(%arg4 : memref<125x80xi32, #tpu.memory_space<vmem>>)
      tpu.yield
    }) : () -> ()
    %scan3A_12 = arith.constant 0 : i32
    %scan3A_13 = arith.constant 25 : i32
    %scan3A_14 = arith.addi %scan3A_12, %scan3A_13 : i32
    %scan3A_15 = arith.constant 1 : i32
    scf.for %scan3A_22 = %scan3A_12 to %scan3A_14 step %scan3A_15  : i32 {
      %mul3A_23 = arith.constant 5 : i32
      %mul3A_24 = arith.muli %scan3A_22, %mul3A_23 : i32
      %add3A_25 = arith.constant 0 : i32
      %add3A_26 = arith.addi %add3A_25, %mul3A_24 : i32
      %add3A_27 = arith.constant 0 : i32
      %add3A_28 = arith.addi %add3A_26, %add3A_27 : i32
      %dma_start3A = arith.constant 0 : i32
      %dma_start3A_29 = tpu.memref_slice %arg4[%add3A_28, %dma_start3A] : memref<125x80xi32, #tpu.memory_space<vmem>> -> memref<1x80xi32, #tpu.memory_space<vmem>>
      %dma_start3A_30 = tpu.memref_squeeze %dma_start3A_29 : memref<1x80xi32, #tpu.memory_space<vmem>> -> memref<80xi32, #tpu.memory_space<vmem>>
      %dma_start3A_31 = arith.constant 0 : i32
      %dma_start3A_32 = tpu.memref_slice %arg7[%dma_start3A_31] : memref<10240xf32, #tpu.memory_space<vmem_shared>> -> memref<10240xf32, #tpu.memory_space<vmem_shared>>
      tpu.enqueue_indirect_dma source(%arg5 : memref<80xf32, #tpu.memory_space<vmem>>) target(%dma_start3A_32 : memref<10240xf32, #tpu.memory_space<vmem_shared>>) offsets(%dma_start3A_30 : memref<80xi32, #tpu.memory_space<vmem>>) semaphore(%arg8 : memref<!tpu.dma_semaphore, #tpu.memory_space<semaphore_mem>>) {add = true}
      %add3A_33 = arith.constant 1 : i32
      %add3A_34 = arith.addi %add3A_26, %add3A_33 : i32
      %dma_start3A_35 = arith.constant 0 : i32
      %dma_start3A_36 = tpu.memref_slice %arg4[%add3A_34, %dma_start3A_35] : memref<125x80xi32, #tpu.memory_space<vmem>> -> memref<1x80xi32, #tpu.memory_space<vmem>>
      %dma_start3A_37 = tpu.memref_squeeze %dma_start3A_36 : memref<1x80xi32, #tpu.memory_space<vmem>> -> memref<80xi32, #tpu.memory_space<vmem>>
      %dma_start3A_38 = arith.constant 0 : i32
      %dma_start3A_39 = tpu.memref_slice %arg7[%dma_start3A_38] : memref<10240xf32, #tpu.memory_space<vmem_shared>> -> memref<10240xf32, #tpu.memory_space<vmem_shared>>
      tpu.enqueue_indirect_dma source(%arg5 : memref<80xf32, #tpu.memory_space<vmem>>) target(%dma_start3A_39 : memref<10240xf32, #tpu.memory_space<vmem_shared>>) offsets(%dma_start3A_37 : memref<80xi32, #tpu.memory_space<vmem>>) semaphore(%arg8 : memref<!tpu.dma_semaphore, #tpu.memory_space<semaphore_mem>>) {add = true}
      %add3A_40 = arith.constant 2 : i32
      %add3A_41 = arith.addi %add3A_26, %add3A_40 : i32
      %dma_start3A_42 = arith.constant 0 : i32
      %dma_start3A_43 = tpu.memref_slice %arg4[%add3A_41, %dma_start3A_42] : memref<125x80xi32, #tpu.memory_space<vmem>> -> memref<1x80xi32, #tpu.memory_space<vmem>>
      %dma_start3A_44 = tpu.memref_squeeze %dma_start3A_43 : memref<1x80xi32, #tpu.memory_space<vmem>> -> memref<80xi32, #tpu.memory_space<vmem>>
      %dma_start3A_45 = arith.constant 0 : i32
      %dma_start3A_46 = tpu.memref_slice %arg7[%dma_start3A_45] : memref<10240xf32, #tpu.memory_space<vmem_shared>> -> memref<10240xf32, #tpu.memory_space<vmem_shared>>
      tpu.enqueue_indirect_dma source(%arg5 : memref<80xf32, #tpu.memory_space<vmem>>) target(%dma_start3A_46 : memref<10240xf32, #tpu.memory_space<vmem_shared>>) offsets(%dma_start3A_44 : memref<80xi32, #tpu.memory_space<vmem>>) semaphore(%arg8 : memref<!tpu.dma_semaphore, #tpu.memory_space<semaphore_mem>>) {add = true}
      %add3A_47 = arith.constant 3 : i32
      %add3A_48 = arith.addi %add3A_26, %add3A_47 : i32
      %dma_start3A_49 = arith.constant 0 : i32
      %dma_start3A_50 = tpu.memref_slice %arg4[%add3A_48, %dma_start3A_49] : memref<125x80xi32, #tpu.memory_space<vmem>> -> memref<1x80xi32, #tpu.memory_space<vmem>>
      %dma_start3A_51 = tpu.memref_squeeze %dma_start3A_50 : memref<1x80xi32, #tpu.memory_space<vmem>> -> memref<80xi32, #tpu.memory_space<vmem>>
      %dma_start3A_52 = arith.constant 0 : i32
      %dma_start3A_53 = tpu.memref_slice %arg7[%dma_start3A_52] : memref<10240xf32, #tpu.memory_space<vmem_shared>> -> memref<10240xf32, #tpu.memory_space<vmem_shared>>
      tpu.enqueue_indirect_dma source(%arg5 : memref<80xf32, #tpu.memory_space<vmem>>) target(%dma_start3A_53 : memref<10240xf32, #tpu.memory_space<vmem_shared>>) offsets(%dma_start3A_51 : memref<80xi32, #tpu.memory_space<vmem>>) semaphore(%arg8 : memref<!tpu.dma_semaphore, #tpu.memory_space<semaphore_mem>>) {add = true}
      %add3A_54 = arith.constant 4 : i32
      %add3A_55 = arith.addi %add3A_26, %add3A_54 : i32
      %dma_start3A_56 = arith.constant 0 : i32
      %dma_start3A_57 = tpu.memref_slice %arg4[%add3A_55, %dma_start3A_56] : memref<125x80xi32, #tpu.memory_space<vmem>> -> memref<1x80xi32, #tpu.memory_space<vmem>>
      %dma_start3A_58 = tpu.memref_squeeze %dma_start3A_57 : memref<1x80xi32, #tpu.memory_space<vmem>> -> memref<80xi32, #tpu.memory_space<vmem>>
      %dma_start3A_59 = arith.constant 0 : i32
      %dma_start3A_60 = tpu.memref_slice %arg7[%dma_start3A_59] : memref<10240xf32, #tpu.memory_space<vmem_shared>> -> memref<10240xf32, #tpu.memory_space<vmem_shared>>
      tpu.enqueue_indirect_dma source(%arg5 : memref<80xf32, #tpu.memory_space<vmem>>) target(%dma_start3A_60 : memref<10240xf32, #tpu.memory_space<vmem_shared>>) offsets(%dma_start3A_58 : memref<80xi32, #tpu.memory_space<vmem>>) semaphore(%arg8 : memref<!tpu.dma_semaphore, #tpu.memory_space<semaphore_mem>>) {add = true}
      %add3A_61 = arith.constant 0 : i32
      %add3A_62 = arith.addi %add3A_26, %add3A_61 : i32
      %dma_wait3A = arith.constant 0 : i32
      %dma_wait3A_63 = tpu.memref_slice %arg4[%add3A_62, %dma_wait3A] : memref<125x80xi32, #tpu.memory_space<vmem>> -> memref<1x80xi32, #tpu.memory_space<vmem>>
      %dma_wait3A_64 = tpu.memref_squeeze %dma_wait3A_63 : memref<1x80xi32, #tpu.memory_space<vmem>> -> memref<80xi32, #tpu.memory_space<vmem>>
      %dma_wait3A_65 = arith.constant 0 : i32
      %dma_wait3A_66 = tpu.memref_slice %arg7[%dma_wait3A_65] : memref<10240xf32, #tpu.memory_space<vmem_shared>> -> memref<10240xf32, #tpu.memory_space<vmem_shared>>
      tpu.wait_indirect_dma semaphore(%arg8 : memref<!tpu.dma_semaphore, #tpu.memory_space<semaphore_mem>>) src(%arg5 : memref<80xf32, #tpu.memory_space<vmem>>) dst(%dma_wait3A_66 : memref<10240xf32, #tpu.memory_space<vmem_shared>>)
      %add3A_67 = arith.constant 1 : i32
      %add3A_68 = arith.addi %add3A_26, %add3A_67 : i32
      %dma_wait3A_69 = arith.constant 0 : i32
      %dma_wait3A_70 = tpu.memref_slice %arg4[%add3A_68, %dma_wait3A_69] : memref<125x80xi32, #tpu.memory_space<vmem>> -> memref<1x80xi32, #tpu.memory_space<vmem>>
      %dma_wait3A_71 = tpu.memref_squeeze %dma_wait3A_70 : memref<1x80xi32, #tpu.memory_space<vmem>> -> memref<80xi32, #tpu.memory_space<vmem>>
      %dma_wait3A_72 = arith.constant 0 : i32
      %dma_wait3A_73 = tpu.memref_slice %arg7[%dma_wait3A_72] : memref<10240xf32, #tpu.memory_space<vmem_shared>> -> memref<10240xf32, #tpu.memory_space<vmem_shared>>
      tpu.wait_indirect_dma semaphore(%arg8 : memref<!tpu.dma_semaphore, #tpu.memory_space<semaphore_mem>>) src(%arg5 : memref<80xf32, #tpu.memory_space<vmem>>) dst(%dma_wait3A_73 : memref<10240xf32, #tpu.memory_space<vmem_shared>>)
      %add3A_74 = arith.constant 2 : i32
      %add3A_75 = arith.addi %add3A_26, %add3A_74 : i32
      %dma_wait3A_76 = arith.constant 0 : i32
      %dma_wait3A_77 = tpu.memref_slice %arg4[%add3A_75, %dma_wait3A_76] : memref<125x80xi32, #tpu.memory_space<vmem>> -> memref<1x80xi32, #tpu.memory_space<vmem>>
      %dma_wait3A_78 = tpu.memref_squeeze %dma_wait3A_77 : memref<1x80xi32, #tpu.memory_space<vmem>> -> memref<80xi32, #tpu.memory_space<vmem>>
      %dma_wait3A_79 = arith.constant 0 : i32
      %dma_wait3A_80 = tpu.memref_slice %arg7[%dma_wait3A_79] : memref<10240xf32, #tpu.memory_space<vmem_shared>> -> memref<10240xf32, #tpu.memory_space<vmem_shared>>
      tpu.wait_indirect_dma semaphore(%arg8 : memref<!tpu.dma_semaphore, #tpu.memory_space<semaphore_mem>>) src(%arg5 : memref<80xf32, #tpu.memory_space<vmem>>) dst(%dma_wait3A_80 : memref<10240xf32, #tpu.memory_space<vmem_shared>>)
      %add3A_81 = arith.constant 3 : i32
      %add3A_82 = arith.addi %add3A_26, %add3A_81 : i32
      %dma_wait3A_83 = arith.constant 0 : i32
      %dma_wait3A_84 = tpu.memref_slice %arg4[%add3A_82, %dma_wait3A_83] : memref<125x80xi32, #tpu.memory_space<vmem>> -> memref<1x80xi32, #tpu.memory_space<vmem>>
      %dma_wait3A_85 = tpu.memref_squeeze %dma_wait3A_84 : memref<1x80xi32, #tpu.memory_space<vmem>> -> memref<80xi32, #tpu.memory_space<vmem>>
      %dma_wait3A_86 = arith.constant 0 : i32
      %dma_wait3A_87 = tpu.memref_slice %arg7[%dma_wait3A_86] : memref<10240xf32, #tpu.memory_space<vmem_shared>> -> memref<10240xf32, #tpu.memory_space<vmem_shared>>
      tpu.wait_indirect_dma semaphore(%arg8 : memref<!tpu.dma_semaphore, #tpu.memory_space<semaphore_mem>>) src(%arg5 : memref<80xf32, #tpu.memory_space<vmem>>) dst(%dma_wait3A_87 : memref<10240xf32, #tpu.memory_space<vmem_shared>>)
      %add3A_88 = arith.constant 4 : i32
      %add3A_89 = arith.addi %add3A_26, %add3A_88 : i32
      %dma_wait3A_90 = arith.constant 0 : i32
      %dma_wait3A_91 = tpu.memref_slice %arg4[%add3A_89, %dma_wait3A_90] : memref<125x80xi32, #tpu.memory_space<vmem>> -> memref<1x80xi32, #tpu.memory_space<vmem>>
      %dma_wait3A_92 = tpu.memref_squeeze %dma_wait3A_91 : memref<1x80xi32, #tpu.memory_space<vmem>> -> memref<80xi32, #tpu.memory_space<vmem>>
      %dma_wait3A_93 = arith.constant 0 : i32
      %dma_wait3A_94 = tpu.memref_slice %arg7[%dma_wait3A_93] : memref<10240xf32, #tpu.memory_space<vmem_shared>> -> memref<10240xf32, #tpu.memory_space<vmem_shared>>
      tpu.wait_indirect_dma semaphore(%arg8 : memref<!tpu.dma_semaphore, #tpu.memory_space<semaphore_mem>>) src(%arg5 : memref<80xf32, #tpu.memory_space<vmem>>) dst(%dma_wait3A_94 : memref<10240xf32, #tpu.memory_space<vmem_shared>>)
    }
    %scan3A_16 = arith.constant 25 : i32
    %barrier3A_17 = arith.constant 0 : index
    tpu.barrier barrier_id(%barrier3A_17)
    %mul3A_18 = arith.constant 640 : i32
    %mul3A_19 = arith.muli %arg1, %mul3A_18 : i32
    %mul3A_20 = arith.constant 640 : i32
    %mul3A_21 = arith.muli %arg1, %mul3A_20 : i32
    "tpu.region"() ({
      %run_scoped3A = tpu.sem_alloc : memref<!tpu.dma_semaphore, #tpu.memory_space<semaphore_mem>>
      %dma_start3A = tpu.memref_slice %arg3[%arg0, %mul3A_21] : memref<2x10240xf32, #tpu.memory_space<hbm>> -> memref<1x640xf32, #tpu.memory_space<hbm>>
      %dma_start3A_22 = tpu.memref_squeeze %dma_start3A : memref<1x640xf32, #tpu.memory_space<hbm>> -> memref<640xf32, #tpu.memory_space<hbm>>
      %dma_start3A_23 = tpu.memref_slice %arg7[%mul3A_19] : memref<10240xf32, #tpu.memory_space<vmem_shared>> -> memref<640xf32, #tpu.memory_space<vmem_shared>>
      tpu.enqueue_dma source(%dma_start3A_23 : memref<640xf32, #tpu.memory_space<vmem_shared>>) target(%dma_start3A_22 : memref<640xf32, #tpu.memory_space<hbm>>) target_semaphore(%run_scoped3A : memref<!tpu.dma_semaphore, #tpu.memory_space<semaphore_mem>>)
      %dma_wait3A = tpu.memref_slice %arg3[%arg0, %mul3A_21] : memref<2x10240xf32, #tpu.memory_space<hbm>> -> memref<1x640xf32, #tpu.memory_space<hbm>>
      %dma_wait3A_24 = tpu.memref_squeeze %dma_wait3A : memref<1x640xf32, #tpu.memory_space<hbm>> -> memref<640xf32, #tpu.memory_space<hbm>>
      %dma_wait3A_25 = tpu.memref_slice %arg7[%mul3A_19] : memref<10240xf32, #tpu.memory_space<vmem_shared>> -> memref<640xf32, #tpu.memory_space<vmem_shared>>
      tpu.wait_dma2 semaphore(%run_scoped3A : memref<!tpu.dma_semaphore, #tpu.memory_space<semaphore_mem>>) src(%dma_wait3A_25 : memref<640xf32, #tpu.memory_space<vmem_shared>>) dst(%dma_wait3A_24 : memref<640xf32, #tpu.memory_space<hbm>>)
      tpu.yield
    }) : () -> ()
    return
  }
}

module attributes {stable_mosaic.version = 14 : i64} {
  func.func @body(%arg0: i32, %arg1: memref<2000x128xf32, #tpu.memory_space<vmem>>, %arg2: memref<128x128xf32, #tpu.memory_space<vmem>>, %arg3: memref<2000x128xf32, #tpu.memory_space<vmem>>) attributes {dimension_semantics = [#tpu.dimension_semantics<arbitrary>], iteration_bounds = array<i64: 5>, scalar_prefetch = 0 : i64, scratch_operands = 0 : i64, tpu.core_type = #tpu.core_type<tc>, window_params = [{transform_indices = @transform_0, window_bounds = array<i64: 2000, 128>}, {pipeline_mode = #tpu.pipeline_mode<synchronous>, transform_indices = @transform_1, window_bounds = array<i64: 128, 128>}, {transform_indices = @transform_2, window_bounds = array<i64: 2000, 128>}]} {
    %get3A = arith.constant 0 : index
    %get3A_0 = arith.constant 0 : index
    %get3A_1 = vector.load %arg1[%get3A, %get3A_0] : memref<2000x128xf32, #tpu.memory_space<vmem>>, vector<2000x128xf32>
    %get3A_2 = arith.constant 0 : index
    %get3A_3 = arith.constant 0 : index
    %get3A_4 = vector.load %arg2[%get3A_2, %get3A_3] : memref<128x128xf32, #tpu.memory_space<vmem>>, vector<128x128xf32>
    %dot_general3A = arith.constant dense<0.000000e+00> : vector<2000x128xf32>
    %dot_general3A_5 = tpu.matmul %get3A_1, %get3A_4, %dot_general3A {dimension_numbers = #tpu.dot_dimension_numbers<[1], [0], [0], [1], [0, 0, 1, 1], [], []>, transpose_lhs_hint = false} : vector<2000x128xf32>, vector<128x128xf32>, vector<2000x128xf32> -> vector<2000x128xf32>
    %swap3A = arith.constant 0 : index
    %swap3A_6 = arith.constant 0 : index
    %swap3A_7 = vector.load %arg3[%swap3A, %swap3A_6] : memref<2000x128xf32, #tpu.memory_space<vmem>>, vector<2000x128xf32>
    tpu.vector_store %arg3[%swap3A, %swap3A_6], %dot_general3A_5 {strides = array<i32>} : memref<2000x128xf32, #tpu.memory_space<vmem>>, vector<2000x128xf32>,
    return
  }
  func.func @transform_0(%arg0: i32) -> (i32, i32) {
    %c0_i32 = arith.constant 0 : i32
    %c0_i32_0 = arith.constant 0 : i32
    return %arg0, %c0_i32 : i32, i32
  }
  func.func @transform_1(%arg0: i32) -> (i32, i32) {
    %c0_i32 = arith.constant 0 : i32
    %c0_i32_0 = arith.constant 0 : i32
    %c0_i32_1 = arith.constant 0 : i32
    return %c0_i32, %c0_i32_0 : i32, i32
  }
  func.func @transform_2(%arg0: i32) -> (i32, i32) {
    %c0_i32 = arith.constant 0 : i32
    %c0_i32_0 = arith.constant 0 : i32
    return %arg0, %c0_i32 : i32, i32
  }
}

module attributes {stable_mosaic.version = 14 : i64} {
  func.func @body(%arg0: i32, %arg1: memref<2000x128xf32, #tpu.memory_space<vmem>>, %arg2: memref<2000x1xf32, #tpu.memory_space<vmem>>, %arg3: memref<2000x1xf32, #tpu.memory_space<vmem>>, %arg4: memref<2000x128xf32, #tpu.memory_space<vmem>>, %arg5: memref<2000x128xf32, #tpu.memory_space<vmem>>) attributes {dimension_semantics = [#tpu.dimension_semantics<arbitrary>], iteration_bounds = array<i64: 5>, scalar_prefetch = 0 : i64, scratch_operands = 0 : i64, tpu.core_type = #tpu.core_type<tc>, window_params = [{transform_indices = @transform_0, window_bounds = array<i64: 2000, 128>}, {transform_indices = @transform_1, window_bounds = array<i64: 2000, 1>}, {transform_indices = @transform_2, window_bounds = array<i64: 2000, 1>}, {transform_indices = @transform_3, window_bounds = array<i64: 2000, 128>}, {transform_indices = @transform_4, window_bounds = array<i64: 2000, 128>}]} {
    %get3A = arith.constant 0 : index
    %get3A_0 = arith.constant 0 : index
    %get3A_1 = vector.load %arg2[%get3A, %get3A_0] : memref<2000x1xf32, #tpu.memory_space<vmem>>, vector<2000x1xf32>
    %get3A_2 = arith.constant 0 : index
    %get3A_3 = arith.constant 0 : index
    %get3A_4 = vector.load %arg3[%get3A_2, %get3A_3] : memref<2000x1xf32, #tpu.memory_space<vmem>>, vector<2000x1xf32>
    %add3A = arith.addf %get3A_1, %get3A_4 : vector<2000x1xf32>
    %add3A_5 = arith.constant 1.000000e+00 : f32
    %add3A_6 = vector.broadcast %add3A_5 : f32 to vector<2000x1xf32>
    %add3A_7 = arith.addf %add3A, %add3A_6 : vector<2000x1xf32>
    %rsqrt3A = math.rsqrt %add3A_7 : vector<2000x1xf32>
    %get3A_8 = arith.constant 0 : index
    %get3A_9 = arith.constant 0 : index
    %get3A_10 = vector.load %arg1[%get3A_8, %get3A_9] : memref<2000x128xf32, #tpu.memory_space<vmem>>, vector<2000x128xf32>
    %mul3A = vector.broadcast %rsqrt3A : vector<2000x1xf32> to vector<2000x128xf32>
    %mul3A_11 = arith.mulf %get3A_10, %mul3A : vector<2000x128xf32>
    %swap3A = arith.constant 0 : index
    %swap3A_12 = arith.constant 0 : index
    %swap3A_13 = vector.load %arg4[%swap3A, %swap3A_12] : memref<2000x128xf32, #tpu.memory_space<vmem>>, vector<2000x128xf32>
    tpu.vector_store %arg4[%swap3A, %swap3A_12], %mul3A_11 {strides = array<i32>} : memref<2000x128xf32, #tpu.memory_space<vmem>>, vector<2000x128xf32>,
    %broadcast_in_dim3A = vector.shape_cast %rsqrt3A : vector<2000x1xf32> to vector<2000x1xf32>
    %broadcast_in_dim3A_14 = vector.broadcast %broadcast_in_dim3A : vector<2000x1xf32> to vector<2000x128xf32>
    %swap3A_15 = arith.constant 0 : index
    %swap3A_16 = arith.constant 0 : index
    %swap3A_17 = vector.load %arg5[%swap3A_15, %swap3A_16] : memref<2000x128xf32, #tpu.memory_space<vmem>>, vector<2000x128xf32>
    tpu.vector_store %arg5[%swap3A_15, %swap3A_16], %broadcast_in_dim3A_14 {strides = array<i32>} : memref<2000x128xf32, #tpu.memory_space<vmem>>, vector<2000x128xf32>,
    return
  }
  func.func @transform_0(%arg0: i32) -> (i32, i32) {
    %c0_i32 = arith.constant 0 : i32
    %c0_i32_0 = arith.constant 0 : i32
    return %arg0, %c0_i32 : i32, i32
  }
  func.func @transform_1(%arg0: i32) -> (i32, i32) {
    %c0_i32 = arith.constant 0 : i32
    %c0_i32_0 = arith.constant 0 : i32
    return %arg0, %c0_i32 : i32, i32
  }
  func.func @transform_2(%arg0: i32) -> (i32, i32) {
    %c0_i32 = arith.constant 0 : i32
    %c0_i32_0 = arith.constant 0 : i32
    return %arg0, %c0_i32 : i32, i32
  }
  func.func @transform_3(%arg0: i32) -> (i32, i32) {
    %c0_i32 = arith.constant 0 : i32
    %c0_i32_0 = arith.constant 0 : i32
    return %arg0, %c0_i32 : i32, i32
  }
  func.func @transform_4(%arg0: i32) -> (i32, i32) {
    %c0_i32 = arith.constant 0 : i32
    %c0_i32_0 = arith.constant 0 : i32
    return %arg0, %c0_i32 : i32, i32
  }
}

module attributes {stable_mosaic.version = 14 : i64} {
  func.func @body(%arg0: i32, %arg1: memref<2000x128xf32, #tpu.memory_space<vmem>>, %arg2: memref<2000x128xf32, #tpu.memory_space<vmem>>, %arg3: memref<2000x128xf32, #tpu.memory_space<vmem>>, %arg4: memref<1x64xf32, #tpu.memory_space<vmem>>, %arg5: memref<2000x64xf32, #tpu.memory_space<vmem>>) attributes {dimension_semantics = [#tpu.dimension_semantics<arbitrary>], iteration_bounds = array<i64: 5>, scalar_prefetch = 0 : i64, scratch_operands = 0 : i64, tpu.core_type = #tpu.core_type<tc>, window_params = [{transform_indices = @transform_0, window_bounds = array<i64: 2000, 128>}, {transform_indices = @transform_1, window_bounds = array<i64: 2000, 128>}, {transform_indices = @transform_2, window_bounds = array<i64: 2000, 128>}, {pipeline_mode = #tpu.pipeline_mode<synchronous>, transform_indices = @transform_3, window_bounds = array<i64: 1, 64>}, {transform_indices = @transform_4, window_bounds = array<i64: 2000, 64>}]} {
    %get3A = arith.constant 0 : index
    %get3A_0 = arith.constant 0 : index
    %get3A_1 = vector.load %arg2[%get3A, %get3A_0] : memref<2000x128xf32, #tpu.memory_space<vmem>>, vector<2000x128xf32>
    %slice3A = vector.extract_strided_slice %get3A_1 {offsets = [0, 0], sizes = [2000, 64], strides = [1, 1]} : vector<2000x128xf32> to vector<2000x64xf32>
    %slice3A_2 = vector.extract_strided_slice %get3A_1 {offsets = [0, 64], sizes = [2000, 64], strides = [1, 1]} : vector<2000x128xf32> to vector<2000x64xf32>
    %add3A = arith.addf %slice3A, %slice3A_2 : vector<2000x64xf32>
    %get3A_3 = arith.constant 0 : index
    %get3A_4 = arith.constant 0 : index
    %get3A_5 = vector.load %arg1[%get3A_3, %get3A_4] : memref<2000x128xf32, #tpu.memory_space<vmem>>, vector<2000x128xf32>
    %slice3A_6 = vector.extract_strided_slice %get3A_5 {offsets = [0, 0], sizes = [2000, 64], strides = [1, 1]} : vector<2000x128xf32> to vector<2000x64xf32>
    %add3A_7 = arith.addf %add3A, %slice3A_6 : vector<2000x64xf32>
    %get3A_8 = arith.constant 0 : index
    %get3A_9 = arith.constant 0 : index
    %get3A_10 = vector.load %arg3[%get3A_8, %get3A_9] : memref<2000x128xf32, #tpu.memory_space<vmem>>, vector<2000x128xf32>
    %slice3A_11 = vector.extract_strided_slice %get3A_10 {offsets = [0, 0], sizes = [2000, 64], strides = [1, 1]} : vector<2000x128xf32> to vector<2000x64xf32>
    %mul3A = arith.mulf %slice3A_11, %add3A_7 : vector<2000x64xf32>
    %get3A_12 = arith.constant 0 : index
    %get3A_13 = arith.constant 0 : index
    %get3A_14 = vector.load %arg4[%get3A_12, %get3A_13] : memref<1x64xf32, #tpu.memory_space<vmem>>, vector<1x64xf32>
    %add3A_15 = vector.broadcast %get3A_14 : vector<1x64xf32> to vector<2000x64xf32>
    %add3A_16 = arith.addf %mul3A, %add3A_15 : vector<2000x64xf32>
    %reduce_max3A = arith.constant dense<0xFF800000> : vector<2000xf32>
    %reduce_max3A_17 = vector.multi_reduction <maximumf>, %add3A_16, %reduce_max3A [1] : vector<2000x64xf32> to vector<2000xf32>
    %broadcast_in_dim3A = vector.shape_cast %reduce_max3A_17 : vector<2000xf32> to vector<2000x1xf32>
    %sub3A = vector.broadcast %broadcast_in_dim3A : vector<2000x1xf32> to vector<2000x64xf32>
    %sub3A_18 = arith.subf %add3A_16, %sub3A : vector<2000x64xf32>
    %exp3A = math.exp %sub3A_18 : vector<2000x64xf32>
    %reduce_sum3A = arith.constant dense<0.000000e+00> : vector<2000xf32>
    %reduce_sum3A_19 = vector.multi_reduction <add>, %exp3A, %reduce_sum3A [1] : vector<2000x64xf32> to vector<2000xf32>
    %broadcast_in_dim3A_20 = vector.shape_cast %reduce_sum3A_19 : vector<2000xf32> to vector<2000x1xf32>
    %log3A = math.log %broadcast_in_dim3A_20 : vector<2000x1xf32>
    %add3A_21 = arith.addf %log3A, %broadcast_in_dim3A : vector<2000x1xf32>
    %sub3A_22 = vector.broadcast %add3A_21 : vector<2000x1xf32> to vector<2000x64xf32>
    %sub3A_23 = arith.subf %add3A_16, %sub3A_22 : vector<2000x64xf32>
    %swap3A = arith.constant 0 : index
    %swap3A_24 = arith.constant 0 : index
    %swap3A_25 = vector.load %arg5[%swap3A, %swap3A_24] : memref<2000x64xf32, #tpu.memory_space<vmem>>, vector<2000x64xf32>
    tpu.vector_store %arg5[%swap3A, %swap3A_24], %sub3A_23 {strides = array<i32>} : memref<2000x64xf32, #tpu.memory_space<vmem>>, vector<2000x64xf32>,
    return
  }
  func.func @transform_0(%arg0: i32) -> (i32, i32) {
    %c0_i32 = arith.constant 0 : i32
    %c0_i32_0 = arith.constant 0 : i32
    return %arg0, %c0_i32 : i32, i32
  }
  func.func @transform_1(%arg0: i32) -> (i32, i32) {
    %c0_i32 = arith.constant 0 : i32
    %c0_i32_0 = arith.constant 0 : i32
    return %arg0, %c0_i32 : i32, i32
  }
  func.func @transform_2(%arg0: i32) -> (i32, i32) {
    %c0_i32 = arith.constant 0 : i32
    %c0_i32_0 = arith.constant 0 : i32
    return %arg0, %c0_i32 : i32, i32
  }
  func.func @transform_3(%arg0: i32) -> (i32, i32) {
    %c0_i32 = arith.constant 0 : i32
    %c0_i32_0 = arith.constant 0 : i32
    %c0_i32_1 = arith.constant 0 : i32
    return %c0_i32, %c0_i32_0 : i32, i32
  }
  func.func @transform_4(%arg0: i32) -> (i32, i32) {
    %c0_i32 = arith.constant 0 : i32
    %c0_i32_0 = arith.constant 0 : i32
    return %arg0, %c0_i32 : i32, i32
  }
}

module attributes {stable_mosaic.version = 14 : i64} {
  func.func @body(%arg0: i32, %arg1: memref<2000x128xf32, #tpu.memory_space<vmem>>, %arg2: memref<2000x128xf32, #tpu.memory_space<vmem>>, %arg3: memref<2000x128xf32, #tpu.memory_space<vmem>>, %arg4: memref<1x128xf32, #tpu.memory_space<vmem>>, %arg5: memref<128x64xf32, #tpu.memory_space<vmem>>, %arg6: memref<2000x128xf32, #tpu.memory_space<vmem>>) attributes {dimension_semantics = [#tpu.dimension_semantics<arbitrary>], iteration_bounds = array<i64: 5>, scalar_prefetch = 0 : i64, scratch_operands = 0 : i64, tpu.core_type = #tpu.core_type<tc>, window_params = [{transform_indices = @transform_0, window_bounds = array<i64: 2000, 128>}, {transform_indices = @transform_1, window_bounds = array<i64: 2000, 128>}, {transform_indices = @transform_2, window_bounds = array<i64: 2000, 128>}, {pipeline_mode = #tpu.pipeline_mode<synchronous>, transform_indices = @transform_3, window_bounds = array<i64: 1, 128>}, {pipeline_mode = #tpu.pipeline_mode<synchronous>, transform_indices = @transform_4, window_bounds = array<i64: 128, 64>}, {transform_indices = @transform_5, window_bounds = array<i64: 2000, 128>}]} {
    %get3A = arith.constant 0 : index
    %get3A_0 = arith.constant 0 : index
    %get3A_1 = vector.load %arg3[%get3A, %get3A_0] : memref<2000x128xf32, #tpu.memory_space<vmem>>, vector<2000x128xf32>
    %get3A_2 = arith.constant 0 : index
    %get3A_3 = arith.constant 0 : index
    %get3A_4 = vector.load %arg2[%get3A_2, %get3A_3] : memref<2000x128xf32, #tpu.memory_space<vmem>>, vector<2000x128xf32>
    %get3A_5 = arith.constant 0 : index
    %get3A_6 = arith.constant 0 : index
    %get3A_7 = vector.load %arg1[%get3A_5, %get3A_6] : memref<2000x128xf32, #tpu.memory_space<vmem>>, vector<2000x128xf32>
    %add3A = arith.addf %get3A_4, %get3A_7 : vector<2000x128xf32>
    %mul3A = arith.mulf %get3A_1, %add3A : vector<2000x128xf32>
    %get3A_8 = arith.constant 0 : index
    %get3A_9 = arith.constant 0 : index
    %get3A_10 = vector.load %arg4[%get3A_8, %get3A_9] : memref<1x128xf32, #tpu.memory_space<vmem>>, vector<1x128xf32>
    %add3A_11 = vector.broadcast %get3A_10 : vector<1x128xf32> to vector<2000x128xf32>
    %add3A_12 = arith.addf %mul3A, %add3A_11 : vector<2000x128xf32>
    %max3A = arith.constant 0.000000e+00 : f32
    %max3A_13 = vector.broadcast %max3A : f32 to vector<2000x128xf32>
    %max3A_14 = arith.maximumf %add3A_12, %max3A_13 : vector<2000x128xf32>
    %get3A_15 = arith.constant 0 : index
    %get3A_16 = arith.constant 0 : index
    %get3A_17 = vector.load %arg5[%get3A_15, %get3A_16] : memref<128x64xf32, #tpu.memory_space<vmem>>, vector<128x64xf32>
    %dot_general3A = arith.constant dense<0.000000e+00> : vector<2000x64xf32>
    %dot_general3A_18 = tpu.matmul %max3A_14, %get3A_17, %dot_general3A {dimension_numbers = #tpu.dot_dimension_numbers<[1], [0], [0], [1], [0, 0, 1, 1], [], []>, transpose_lhs_hint = false} : vector<2000x128xf32>, vector<128x64xf32>, vector<2000x64xf32> -> vector<2000x64xf32>
    %slice3A = vector.extract_strided_slice %get3A_1 {offsets = [0, 0], sizes = [2000, 64], strides = [1, 1]} : vector<2000x128xf32> to vector<2000x64xf32>
    %mul3A_19 = arith.mulf %dot_general3A_18, %slice3A : vector<2000x64xf32>
    %concatenate3A = tpu.concatenate %mul3A_19, %mul3A_19 in 1 : vector<2000x64xf32>, vector<2000x64xf32> -> vector<2000x128xf32>
    %swap3A = arith.constant 0 : index
    %swap3A_20 = arith.constant 0 : index
    %swap3A_21 = vector.load %arg6[%swap3A, %swap3A_20] : memref<2000x128xf32, #tpu.memory_space<vmem>>, vector<2000x128xf32>
    tpu.vector_store %arg6[%swap3A, %swap3A_20], %concatenate3A {strides = array<i32>} : memref<2000x128xf32, #tpu.memory_space<vmem>>, vector<2000x128xf32>,
    return
  }
  func.func @transform_0(%arg0: i32) -> (i32, i32) {
    %c0_i32 = arith.constant 0 : i32
    %c0_i32_0 = arith.constant 0 : i32
    return %arg0, %c0_i32 : i32, i32
  }
  func.func @transform_1(%arg0: i32) -> (i32, i32) {
    %c0_i32 = arith.constant 0 : i32
    %c0_i32_0 = arith.constant 0 : i32
    return %arg0, %c0_i32 : i32, i32
  }
  func.func @transform_2(%arg0: i32) -> (i32, i32) {
    %c0_i32 = arith.constant 0 : i32
    %c0_i32_0 = arith.constant 0 : i32
    return %arg0, %c0_i32 : i32, i32
  }
  func.func @transform_3(%arg0: i32) -> (i32, i32) {
    %c0_i32 = arith.constant 0 : i32
    %c0_i32_0 = arith.constant 0 : i32
    %c0_i32_1 = arith.constant 0 : i32
    return %c0_i32, %c0_i32_0 : i32, i32
  }
  func.func @transform_4(%arg0: i32) -> (i32, i32) {
    %c0_i32 = arith.constant 0 : i32
    %c0_i32_0 = arith.constant 0 : i32
    %c0_i32_1 = arith.constant 0 : i32
    return %c0_i32, %c0_i32_0 : i32, i32
  }
  func.func @transform_5(%arg0: i32) -> (i32, i32) {
    %c0_i32 = arith.constant 0 : i32
    %c0_i32_0 = arith.constant 0 : i32
    return %arg0, %c0_i32 : i32, i32
  }
}

</mosaic_0001>

<sc_bundles>
// kernel: kernel.12.cloned.1.call-start
scs
__scs_entry_jumppad:
0x0: {  	(pc) =	sbr.rel $0x88, $3  }
0x1: {  	(tag) =	ssettag $0x0;
	lr =	simm.s32 $0x1  }
0x2: {  	[smem:$0x3F9B] =	sst lr;
	_ =	strace $0xD0000000  }
0x3: {  	_ = 	snop  }
0x4: {  	_ = 	snop  }
0x5: {  	_ = 	snop  }
0x6: {  	_ = 	snop  }
0x7: {  	_ = 	snop  }
__scs_overlays_trampoline_lowered:
0x8: {  	[smem:$0x3FAA] =	sst s0  }
0x9: {  	[smem:$0x3FAB] =	sst s1  }
0xa: {  	[smem:$0x3FAC] =	sst s2  }
0xb: {  	[smem:$0x3FAD] =	sst s3  }
0xc: {  	[smem:$0x3FAE] =	sst s4  }
0xd: {  	[smem:$0x3FAF] =	sst s5  }
0xe: {  	[smem:$0x3FB0] =	sst s6  }
0xf: {  	[smem:$0x3FB1] =	sst s7  }
0x10: {  	[smem:$0x3FB2] =	sst s8  }
0x11: {  	[smem:$0x3FB3] =	sst s9;
	s0 =	simm.s32 @!p0 $0x0  }
0x12: {  	s1 =	sld [smem:$0x3F99];
	s0 =	simm.s32 @p0 $0x1  }
0x13: {  	[smem:$0x3FB4] =	sst s0;
	s0 =	simm.s32 @!p1 $0x0  }
0x14: {  	s2 =	sld [smem:$0x3F98];
	s0 =	simm.s32 @p1 $0x1  }
0x15: {  	[smem:$0x3FB5] =	sst s0;
	s0 =	simm.s32 @!p2 $0x0  }
0x16: {  	s3 =	sld [smem:$0x3FDB];
	s0 =	simm.s32 @p2 $0x1  }
0x17: {  	s4 =	simm.s32 $0x1BF5;
	[smem:$0x3FB7] =	sst s0  }
0x18: {  	s0 =	sld [smem:$0x3F9A];
	_ =	swait.ge [sflag:s4], $0x0  }
0x19: {  	s7 =	sld [smem:$0x3F9B]  }
0x1a: {  	s8 =	sadd.s32 $0xFFFFE003, lr  }
0x1b: {  	s9 =	sadd.s32 $0xFFFFFEF7, lr;
	s5 =	simm.s32 $0xFFFFFFFF;
	p2 =	slt.u32 s8, $0xFFFFF086  }
0x1c: {  	p1 =	slt.u32 s9, $0xF7A;
	s5 =	simm.s32 @!p2 $0x0  }
0x1d: {  	s5 =	simm.s32 @p1 $0x1;
	p0 =	seq.s32 s7, s2  }
0x1e: {  	s7 =	smul.u32 @!p0 $0xF7A, s2;
	p2 =	seq.s32 @!p0 s5, $0x0  }
0x1f: {  	s9 =	smul.u32 $0xF7A, s1;
	s8 =	simm.s32 @!p0 $0x1BF5;
	p2 =	por !p2, p0  }
0x20: {  	[sflag:s8] =	ssyncset.s32 @!p0 $0xFFFFF086;
	s6 =	sadd.s32 @!p0 s3, s7;
	s7 =	simm.s32 @!p0 $0x108  }
0x21: {  	s3 =	sadd.s32 s3, s9;
	s6 =	sadd.s32 @!p0 $0x88, s6;
	s7 =	simm.s32 @p2 $0x1082  }
0x22: {  	[simem:s7], [sflag:s8] =	dma.local @!p0 [hbm:s6], $0xF7A  }
0x23: {  	s9 =	sor.u32 $0xD0000000, s2;
	s6 =	simm.s32 $0x108;
	_ =	swait.ge @!p0 [sflag:s8], $0x0  }
0x24: {  	s3 =	sadd.s32 $0x88, s3;
	s6 =	simm.s32 @!p1 $0x1082;
	[sflag:s4] =	ssyncset.s32 $0xFFFFF086  }
0x25: {  	[simem:s6], [sflag:s4] =	dma.local [hbm:s3], $0xF7A  }
0x26: {  	[smem:$0x3F9B] =	sst s1;
	(tag) =	ssettag s2;
	_ =	strace s9  }
0x27: {  	s1 =	sld [smem:$0x3FAB]  }
0x28: {  	s2 =	sld [smem:$0x3FAC]  }
0x29: {  	s4 =	sld [smem:$0x3FAE]  }
0x2a: {  	p0 =	seq.s32 s5, $0x0;
	s5 =	sld [smem:$0x3FAF]  }
0x2b: {  	s6 =	sld [smem:$0x3FB0]  }
0x2c: {  	s7 =	sld [smem:$0x3FB1]  }
0x2d: {  	s3 =	simm.s32 $0x108;
	s8 =	sld [smem:$0x3FB2]  }
0x2e: {  	s3 =	simm.s32 @!p0 $0x1082;
	s9 =	sld [smem:$0x3FB3]  }
0x2f: {  	lr =	sadd.s32 s0, s3;
	s0 =	sld [smem:$0x3FAA]  }
0x30: {  	s3 =	sld [smem:$0x3FAD]  }
0x31: {  	[smem:$0x3FB6] =	sst s10  }
0x32: {  	s10 =	sld [smem:$0x3FB4];
	_ =	sdelay $0x3  }
0x33: {  	p0 =	seq.s32 s10, $0x1;
	s10 =	sld [smem:$0x3FB6];
	_ =	sdelay $0x3  }
0x34: {  	[smem:$0x3FB6] =	sst s10  }
0x35: {  	s10 =	sld [smem:$0x3FB5];
	_ =	sdelay $0x3  }
0x36: {  	p1 =	seq.s32 s10, $0x1;
	s10 =	sld [smem:$0x3FB6];
	_ =	sdelay $0x3  }
0x37: {  	[smem:$0x3FB6] =	sst s10  }
0x38: {  	s10 =	sld [smem:$0x3FB7]  }
0x39: {  	_ = 	snop;
	(pc) =	sbr.ind lr, $3  }
0x3a: {  	_ = 	snop  }
0x3b: {  	_ = 	snop  }
0x3c: {  	p2 =	seq.s32 s10, $0x1;
	s10 =	sld [smem:$0x3FB6]  }
0x3d: {  	_ =	shalt  }
0x3e: {  	_ =	shalt  }
0x3f: {  	_ =	shalt  }
0x40: {  	_ =	shalt  }
0x41: {  	_ =	shalt  }
0x42: {  	_ =	shalt  }
0x43: {  	_ =	shalt  }
0x44: {  	_ =	shalt  }
0x45: {  	_ =	shalt  }
0x46: {  	_ =	shalt  }
0x47: {  	_ =	shalt  }
0x48: {  	_ =	shalt  }
0x49: {  	_ =	shalt  }
0x4a: {  	_ =	shalt  }
0x4b: {  	_ =	shalt  }
0x4c: {  	_ =	shalt  }
0x4d: {  	_ =	shalt  }
0x4e: {  	_ =	shalt  }
0x4f: {  	_ =	shalt  }
0x50: {  	_ =	shalt  }
0x51: {  	_ =	shalt  }
0x52: {  	_ =	shalt  }
0x53: {  	_ =	shalt  }
0x54: {  	_ =	shalt  }
0x55: {  	_ =	shalt  }
0x56: {  	_ =	shalt  }
0x57: {  	_ =	shalt  }
0x58: {  	_ =	shalt  }
0x59: {  	_ =	shalt  }
0x5a: {  	_ =	shalt  }
0x5b: {  	_ =	shalt  }
0x5c: {  	_ =	shalt  }
0x5d: {  	_ =	shalt  }
0x5e: {  	_ =	shalt  }
0x5f: {  	_ =	shalt  }
0x60: {  	_ =	shalt  }
0x61: {  	_ =	shalt  }
0x62: {  	_ =	shalt  }
0x63: {  	_ =	shalt  }
0x64: {  	_ =	shalt  }
0x65: {  	_ =	shalt  }
0x66: {  	_ =	shalt  }
0x67: {  	_ =	shalt  }
0x68: {  	_ =	shalt  }
0x69: {  	_ =	shalt  }
0x6a: {  	_ =	shalt  }
0x6b: {  	_ =	shalt  }
0x6c: {  	_ =	shalt  }
0x6d: {  	_ =	shalt  }
0x6e: {  	_ =	shalt  }
0x6f: {  	_ =	shalt  }
0x70: {  	_ =	shalt  }
0x71: {  	_ =	shalt  }
0x72: {  	_ =	shalt  }
0x73: {  	_ =	shalt  }
0x74: {  	_ =	shalt  }
0x75: {  	_ =	shalt  }
0x76: {  	_ =	shalt  }
0x77: {  	_ =	shalt  }
0x78: {  	_ =	shalt  }
0x79: {  	_ =	shalt  }
0x7a: {  	_ =	shalt  }
0x7b: {  	_ =	shalt  }
0x7c: {  	_ =	shalt  }
0x7d: {  	_ =	shalt  }
0x7e: {  	_ =	shalt  }
0x7f: {  	_ =	shalt  }
0x80: {  	_ =	shalt  }
0x81: {  	_ =	shalt  }
0x82: {  	_ =	shalt  }
0x83: {  	_ =	shalt  }
0x84: {  	_ =	shalt  }
0x85: {  	_ =	shalt  }
0x86: {  	_ =	shalt  }
0x87: {  	_ =	shalt  }
.Lfunc_end0:
.L_simem_size_0:
called_computation.1_lowered:
.L_overlay_start_0:
0x88: {  	s2 =	sld [smem:$0x3FD9]  }
0x89: {  	s3 =	sld [smem:$0x3FFE];
	_ =	sdelay $0x1  }
0x8a: {  	s1 =	srdreg.scid  }
0x8b: {  	s0 =	sand.u32 $0x1, s1  }
0x8c: {  	s17 =	sshll.u32 s0, $0xA;
	s2 =	sadd.s32 s3, s2  }
0x8d: {  	s2 =	sadd.s32 s2, s17  }
0x8e: {  	[smem:$0x3FC2] =	sst s2  }
0x8f: {  	_ = 	snop  }
0x90: {  	s2 =	sld [smem:$0x3FD0];
	(tm) =	ssettm $0x1  }
0x91: {  	s18 =	sld [smem:$0x3FFB];
	_ =	sdelay $0x3  }
0x92: {  	_ =	strace s18  }
0x93: {  	s3 =	sld [smem:$0x3FFC];
	_ =	sdelay $0x3  }
0x94: {  	_ =	strace s3  }
0x95: {  	s3 =	sld [smem:$0x3FFD];
	_ =	sdelay $0x3  }
0x96: {  	_ =	strace s3  }
0x97: {  	_ =	strace $0x8FFFFFFF  }
0x98: {  	s19 =	sld [smem:$0x3FDB];
	_ =	sdelay $0x1  }
0x99: {  	s4 =	simm.s32 $_scs_section_size  }
0x9a: {  	s5 =	simm.s32 $_size__tile_overlayer_lowered;
	s6 =	simm.s32 $_tile_overlayer_lowered  }
0x9b: {  	s22 =	simm.s32 $0x1BFF;
	s21 =	sshll.u32 s6, $0x1;
	s3 =	sadd.s32 s4, s19  }
0x9c: {  	s7 =	simm.s32 $0x0;
	s20 =	sshll.u32 s5, $0x1;
	s5 =	sadd.s32 s21, s3  }
0x9d: {  	[timem:s7], [sflag:s22] =	dma.local [hbm:s5], s20  }
0x9e: {  	_ =	swait.ge [sflag:s22], s20  }
0x9f: {  	s4 =	ssub.s32 $0x0, s20;
	[sflag:s22] =	ssyncset.done $0x0  }
0xa0: {  	[sflag:s22] =	ssyncadd.s32 s4;
	_ =	sdelay $0x1  }
0xa1: {  	s23 =	simm.s32 $0x1B8B  }
0xa2: {  	_ =	swait.ge [sflag:s23], $0x1  }
0xa3: {  	[sflag:s23] =	ssyncset.done $0x0  }
0xa4: {  	s25 =	simm.s32 $0x1B8E;
	s24 =	sld [smem:$0x3FFE];
	[sflag:s23] =	ssyncadd.s32 $0xFFFFFFFF  }
0xa5: {  	s26 =	simm.s32 $execute0_lowered;
	[smem:$0x3FD2] =	sst s25  }
0xa6: {  	s5 =	sshll.u32 s26, $0x1;
	_ =	strace $0x80000049;
	[dreg:$0x1] =	wrdreg $0xFFFFFFFF  }
0xa7: {  	s28 =	simm.s32 $_size_execute0_lowered;
	s3 =	sadd.s32 s3, s5;
	[dreg:$0x0] =	wrdreg $0x0  }
0xa8: {  	s5 =	sshll.u32 s28, $0x1;
	[dreg:$0x2] =	wrdreg s3  }
0xa9: {  	[dreg:$0x3] =	wrdreg s5  }
0xaa: {  	[dreg:$0x4] =	wrdreg $0xC0  }
0xab: {  	_ =	task [dreg:s7], $0x5FFFF  }
0xac: {  	[dreg:$0x1] =	wrdreg $0xFFFFFFFF  }
0xad: {  	[dreg:$0x0] =	wrdreg $0x60  }
0xae: {  	[dreg:$0x2] =	wrdreg s24  }
0xaf: {  	[dreg:$0x3] =	wrdreg s2  }
0xb0: {  	[dreg:$0x4] =	wrdreg $0x150000  }
0xb1: {  	[dreg:$0x5] =	wrdreg $0x9  }
0xb2: {  	_ =	task.clear_ibuf [dreg:s7], $0x6FFFF;
	_ =	strace $0x90000049  }
0xb3: {  	s29 =	simm.s32 $0x9;
	_ =	strace $0x8000004B  }
0xb4: {  	_ =	swait.ge [sflag:s29], $0x1  }
0xb5: {  	[sflag:s29] =	ssyncadd.s32 $0xFFFFFFFF  }
0xb6: {  	_ =	strace $0x9000004B  }
0xb7: {  	_ =	sfence  }
0xb8: {  	s30 =	sld [smem:$0x0];
	_ =	sdelay $0x2  }
0xb9: {  	s31 =	sshll.u32 s1, $0xD;
	s1 =	sshrl.u32 s1, $0x2  }
0xba: {  	s3 =	sand.u32 $0x4000, s31;
	s1 =	sadd.s32 s1, s30  }
0xbb: {  	s0 =	sor.u32 s3, s0;
	s1 =	sshll.u32 s1, $0x11  }
0xbc: {  	s0 =	sor.u32 s1, s0  }
0xbd: {  	s0 =	sadd.s32 $0x8F2B, s0  }
0xbe: {  	[sflag:s0] =	ssyncadd.remote.s32 $0x1  }
0xbf: {  	_ =	sfence.sel $0xFFFF  }
0xc0: {  	[dreg:$0x0] =	wrdreg $0xFFFFFFFF;
	(pc) =	sbr.abs _section_cstart, $3  }
0xc1: {  	[dreg:$0x1] =	wrdreg $0xFFFFFFFF  }
0xc2: {  	_ =	task.clear_ibuf [dreg:s7], $0x2FFFF;
	_ =	strace $0x9FFFFFFF  }
0xc3: {  	(tm) =	ssettm $0x7FFFFFFF  }
tec
execute0_lowered:
.L_overlay_start_1:
0x0: {  	(tag) =	ssettag $0x1  }
0x1: {  	s0 =	rddreg [dreg:$0x0]  }
0x2: {  	s1 =	rddreg [dreg:$0x1]  }
0x3: {  	s2 =	rddreg [dreg:$0x2];
	s3 =	simm.s32 $0x0  }
0x4: {  	s7 =	stileid.u32;
	s4 =	srdreg.scid;
	s29 =	simm.s32 $0x10000  }
0x5: {  	s31 =	simm.s32 $0x12000;
	s28 =	simm.s32 $0x4;
	s30 =	simm.s32 $0x5  }
0x6: {  	s13 =	simm.s32 $0x10;
	[smem:$0x7FF] =	sst s3;
	s19 =	smul.u32 $0xA00, s7  }
0x7: {  	s9 =	sand.u32 $0x1, s4;
	s5 =	smul.u32 $0x14000, s7;
	s4 =	sadd.s32 $0x17800, s0  }
0x8: {  	s7 =	smul.u32 $0x28000, s7;
	s3 =	simm.s32 $0x7;
	_ =	strace $0x8000004A  }
0x9: {  	s6 =	sshll.u32 s9, $0x6;
	s20 =	ssub.s32 $0x2, s9;
	v0 =	vmov s9;
	s9 =	simm.s32 $0x0  }
0xa: {  	s8 =	sadd.s32 s19, s0;
	s5 =	sor.u32 s6, s5;
	s10 =	sshrl.u32 s20, $0x1  }
0xb: {  	s7 =	sshrl.u32 s7, $0x2;
	s1 =	sadd.s32 s1, s19;
	s19 =	simm.s32 $0x14000  }
0xc: {  	s5 =	sshrl.u32 s5, $0x3;
	s6 =	ssub.s32 s20, s10;
	[dreg:$0x4] =	wrdreg s1  }
0xd: {  	s21 =	sadd.s32 $0xD800, s8;
	s20 =	simm.s32 $0xB;
	s1 =	simm.s32 $0x6  }
0xe: {  	s8 =	simm.s32 $0xA;
	s0 =	sadd.s32 s5, s0;
	s5 =	sadd.s32 s7, s2  }
0xf: {  	[dreg:$0x5] =	wrdreg s21;
	s22 =	smax.u32 s6, $0x1;
	s21 =	simm.s32 $0x2  }
0x10: {  	s6 =	simm.s32 $0x8;
	s7 =	simm.s32 $0x9;
	s0 =	sadd.s32 $0x3EA00, s0  }
0x11: {  	[dreg:$0x7] =	wrdreg s22;
	s23 =	sadd.s32 $0x1000, s5;
	s24 =	sadd.s32 $0x2000, s5  }
0x12: {  	s25 =	sadd.s32 $0x3000, s5;
	s26 =	sadd.s32 $0x4000, s5;
	[dreg:$0x6] =	wrdreg s0  }
0x13: {  	s14 =	sadd.s32 $0x5000, s5;
	s15 =	sadd.s32 $0x6000, s5;
	[dreg:$0x8] =	wrdreg s23  }
0x14: {  	s16 =	sadd.s32 $0x7000, s5;
	s17 =	sadd.s32 $0x8000, s5;
	[dreg:$0x9] =	wrdreg s24  }
0x15: {  	s18 =	sadd.s32 $0x9000, s5;
	s22 =	simm.s32 $0x80;
	[dreg:$0xa] =	wrdreg s25  }
0x16: {  	[dreg:$0xb] =	wrdreg s26;
	s23 =	simm.s32 $0xA000;
	s24 =	simm.s32 $0xC000  }
0x17: {  	v1 =	vimm.f32 $0.0e+00;
	s26 =	simm.s32 $0xE000;
	s0 =	simm.s32 $0x1;
	s25 =	simm.s32 $0x3  }
.LBB2_1:
0x18: {  	s11 =	simm.s32 $0x100;
	s10 =	simm.s32 $0x0  }
.LBB2_2:
0x19: {  	p0 =	sne.s32 s11, $0x3F00;
	[tilespmem:s10+$0x14030] =	vst v1;
	s12 =	smov.u32 s11;
	s11 =	sadd.s32 $0x100, s11  }
.Ltmp0:
0x1a: {  	[tilespmem:s10+$0x14020] =	vst v1;
	(pc) =	sbr.rel @p0 .LBB2_2-.Ltmp0, $3  }
0x1b: {  	[tilespmem:s10+$0x14000] =	vst v1  }
0x1c: {  	[tilespmem:s10+$0x14010] =	vst v1;
	_ =	sdelay $0x1  }
0x1d: {  	s10 =	sshra.s32 s12, $0x2  }
0x1e: {  	[tilespmem:s10+$0x14030] =	vst v1  }
0x1f: {  	[tilespmem:s10+$0x14020] =	vst v1  }
0x20: {  	[tilespmem:s10+$0x14000] =	vst v1  }
0x21: {  	[tilespmem:s10+$0x14010] =	vst v1  }
0x22: {  	[spmem:s5] =	stream.linear.scatter [tilespmem:s19], [sflag:$0xB], $0x1000, $0x38;
	[tilespmem:$0x1F000] =	vst v63  }
0x23: {  	_ =	swait.ge [sflag:s20], $0x1000  }
0x24: {  	[sflag:s20] =	ssyncset.done $0x0  }
0x25: {  	s11 =	rddreg [dreg:$0x8];
	[sflag:s20] =	ssyncadd.s32 $0xFFFFF000  }
0x26: {  	[spmem:s11] =	stream.linear.scatter [tilespmem:s19], [sflag:$0xB], $0x1000, $0x38;
	[tilespmem:$0x1F000] =	vst v63  }
0x27: {  	_ =	swait.ge [sflag:s20], $0x1000  }
0x28: {  	[sflag:s20] =	ssyncset.done $0x0  }
0x29: {  	s12 =	rddreg [dreg:$0x9];
	[sflag:s20] =	ssyncadd.s32 $0xFFFFF000  }
0x2a: {  	[spmem:s12] =	stream.linear.scatter [tilespmem:s19], [sflag:$0xB], $0x1000, $0x38;
	[tilespmem:$0x1F000] =	vst v63  }
0x2b: {  	_ =	swait.ge [sflag:s20], $0x1000  }
0x2c: {  	[sflag:s20] =	ssyncset.done $0x0  }
0x2d: {  	s11 =	rddreg [dreg:$0xa];
	[sflag:s20] =	ssyncadd.s32 $0xFFFFF000  }
0x2e: {  	[spmem:s11] =	stream.linear.scatter [tilespmem:s19], [sflag:$0xB], $0x1000, $0x38;
	[tilespmem:$0x1F000] =	vst v63  }
0x2f: {  	_ =	swait.ge [sflag:s20], $0x1000  }
0x30: {  	[sflag:s20] =	ssyncset.done $0x0  }
0x31: {  	s12 =	rddreg [dreg:$0xb];
	[sflag:s20] =	ssyncadd.s32 $0xFFFFF000  }
0x32: {  	[spmem:s12] =	stream.linear.scatter [tilespmem:s19], [sflag:$0xB], $0x1000, $0x38;
	[tilespmem:$0x1F000] =	vst v63  }
0x33: {  	_ =	swait.ge [sflag:s20], $0x1000  }
0x34: {  	[sflag:s20] =	ssyncset.done $0x0  }
0x35: {  	[sflag:s20] =	ssyncadd.s32 $0xFFFFF000  }
0x36: {  	[spmem:s14] =	stream.linear.scatter [tilespmem:s19], [sflag:$0xB], $0x1000, $0x38;
	[tilespmem:$0x1F000] =	vst v63  }
0x37: {  	_ =	swait.ge [sflag:s20], $0x1000  }
0x38: {  	[sflag:s20] =	ssyncset.done $0x0  }
0x39: {  	[sflag:s20] =	ssyncadd.s32 $0xFFFFF000  }
0x3a: {  	[spmem:s15] =	stream.linear.scatter [tilespmem:s19], [sflag:$0xB], $0x1000, $0x38;
	[tilespmem:$0x1F000] =	vst v63  }
0x3b: {  	_ =	swait.ge [sflag:s20], $0x1000  }
0x3c: {  	[sflag:s20] =	ssyncset.done $0x0  }
0x3d: {  	[sflag:s20] =	ssyncadd.s32 $0xFFFFF000  }
0x3e: {  	[spmem:s16] =	stream.linear.scatter [tilespmem:s19], [sflag:$0xB], $0x1000, $0x38;
	[tilespmem:$0x1F000] =	vst v63  }
0x3f: {  	_ =	swait.ge [sflag:s20], $0x1000  }
0x40: {  	[sflag:s20] =	ssyncset.done $0x0  }
0x41: {  	[sflag:s20] =	ssyncadd.s32 $0xFFFFF000  }
0x42: {  	[spmem:s17] =	stream.linear.scatter [tilespmem:s19], [sflag:$0xB], $0x1000, $0x38;
	[tilespmem:$0x1F000] =	vst v63  }
0x43: {  	_ =	swait.ge [sflag:s20], $0x1000  }
0x44: {  	[sflag:s20] =	ssyncset.done $0x0  }
0x45: {  	[sflag:s20] =	ssyncadd.s32 $0xFFFFF000  }
0x46: {  	[spmem:s18] =	stream.linear.scatter [tilespmem:s19], [sflag:$0xB], $0x1000, $0x38;
	[tilespmem:$0x1F000] =	vst v63  }
0x47: {  	_ =	swait.ge [sflag:s20], $0x1000  }
0x48: {  	[sflag:s20] =	ssyncset.done $0x0  }
0x49: {  	[sflag:s20] =	ssyncadd.s32 $0xFFFFF000  }
0x4a: {  	[bflag:$0x0] =	sbarrier.arrive $0xFFFF  }
0x4b: {  	s10 =	simm.s32 $0x0;
	s11 =	rddreg [dreg:$0x4]  }
0x4c: {  	[tilespmem:s10], [sflag:$0xB] =	stream.linear.gather [hbm4b:s11+s10], $0x5000, $0x38;
	[tilespmem:$0x1F000] =	vst v63  }
0x4d: {  	_ =	swait.ge [sflag:s20], $0x5000  }
0x4e: {  	[sflag:s20] =	ssyncset.done $0x0  }
0x4f: {  	s12 =	simm.s32 $0x5000;
	s11 =	rddreg [dreg:$0x5];
	[sflag:s20] =	ssyncadd.s32 $0xFFFFB000  }
0x50: {  	[tilespmem:s12], [sflag:$0xB] =	stream.linear.gather [hbm4b:s11+s10], $0x5000, $0x38;
	[tilespmem:$0x1F000] =	vst v63  }
0x51: {  	_ =	swait.ge [sflag:s20], $0x5000  }
0x52: {  	[sflag:s20] =	ssyncset.done $0x0  }
0x53: {  	s11 =	simm.s32 $0x70;
	[sflag:s20] =	ssyncadd.s32 $0xFFFFB000  }
0x54: {  	v2 =	vld [tilespmem:s11+$0xFFFFFF90];
	_ =	sdelay $0x1  }
0x55: {  	v3 =	vld [tilespmem:s11+$0xFFFFFFA0]  }
0x56: {  	v4 =	vld [tilespmem:s11+$0xFFFFFFB0]  }
0x57: {  	v6 =	vld [tilespmem:s11+$0xFFFFFFC0]  }
0x58: {  	v7 =	vld [tilespmem:s11+$0xFFFFFFD0];
	v2 =	vshll.u32 v2, $0x1  }
0x59: {  	v8 =	vld [tilespmem:s11+$0xFFFFFFE0];
	v2 =	vor.u32 v0, v2  }
0x5a: {  	v9 =	vld [tilespmem:s11+$0x0];
	[tilespmem:s11+$0xFFFFFF90] =	vst v2;
	v2 =	vshll.u32 v3, $0x1  }
0x5b: {  	s10 =	simm.s32 $0xF0;
	v10 =	vld [tilespmem:s11+$0xFFFFFFF0];
	v3 =	vshll.u32 v4, $0x1;
	v2 =	vor.u32 v0, v2  }
0x5c: {  	v11 =	vld [tilespmem:s10+$0xFFFFFF90];
	[tilespmem:s11+$0xFFFFFFA0] =	vst v2;
	v2 =	vor.u32 v0, v3;
	v3 =	vshll.u32 v6, $0x1  }
0x5d: {  	v4 =	vshll.u32 v7, $0x1;
	v5 =	vld [tilespmem:s10+$0xFFFFFFA0];
	[tilespmem:s11+$0xFFFFFFB0] =	vst v2;
	v2 =	vor.u32 v0, v3  }
0x5e: {  	v4 =	vor.u32 v0, v4;
	v6 =	vshll.u32 v8, $0x1;
	v3 =	vld [tilespmem:s10+$0xFFFFFFB0];
	[tilespmem:s11+$0xFFFFFFC0] =	vst v2  }
0x5f: {  	v7 =	vshll.u32 v9, $0x1;
	v6 =	vor.u32 v0, v6;
	v2 =	vld [tilespmem:s10+$0xFFFFFFC0];
	[tilespmem:s11+$0xFFFFFFD0] =	vst v4  }
0x60: {  	v9 =	vor.u32 v0, v7;
	v8 =	vshll.u32 v10, $0x1;
	v4 =	vld [tilespmem:s10+$0xFFFFFFD0];
	[tilespmem:s11+$0xFFFFFFE0] =	vst v6  }
0x61: {  	s12 =	simm.s32 $0x5C0;
	v8 =	vor.u32 v0, v8;
	v7 =	vshll.u32 v11, $0x1;
	v6 =	vld [tilespmem:s10+$0xFFFFFFE0];
	[tilespmem:s11+$0x0] =	vst v9  }
.LBB2_4:
0x62: {  	p0 =	sne.s32 s12, $0x13FC0;
	v7 =	vor.u32 v0, v7;
	v5 =	vshll.u32 v5, $0x1;
	v9 =	vld [tilespmem:s10+$0x0];
	[tilespmem:s11+$0xFFFFFFF0] =	vst v8;
	s11 =	smov.u32 s10  }
0x63: {  	s10 =	sshra.s32 s12, $0x2;
	[tilespmem:s11+$0xFFFFFF90] =	vst v7;
	v5 =	vor.u32 v0, v5;
	v3 =	vshll.u32 v3, $0x1;
	v7 =	vld [tilespmem:s11+$0xFFFFFFF0]  }
0x64: {  	v8 =	vld [tilespmem:s10+$0xFFFFFF90];
	[tilespmem:s11+$0xFFFFFFA0] =	vst v5;
	v3 =	vor.u32 v0, v3;
	v2 =	vshll.u32 v2, $0x1  }
.Ltmp1:
0x65: {  	v5 =	vld [tilespmem:s10+$0xFFFFFFA0];
	[tilespmem:s11+$0xFFFFFFB0] =	vst v3;
	v2 =	vor.u32 v0, v2;
	v4 =	vshll.u32 v4, $0x1;
	(pc) =	sbr.rel @p0 .LBB2_4-.Ltmp1, $4  }
0x66: {  	v3 =	vld [tilespmem:s10+$0xFFFFFFB0];
	[tilespmem:s11+$0xFFFFFFC0] =	vst v2;
	v4 =	vor.u32 v0, v4;
	v6 =	vshll.u32 v6, $0x1  }
0x67: {  	v2 =	vld [tilespmem:s10+$0xFFFFFFC0];
	[tilespmem:s11+$0xFFFFFFD0] =	vst v4;
	v6 =	vor.u32 v0, v6;
	v9 =	vshll.u32 v9, $0x1  }
0x68: {  	v4 =	vld [tilespmem:s10+$0xFFFFFFD0];
	[tilespmem:s11+$0xFFFFFFE0] =	vst v6;
	v10 =	vshll.u32 v7, $0x1;
	v9 =	vor.u32 v0, v9  }
0x69: {  	s12 =	sadd.s32 $0x200, s12;
	v7 =	vshll.u32 v8, $0x1;
	v6 =	vld [tilespmem:s10+$0xFFFFFFE0];
	v8 =	vor.u32 v0, v10;
	[tilespmem:s11+$0x0] =	vst v9  }
0x6a: {  	v9 =	vld [tilespmem:s10+$0x0];
	v7 =	vor.u32 v0, v7;
	[tilespmem:s11+$0xFFFFFFF0] =	vst v8;
	v5 =	vshll.u32 v5, $0x1  }
0x6b: {  	[tilespmem:s10+$0xFFFFFF90] =	vst v7;
	v5 =	vor.u32 v0, v5;
	v3 =	vshll.u32 v3, $0x1;
	v63 =	vld [tilespmem:s10+$0xFFFFFFF0]  }
0x6c: {  	[tilespmem:s10+$0xFFFFFFA0] =	vst v5;
	v3 =	vor.u32 v0, v3;
	v2 =	vshll.u32 v2, $0x1  }
0x6d: {  	[tilespmem:s10+$0xFFFFFFB0] =	vst v3;
	v2 =	vor.u32 v0, v2;
	v3 =	vshll.u32 v4, $0x1  }
0x6e: {  	[tilespmem:s10+$0xFFFFFFC0] =	vst v2;
	v2 =	vor.u32 v0, v3;
	v3 =	vshll.u32 v6, $0x1  }
0x6f: {  	[tilespmem:s10+$0xFFFFFFD0] =	vst v2;
	v2 =	vor.u32 v0, v3;
	v3 =	vshll.u32 v9, $0x1  }
0x70: {  	[tilespmem:s10+$0xFFFFFFE0] =	vst v2;
	v2 =	vshll.u32 v63, $0x1;
	v3 =	vor.u32 v0, v3  }
0x71: {  	v2 =	vor.u32 v0, v2;
	[tilespmem:s10+$0x0] =	vst v3  }
0x72: {  	s12 =	simm.s32 $0x0;
	[tilespmem:s10+$0xFFFFFFF0] =	vst v2  }
0x73: {  	[tilespmem:s23], [sflag:$0x1] =	stream.indirect.gather [hbm4b:s4+s22], $0x40, s12, s22, $0xb8;
	[tilespmem:$0x1F000] =	vst v63  }
0x74: {  	_ = 	snop  }
0x75: {  	[tilespmem:s24], [sflag:$0x2] =	stream.indirect.gather [hbm4b:s4+s22], $0x40, s22, s22, $0xb8;
	[tilespmem:$0x1F000] =	vst v63  }
0x76: {  	s11 =	simm.s32 $0x100  }
0x77: {  	[tilespmem:s26], [sflag:$0x3] =	stream.indirect.gather [hbm4b:s4+s22], $0x40, s11, s22, $0xb8;
	[tilespmem:$0x1F000] =	vst v63  }
0x78: {  	s12 =	simm.s32 $0x180  }
0x79: {  	[tilespmem:s29], [sflag:$0x4] =	stream.indirect.gather [hbm4b:s4+s22], $0x40, s12, s22, $0xb8;
	[tilespmem:$0x1F000] =	vst v63  }
0x7a: {  	s11 =	simm.s32 $0x200  }
0x7b: {  	[tilespmem:s31], [sflag:$0x5] =	stream.indirect.gather [hbm4b:s4+s22], $0x40, s11, s22, $0xb8;
	[tilespmem:$0x1F000] =	vst v63  }
0x7c: {  	_ =	swait.ge [sflag:s0], $0x2000  }
0x7d: {  	[sflag:s0] =	ssyncset.done $0x0  }
0x7e: {  	s12 =	simm.s32 $0x5000;
	[sflag:s0] =	ssyncadd.s32 $0xFFFFE000  }
0x7f: {  	[spmem:s2] =	stream.indirect.scatter.add.f32 [tilespmem:s23], [sflag:$0x6], $0x40, s12, s22, $0xb8;
	[tilespmem:$0x1F000] =	vst v63  }
0x80: {  	_ =	swait.ge [sflag:s21], $0x2000  }
0x81: {  	[sflag:s21] =	ssyncset.done $0x0  }
0x82: {  	s11 =	simm.s32 $0x5080;
	[sflag:s21] =	ssyncadd.s32 $0xFFFFE000  }
0x83: {  	[spmem:s2] =	stream.indirect.scatter.add.f32 [tilespmem:s24], [sflag:$0x7], $0x40, s11, s22, $0xb8;
	[tilespmem:$0x1F000] =	vst v63  }
0x84: {  	_ =	swait.ge [sflag:s25], $0x2000  }
0x85: {  	[sflag:s25] =	ssyncset.done $0x0  }
0x86: {  	s12 =	simm.s32 $0x5100;
	[sflag:s25] =	ssyncadd.s32 $0xFFFFE000  }
0x87: {  	[spmem:s2] =	stream.indirect.scatter.add.f32 [tilespmem:s26], [sflag:$0x8], $0x40, s12, s22, $0xb8;
	[tilespmem:$0x1F000] =	vst v63  }
0x88: {  	_ =	swait.ge [sflag:s28], $0x2000  }
0x89: {  	[sflag:s28] =	ssyncset.done $0x0  }
0x8a: {  	s11 =	simm.s32 $0x5180;
	[sflag:s28] =	ssyncadd.s32 $0xFFFFE000  }
0x8b: {  	[spmem:s2] =	stream.indirect.scatter.add.f32 [tilespmem:s29], [sflag:$0x9], $0x40, s11, s22, $0xb8;
	[tilespmem:$0x1F000] =	vst v63  }
0x8c: {  	_ =	swait.ge [sflag:s30], $0x2000  }
0x8d: {  	[sflag:s30] =	ssyncset.done $0x0  }
0x8e: {  	s12 =	simm.s32 $0x5200;
	[sflag:s30] =	ssyncadd.s32 $0xFFFFE000  }
0x8f: {  	[spmem:s2] =	stream.indirect.scatter.add.f32 [tilespmem:s31], [sflag:$0xA], $0x40, s12, s22, $0xb8;
	[tilespmem:$0x1F000] =	vst v63  }
0x90: {  	_ =	swait.ge [sflag:s1], $0x2000  }
0x91: {  	[sflag:s1] =	ssyncset.done $0x0  }
0x92: {  	s11 =	simm.s32 $0x280;
	[sflag:s1] =	ssyncadd.s32 $0xFFFFE000  }
0x93: {  	[tilespmem:s23], [sflag:$0x1] =	stream.indirect.gather [hbm4b:s4+s22], $0x40, s11, s22, $0xb8;
	[tilespmem:$0x1F000] =	vst v63  }
0x94: {  	_ =	swait.ge [sflag:s3], $0x2000  }
0x95: {  	[sflag:s3] =	ssyncset.done $0x0  }
0x96: {  	s12 =	simm.s32 $0x300;
	[sflag:s3] =	ssyncadd.s32 $0xFFFFE000  }
0x97: {  	[tilespmem:s24], [sflag:$0x2] =	stream.indirect.gather [hbm4b:s4+s22], $0x40, s12, s22, $0xb8;
	[tilespmem:$0x1F000] =	vst v63  }
0x98: {  	_ =	swait.ge [sflag:s6], $0x2000  }
0x99: {  	[sflag:s6] =	ssyncset.done $0x0  }
0x9a: {  	s11 =	simm.s32 $0x380;
	[sflag:s6] =	ssyncadd.s32 $0xFFFFE000  }
0x9b: {  	[tilespmem:s26], [sflag:$0x3] =	stream.indirect.gather [hbm4b:s4+s22], $0x40, s11, s22, $0xb8;
	[tilespmem:$0x1F000] =	vst v63  }
0x9c: {  	_ =	swait.ge [sflag:s7], $0x2000  }
0x9d: {  	[sflag:s7] =	ssyncset.done $0x0  }
0x9e: {  	s12 =	simm.s32 $0x400;
	[sflag:s7] =	ssyncadd.s32 $0xFFFFE000  }
0x9f: {  	[tilespmem:s29], [sflag:$0x4] =	stream.indirect.gather [hbm4b:s4+s22], $0x40, s12, s22, $0xb8;
	[tilespmem:$0x1F000] =	vst v63  }
0xa0: {  	_ =	swait.ge [sflag:s8], $0x2000  }
0xa1: {  	[sflag:s8] =	ssyncset.done $0x0  }
0xa2: {  	s10 =	simm.s32 $0xA00;
	s11 =	simm.s32 $0x480;
	[sflag:s8] =	ssyncadd.s32 $0xFFFFE000  }
.LBB2_6:
0xa3: {  	[tilespmem:s31], [sflag:$0x5] =	stream.indirect.gather [hbm4b:s4+s22], $0x40, s11, s22, $0xb8;
	[tilespmem:$0x1F000] =	vst v63  }
0xa4: {  	s11 =	smov.u32 s10  }
0xa5: {  	p0 =	sne.s32 s10, $0x12C00;
	s10 =	sadd.s32 $0xA00, s10;
	_ =	swait.ge [sflag:s0], $0x2000  }
0xa6: {  	s11 =	sshra.s32 s11, $0x2;
	[sflag:s0] =	ssyncset.done $0x0  }
0xa7: {  	s12 =	sadd.s32 $0x5000, s11;
	[sflag:s0] =	ssyncadd.s32 $0xFFFFE000  }
0xa8: {  	[spmem:s2] =	stream.indirect.scatter.add.f32 [tilespmem:s23], [sflag:$0x6], $0x40, s12, s22, $0xb8;
	[tilespmem:$0x1F000] =	vst v63  }
0xa9: {  	_ =	swait.ge [sflag:s21], $0x2000  }
0xaa: {  	[sflag:s21] =	ssyncset.done $0x0  }
0xab: {  	s12 =	sadd.s32 $0x5080, s11;
	[sflag:s21] =	ssyncadd.s32 $0xFFFFE000  }
0xac: {  	[spmem:s2] =	stream.indirect.scatter.add.f32 [tilespmem:s24], [sflag:$0x7], $0x40, s12, s22, $0xb8;
	[tilespmem:$0x1F000] =	vst v63  }
0xad: {  	_ =	swait.ge [sflag:s25], $0x2000  }
0xae: {  	[sflag:s25] =	ssyncset.done $0x0  }
0xaf: {  	s12 =	sadd.s32 $0x5100, s11;
	[sflag:s25] =	ssyncadd.s32 $0xFFFFE000  }
0xb0: {  	[spmem:s2] =	stream.indirect.scatter.add.f32 [tilespmem:s26], [sflag:$0x8], $0x40, s12, s22, $0xb8;
	[tilespmem:$0x1F000] =	vst v63  }
0xb1: {  	_ =	swait.ge [sflag:s28], $0x2000  }
0xb2: {  	[sflag:s28] =	ssyncset.done $0x0  }
0xb3: {  	s12 =	sadd.s32 $0x5180, s11;
	[sflag:s28] =	ssyncadd.s32 $0xFFFFE000  }
0xb4: {  	[spmem:s2] =	stream.indirect.scatter.add.f32 [tilespmem:s29], [sflag:$0x9], $0x40, s12, s22, $0xb8;
	[tilespmem:$0x1F000] =	vst v63  }
0xb5: {  	_ =	swait.ge [sflag:s30], $0x2000  }
0xb6: {  	[sflag:s30] =	ssyncset.done $0x0  }
0xb7: {  	s12 =	sadd.s32 $0x5200, s11;
	[sflag:s30] =	ssyncadd.s32 $0xFFFFE000  }
0xb8: {  	[spmem:s2] =	stream.indirect.scatter.add.f32 [tilespmem:s31], [sflag:$0xA], $0x40, s12, s22, $0xb8;
	[tilespmem:$0x1F000] =	vst v63  }
0xb9: {  	_ =	swait.ge [sflag:s1], $0x2000  }
0xba: {  	[sflag:s1] =	ssyncset.done $0x0  }
0xbb: {  	s12 =	sadd.s32 $0x280, s11;
	[sflag:s1] =	ssyncadd.s32 $0xFFFFE000  }
0xbc: {  	[tilespmem:s23], [sflag:$0x1] =	stream.indirect.gather [hbm4b:s4+s22], $0x40, s12, s22, $0xb8;
	[tilespmem:$0x1F000] =	vst v63  }
0xbd: {  	_ =	swait.ge [sflag:s3], $0x2000  }
0xbe: {  	[sflag:s3] =	ssyncset.done $0x0  }
0xbf: {  	s12 =	sadd.s32 $0x300, s11;
	[sflag:s3] =	ssyncadd.s32 $0xFFFFE000  }
0xc0: {  	[tilespmem:s24], [sflag:$0x2] =	stream.indirect.gather [hbm4b:s4+s22], $0x40, s12, s22, $0xb8;
	[tilespmem:$0x1F000] =	vst v63  }
0xc1: {  	_ =	swait.ge [sflag:s6], $0x2000  }
0xc2: {  	[sflag:s6] =	ssyncset.done $0x0  }
0xc3: {  	s12 =	sadd.s32 $0x380, s11;
	[sflag:s6] =	ssyncadd.s32 $0xFFFFE000  }
0xc4: {  	[tilespmem:s26], [sflag:$0x3] =	stream.indirect.gather [hbm4b:s4+s22], $0x40, s12, s22, $0xb8;
	[tilespmem:$0x1F000] =	vst v63  }
0xc5: {  	_ =	swait.ge [sflag:s7], $0x2000  }
0xc6: {  	[sflag:s7] =	ssyncset.done $0x0  }
.Ltmp2:
0xc7: {  	s12 =	sadd.s32 $0x400, s11;
	[sflag:s7] =	ssyncadd.s32 $0xFFFFE000;
	(pc) =	sbr.rel @p0 .LBB2_6-.Ltmp2, $4  }
0xc8: {  	[tilespmem:s29], [sflag:$0x4] =	stream.indirect.gather [hbm4b:s4+s22], $0x40, s12, s22, $0xb8;
	[tilespmem:$0x1F000] =	vst v63  }
0xc9: {  	_ =	swait.ge [sflag:s8], $0x2000  }
0xca: {  	[sflag:s8] =	ssyncset.done $0x0  }
0xcb: {  	s11 =	sadd.s32 $0x480, s11;
	[sflag:s8] =	ssyncadd.s32 $0xFFFFE000  }
0xcc: {  	[tilespmem:s31], [sflag:$0x5] =	stream.indirect.gather [hbm4b:s4+s22], $0x40, s11, s22, $0xb8;
	[tilespmem:$0x1F000] =	vst v63  }
0xcd: {  	_ =	swait.ge [sflag:s0], $0x2000  }
0xce: {  	[sflag:s0] =	ssyncset.done $0x0  }
0xcf: {  	s10 =	simm.s32 $0x9D80;
	[sflag:s0] =	ssyncadd.s32 $0xFFFFE000  }
0xd0: {  	[spmem:s2] =	stream.indirect.scatter.add.f32 [tilespmem:s23], [sflag:$0x6], $0x40, s10, s22, $0xb8;
	[tilespmem:$0x1F000] =	vst v63  }
0xd1: {  	_ =	swait.ge [sflag:s21], $0x2000  }
0xd2: {  	[sflag:s21] =	ssyncset.done $0x0  }
0xd3: {  	s11 =	simm.s32 $0x9E00;
	[sflag:s21] =	ssyncadd.s32 $0xFFFFE000  }
0xd4: {  	[spmem:s2] =	stream.indirect.scatter.add.f32 [tilespmem:s24], [sflag:$0x7], $0x40, s11, s22, $0xb8;
	[tilespmem:$0x1F000] =	vst v63  }
0xd5: {  	_ =	swait.ge [sflag:s25], $0x2000  }
0xd6: {  	[sflag:s25] =	ssyncset.done $0x0  }
0xd7: {  	s12 =	simm.s32 $0x9E80;
	[sflag:s25] =	ssyncadd.s32 $0xFFFFE000  }
0xd8: {  	[spmem:s2] =	stream.indirect.scatter.add.f32 [tilespmem:s26], [sflag:$0x8], $0x40, s12, s22, $0xb8;
	[tilespmem:$0x1F000] =	vst v63  }
0xd9: {  	_ =	swait.ge [sflag:s28], $0x2000  }
0xda: {  	[sflag:s28] =	ssyncset.done $0x0  }
0xdb: {  	s11 =	simm.s32 $0x9F00;
	[sflag:s28] =	ssyncadd.s32 $0xFFFFE000  }
0xdc: {  	[spmem:s2] =	stream.indirect.scatter.add.f32 [tilespmem:s29], [sflag:$0x9], $0x40, s11, s22, $0xb8;
	[tilespmem:$0x1F000] =	vst v63  }
0xdd: {  	_ =	swait.ge [sflag:s30], $0x2000  }
0xde: {  	[sflag:s30] =	ssyncset.done $0x0  }
0xdf: {  	s12 =	simm.s32 $0x9F80;
	[sflag:s30] =	ssyncadd.s32 $0xFFFFE000  }
0xe0: {  	[spmem:s2] =	stream.indirect.scatter.add.f32 [tilespmem:s31], [sflag:$0xA], $0x40, s12, s22, $0xb8;
	[tilespmem:$0x1F000] =	vst v63  }
0xe1: {  	_ =	swait.ge [sflag:s1], $0x2000  }
0xe2: {  	[sflag:s1] =	ssyncset.done $0x0  }
0xe3: {  	[sflag:s1] =	ssyncadd.s32 $0xFFFFE000  }
0xe4: {  	_ =	swait.ge [sflag:s3], $0x2000  }
0xe5: {  	[sflag:s3] =	ssyncset.done $0x0  }
0xe6: {  	[sflag:s3] =	ssyncadd.s32 $0xFFFFE000  }
0xe7: {  	_ =	swait.ge [sflag:s6], $0x2000  }
0xe8: {  	[sflag:s6] =	ssyncset.done $0x0  }
0xe9: {  	[sflag:s6] =	ssyncadd.s32 $0xFFFFE000  }
0xea: {  	_ =	swait.ge [sflag:s7], $0x2000  }
0xeb: {  	[sflag:s7] =	ssyncset.done $0x0  }
0xec: {  	[sflag:s7] =	ssyncadd.s32 $0xFFFFE000  }
0xed: {  	_ =	swait.ge [sflag:s8], $0x2000  }
0xee: {  	[sflag:s8] =	ssyncset.done $0x0  }
0xef: {  	s11 =	stileid.u32;
	[sflag:s8] =	ssyncadd.s32 $0xFFFFE000  }
0xf0: {  	s10 =	sshll.u32 s11, $0x6;
	[bflag:$0x0] =	sbarrier.arrive $0xFFFF  }
0xf1: {  	s11 =	sshrl.u32 s5, $0x3;
	s10 =	sor.u32 $0x1C0B, s10;
	s12 =	rddreg [dreg:$0x6]  }
0xf2: {  	[hbm:s12@s13], [sflag:s10] =	dma.strided [spmem:s11@s6], $0x1400, s0, $0x8   }
0xf3: {  	_ =	swait.ge [sflag:s20], $0x1400  }
0xf4: {  	s9 =	sadd.s32 $0x1, s9;
	s12 =	rddreg [dreg:$0x7]  }
0xf5: {  	p0 =	sne.s32 s9, s12  }
.Ltmp3:
0xf6: {  	_ = 	snop;
	(pc) =	sbr.rel @p0 .LBB2_1-.Ltmp3, $3  }
0xf7: {  	_ =	sdelay $0x1  }
0xf8: {  	[sflag:s20] =	ssyncset.done $0x0  }
0xf9: {  	[sflag:s20] =	ssyncadd.s32 $0xFFFFEC00  }
0xfa: {  	_ =	sfence.sel $0x180000  }
0xfb: {  	[bflag:$0x0] =	sbarrier.arrive $0xFFFF  }
0xfc: {  	_ =	strace $0x9000004A  }
0xfd: {  	s0 =	stileid.u32;
	[bflag:$0x2] =	sbarrier.arrive $0xFFFF  }
0xfe: {  	p0 =	sne.s32 s0, $0x0;
	s0 =	rddreg [dreg:$0x3]  }
0xff: {  	s0 =	sadd.s32 @!p0 $0x100000, s0  }
0x100: {  	[sflag:s0] =	ssyncadd.tile.s32 @!p0 $0x1;
	_ =	shalt  }
.Lfunc_end2:
_tile_overlayer_lowered:
.L_overlay_start_2:
0x101: {  	(tag) =	ssettag $0x2  }
0x102: {  	s0 =	rddreg [dreg:$0x0];
	s2 =	stileid.u32  }
0x103: {  	s1 =	rddreg [dreg:$0x1];
	p0 =	sne.s32 s2, $0x0  }
0x104: {  	s3 =	rddreg [dreg:$0x2];
	[bflag:$0x3] =	sbarrier.arrive $0xFFFF;
	s2 =	simm.s32 @!p0 $0x1C0B  }
0x105: {  	[timem:s3], [sflag:s2] =	dma.local @!p0 [hbm:s0], s1  }
0x106: {  	s0 =	simm.s32 @!p0 $0xB  }
0x107: {  	_ =	swait.ge @!p0 [sflag:s0], s1  }
0x108: {  	s1 =	ssub.s32 @!p0 $0x0, s1;
	[sflag:s0] =	ssyncset.done @!p0 $0x0  }
0x109: {  	[sflag:s0] =	ssyncadd.s32 @!p0 s1  }
0x10a: {  	[bflag:$0x3] =	sbarrier.arrive $0xFFFF  }
0x10b: {  	_ =	shalt  }

// kernel: kernel.15.cloned.1.call-start
scs
__scs_entry_jumppad:
0x0: {  	(pc) =	sbr.rel $0x88, $3  }
0x1: {  	(tag) =	ssettag $0x0;
	lr =	simm.s32 $0x1  }
0x2: {  	[smem:$0x3F9B] =	sst lr;
	_ =	strace $0xD0000000  }
0x3: {  	_ = 	snop  }
0x4: {  	_ = 	snop  }
0x5: {  	_ = 	snop  }
0x6: {  	_ = 	snop  }
0x7: {  	_ = 	snop  }
__scs_overlays_trampoline_lowered:
0x8: {  	[smem:$0x3FAA] =	sst s0  }
0x9: {  	[smem:$0x3FAB] =	sst s1  }
0xa: {  	[smem:$0x3FAC] =	sst s2  }
0xb: {  	[smem:$0x3FAD] =	sst s3  }
0xc: {  	[smem:$0x3FAE] =	sst s4  }
0xd: {  	[smem:$0x3FAF] =	sst s5  }
0xe: {  	[smem:$0x3FB0] =	sst s6  }
0xf: {  	[smem:$0x3FB1] =	sst s7  }
0x10: {  	[smem:$0x3FB2] =	sst s8  }
0x11: {  	[smem:$0x3FB3] =	sst s9;
	s0 =	simm.s32 @!p0 $0x0  }
0x12: {  	s1 =	sld [smem:$0x3F99];
	s0 =	simm.s32 @p0 $0x1  }
0x13: {  	[smem:$0x3FB4] =	sst s0;
	s0 =	simm.s32 @!p1 $0x0  }
0x14: {  	s2 =	sld [smem:$0x3F98];
	s0 =	simm.s32 @p1 $0x1  }
0x15: {  	[smem:$0x3FB5] =	sst s0;
	s0 =	simm.s32 @!p2 $0x0  }
0x16: {  	s3 =	sld [smem:$0x3FDB];
	s0 =	simm.s32 @p2 $0x1  }
0x17: {  	s4 =	simm.s32 $0x1BF5;
	[smem:$0x3FB7] =	sst s0  }
0x18: {  	s0 =	sld [smem:$0x3F9A];
	_ =	swait.ge [sflag:s4], $0x0  }
0x19: {  	s7 =	sld [smem:$0x3F9B]  }
0x1a: {  	s8 =	sadd.s32 $0xFFFFE003, lr  }
0x1b: {  	s9 =	sadd.s32 $0xFFFFFEF7, lr;
	s5 =	simm.s32 $0xFFFFFFFF;
	p2 =	slt.u32 s8, $0xFFFFF086  }
0x1c: {  	p1 =	slt.u32 s9, $0xF7A;
	s5 =	simm.s32 @!p2 $0x0  }
0x1d: {  	s5 =	simm.s32 @p1 $0x1;
	p0 =	seq.s32 s7, s2  }
0x1e: {  	s7 =	smul.u32 @!p0 $0xF7A, s2;
	p2 =	seq.s32 @!p0 s5, $0x0  }
0x1f: {  	s9 =	smul.u32 $0xF7A, s1;
	s8 =	simm.s32 @!p0 $0x1BF5;
	p2 =	por !p2, p0  }
0x20: {  	[sflag:s8] =	ssyncset.s32 @!p0 $0xFFFFF086;
	s6 =	sadd.s32 @!p0 s3, s7;
	s7 =	simm.s32 @!p0 $0x108  }
0x21: {  	s3 =	sadd.s32 s3, s9;
	s6 =	sadd.s32 @!p0 $0x88, s6;
	s7 =	simm.s32 @p2 $0x1082  }
0x22: {  	[simem:s7], [sflag:s8] =	dma.local @!p0 [hbm:s6], $0xF7A  }
0x23: {  	s9 =	sor.u32 $0xD0000000, s2;
	s6 =	simm.s32 $0x108;
	_ =	swait.ge @!p0 [sflag:s8], $0x0  }
0x24: {  	s3 =	sadd.s32 $0x88, s3;
	s6 =	simm.s32 @!p1 $0x1082;
	[sflag:s4] =	ssyncset.s32 $0xFFFFF086  }
0x25: {  	[simem:s6], [sflag:s4] =	dma.local [hbm:s3], $0xF7A  }
0x26: {  	[smem:$0x3F9B] =	sst s1;
	(tag) =	ssettag s2;
	_ =	strace s9  }
0x27: {  	s1 =	sld [smem:$0x3FAB]  }
0x28: {  	s2 =	sld [smem:$0x3FAC]  }
0x29: {  	s4 =	sld [smem:$0x3FAE]  }
0x2a: {  	p0 =	seq.s32 s5, $0x0;
	s5 =	sld [smem:$0x3FAF]  }
0x2b: {  	s6 =	sld [smem:$0x3FB0]  }
0x2c: {  	s7 =	sld [smem:$0x3FB1]  }
0x2d: {  	s3 =	simm.s32 $0x108;
	s8 =	sld [smem:$0x3FB2]  }
0x2e: {  	s3 =	simm.s32 @!p0 $0x1082;
	s9 =	sld [smem:$0x3FB3]  }
0x2f: {  	lr =	sadd.s32 s0, s3;
	s0 =	sld [smem:$0x3FAA]  }
0x30: {  	s3 =	sld [smem:$0x3FAD]  }
0x31: {  	[smem:$0x3FB6] =	sst s10  }
0x32: {  	s10 =	sld [smem:$0x3FB4];
	_ =	sdelay $0x3  }
0x33: {  	p0 =	seq.s32 s10, $0x1;
	s10 =	sld [smem:$0x3FB6];
	_ =	sdelay $0x3  }
0x34: {  	[smem:$0x3FB6] =	sst s10  }
0x35: {  	s10 =	sld [smem:$0x3FB5];
	_ =	sdelay $0x3  }
0x36: {  	p1 =	seq.s32 s10, $0x1;
	s10 =	sld [smem:$0x3FB6];
	_ =	sdelay $0x3  }
0x37: {  	[smem:$0x3FB6] =	sst s10  }
0x38: {  	s10 =	sld [smem:$0x3FB7]  }
0x39: {  	_ = 	snop;
	(pc) =	sbr.ind lr, $3  }
0x3a: {  	_ = 	snop  }
0x3b: {  	_ = 	snop  }
0x3c: {  	p2 =	seq.s32 s10, $0x1;
	s10 =	sld [smem:$0x3FB6]  }
0x3d: {  	_ =	shalt  }
0x3e: {  	_ =	shalt  }
0x3f: {  	_ =	shalt  }
0x40: {  	_ =	shalt  }
0x41: {  	_ =	shalt  }
0x42: {  	_ =	shalt  }
0x43: {  	_ =	shalt  }
0x44: {  	_ =	shalt  }
0x45: {  	_ =	shalt  }
0x46: {  	_ =	shalt  }
0x47: {  	_ =	shalt  }
0x48: {  	_ =	shalt  }
0x49: {  	_ =	shalt  }
0x4a: {  	_ =	shalt  }
0x4b: {  	_ =	shalt  }
0x4c: {  	_ =	shalt  }
0x4d: {  	_ =	shalt  }
0x4e: {  	_ =	shalt  }
0x4f: {  	_ =	shalt  }
0x50: {  	_ =	shalt  }
0x51: {  	_ =	shalt  }
0x52: {  	_ =	shalt  }
0x53: {  	_ =	shalt  }
0x54: {  	_ =	shalt  }
0x55: {  	_ =	shalt  }
0x56: {  	_ =	shalt  }
0x57: {  	_ =	shalt  }
0x58: {  	_ =	shalt  }
0x59: {  	_ =	shalt  }
0x5a: {  	_ =	shalt  }
0x5b: {  	_ =	shalt  }
0x5c: {  	_ =	shalt  }
0x5d: {  	_ =	shalt  }
0x5e: {  	_ =	shalt  }
0x5f: {  	_ =	shalt  }
0x60: {  	_ =	shalt  }
0x61: {  	_ =	shalt  }
0x62: {  	_ =	shalt  }
0x63: {  	_ =	shalt  }
0x64: {  	_ =	shalt  }
0x65: {  	_ =	shalt  }
0x66: {  	_ =	shalt  }
0x67: {  	_ =	shalt  }
0x68: {  	_ =	shalt  }
0x69: {  	_ =	shalt  }
0x6a: {  	_ =	shalt  }
0x6b: {  	_ =	shalt  }
0x6c: {  	_ =	shalt  }
0x6d: {  	_ =	shalt  }
0x6e: {  	_ =	shalt  }
0x6f: {  	_ =	shalt  }
0x70: {  	_ =	shalt  }
0x71: {  	_ =	shalt  }
0x72: {  	_ =	shalt  }
0x73: {  	_ =	shalt  }
0x74: {  	_ =	shalt  }
0x75: {  	_ =	shalt  }
0x76: {  	_ =	shalt  }
0x77: {  	_ =	shalt  }
0x78: {  	_ =	shalt  }
0x79: {  	_ =	shalt  }
0x7a: {  	_ =	shalt  }
0x7b: {  	_ =	shalt  }
0x7c: {  	_ =	shalt  }
0x7d: {  	_ =	shalt  }
0x7e: {  	_ =	shalt  }
0x7f: {  	_ =	shalt  }
0x80: {  	_ =	shalt  }
0x81: {  	_ =	shalt  }
0x82: {  	_ =	shalt  }
0x83: {  	_ =	shalt  }
0x84: {  	_ =	shalt  }
0x85: {  	_ =	shalt  }
0x86: {  	_ =	shalt  }
0x87: {  	_ =	shalt  }
.Lfunc_end0:
.L_simem_size_0:
called_computation.2_lowered:
.L_overlay_start_0:
0x88: {  	s2 =	sld [smem:$0x3FD9]  }
0x89: {  	s3 =	sld [smem:$0x3FFE];
	_ =	sdelay $0x1  }
0x8a: {  	s1 =	srdreg.scid  }
0x8b: {  	s0 =	sand.u32 $0x1, s1  }
0x8c: {  	s17 =	sshll.u32 s0, $0xA;
	s2 =	sadd.s32 s3, s2  }
0x8d: {  	s2 =	sadd.s32 s2, s17  }
0x8e: {  	[smem:$0x3FC2] =	sst s2  }
0x8f: {  	_ = 	snop  }
0x90: {  	s2 =	sld [smem:$0x3FD0];
	(tm) =	ssettm $0x1  }
0x91: {  	s18 =	sld [smem:$0x3FFB];
	_ =	sdelay $0x3  }
0x92: {  	_ =	strace s18  }
0x93: {  	s3 =	sld [smem:$0x3FFC];
	_ =	sdelay $0x3  }
0x94: {  	_ =	strace s3  }
0x95: {  	s3 =	sld [smem:$0x3FFD];
	_ =	sdelay $0x3  }
0x96: {  	_ =	strace s3  }
0x97: {  	_ =	strace $0x8FFFFFFF  }
0x98: {  	s19 =	sld [smem:$0x3FDB];
	_ =	sdelay $0x1  }
0x99: {  	s4 =	simm.s32 $_scs_section_size  }
0x9a: {  	s5 =	simm.s32 $_size__tile_overlayer_lowered;
	s6 =	simm.s32 $_tile_overlayer_lowered  }
0x9b: {  	s22 =	simm.s32 $0x1BFF;
	s21 =	sshll.u32 s6, $0x1;
	s3 =	sadd.s32 s4, s19  }
0x9c: {  	s7 =	simm.s32 $0x0;
	s20 =	sshll.u32 s5, $0x1;
	s5 =	sadd.s32 s21, s3  }
0x9d: {  	[timem:s7], [sflag:s22] =	dma.local [hbm:s5], s20  }
0x9e: {  	_ =	swait.ge [sflag:s22], s20  }
0x9f: {  	s4 =	ssub.s32 $0x0, s20;
	[sflag:s22] =	ssyncset.done $0x0  }
0xa0: {  	[sflag:s22] =	ssyncadd.s32 s4;
	_ =	sdelay $0x1  }
0xa1: {  	s23 =	simm.s32 $0x1B8B  }
0xa2: {  	_ =	swait.ge [sflag:s23], $0x1  }
0xa3: {  	[sflag:s23] =	ssyncset.done $0x0  }
0xa4: {  	s25 =	simm.s32 $0x1B8E;
	s24 =	sld [smem:$0x3FFE];
	[sflag:s23] =	ssyncadd.s32 $0xFFFFFFFF  }
0xa5: {  	s26 =	simm.s32 $execute0_lowered;
	[smem:$0x3FD2] =	sst s25  }
0xa6: {  	s5 =	sshll.u32 s26, $0x1;
	_ =	strace $0x8000004C;
	[dreg:$0x1] =	wrdreg $0xFFFFFFFF  }
0xa7: {  	s28 =	simm.s32 $_size_execute0_lowered;
	s3 =	sadd.s32 s3, s5;
	[dreg:$0x0] =	wrdreg $0x0  }
0xa8: {  	s5 =	sshll.u32 s28, $0x1;
	[dreg:$0x2] =	wrdreg s3  }
0xa9: {  	[dreg:$0x3] =	wrdreg s5  }
0xaa: {  	[dreg:$0x4] =	wrdreg $0xC0  }
0xab: {  	_ =	task [dreg:s7], $0x5FFFF  }
0xac: {  	[dreg:$0x1] =	wrdreg $0xFFFFFFFF  }
0xad: {  	[dreg:$0x0] =	wrdreg $0x60  }
0xae: {  	[dreg:$0x2] =	wrdreg s24  }
0xaf: {  	[dreg:$0x3] =	wrdreg s2  }
0xb0: {  	[dreg:$0x4] =	wrdreg $0x100000  }
0xb1: {  	[dreg:$0x5] =	wrdreg $0x9  }
0xb2: {  	_ =	task.clear_ibuf [dreg:s7], $0x6FFFF;
	_ =	strace $0x9000004C  }
0xb3: {  	s29 =	simm.s32 $0x9;
	_ =	strace $0x8000004E  }
0xb4: {  	_ =	swait.ge [sflag:s29], $0x1  }
0xb5: {  	[sflag:s29] =	ssyncadd.s32 $0xFFFFFFFF  }
0xb6: {  	_ =	strace $0x9000004E  }
0xb7: {  	_ =	sfence  }
0xb8: {  	s30 =	sld [smem:$0x0];
	_ =	sdelay $0x2  }
0xb9: {  	s31 =	sshll.u32 s1, $0xD;
	s1 =	sshrl.u32 s1, $0x2  }
0xba: {  	s3 =	sand.u32 $0x4000, s31;
	s1 =	sadd.s32 s1, s30  }
0xbb: {  	s0 =	sor.u32 s3, s0;
	s1 =	sshll.u32 s1, $0x11  }
0xbc: {  	s0 =	sor.u32 s1, s0  }
0xbd: {  	s0 =	sadd.s32 $0x8F2B, s0  }
0xbe: {  	[sflag:s0] =	ssyncadd.remote.s32 $0x1  }
0xbf: {  	_ =	sfence.sel $0xFFFF  }
0xc0: {  	[dreg:$0x0] =	wrdreg $0xFFFFFFFF;
	(pc) =	sbr.abs _section_cstart, $3  }
0xc1: {  	[dreg:$0x1] =	wrdreg $0xFFFFFFFF  }
0xc2: {  	_ =	task.clear_ibuf [dreg:s7], $0x2FFFF;
	_ =	strace $0x9FFFFFFF  }
0xc3: {  	(tm) =	ssettm $0x7FFFFFFF  }
tec
execute0_lowered:
.L_overlay_start_1:
0x0: {  	(tag) =	ssettag $0x1  }
0x1: {  	s0 =	rddreg [dreg:$0x0]  }
0x2: {  	s1 =	rddreg [dreg:$0x1];
	s3 =	srdreg.scid  }
0x3: {  	s8 =	stileid.u32;
	s2 =	rddreg [dreg:$0x2];
	s5 =	simm.s32 $0x0  }
0x4: {  	s29 =	simm.s32 $0xB000;
	s31 =	simm.s32 $0xD000;
	s28 =	simm.s32 $0x5  }
0x5: {  	s30 =	simm.s32 $0x6;
	s13 =	simm.s32 $0x10;
	s3 =	sand.u32 $0x1, s3  }
0x6: {  	s4 =	sshll.u32 s8, $0x1;
	[smem:$0x7FF] =	sst s5;
	s19 =	smul.u32 $0x14000, s8  }
0x7: {  	s8 =	smul.u32 $0x28000, s8;
	s4 =	sor.u32 s3, s4;
	_ =	strace $0x8000004D  }
0x8: {  	s7 =	sshll.u32 s3, $0x6;
	s3 =	ssub.s32 $0x2, s3;
	s6 =	smul.u32 $0x500, s4  }
0x9: {  	s4 =	sadd.s32 $0x17800, s0;
	s5 =	sor.u32 s7, s19;
	s20 =	sshrl.u32 s3, $0x1  }
0xa: {  	s8 =	sshrl.u32 s8, $0x2;
	s19 =	simm.s32 $0xF000;
	s7 =	simm.s32 $0x9  }
0xb: {  	s5 =	sshrl.u32 s5, $0x3;
	s3 =	ssub.s32 s3, s20;
	s20 =	simm.s32 $0xB  }
0xc: {  	s9 =	sadd.s32 s6, s0;
	s0 =	sadd.s32 s5, s0;
	s5 =	sadd.s32 s8, s2  }
0xd: {  	s1 =	sadd.s32 s1, s6;
	s22 =	smax.u32 s3, $0x1;
	s3 =	simm.s32 $0x7  }
0xe: {  	s6 =	simm.s32 $0x8;
	s8 =	simm.s32 $0xA;
	[dreg:$0x4] =	wrdreg s1  }
0xf: {  	s21 =	sadd.s32 $0xD800, s9;
	s0 =	sadd.s32 $0x3EA00, s0;
	[dreg:$0x7] =	wrdreg s22  }
0x10: {  	s23 =	sadd.s32 $0x1000, s5;
	s24 =	sadd.s32 $0x2000, s5;
	[dreg:$0x5] =	wrdreg s21  }
0x11: {  	s25 =	sadd.s32 $0x3000, s5;
	s26 =	sadd.s32 $0x4000, s5;
	[dreg:$0x6] =	wrdreg s0  }
0x12: {  	s14 =	sadd.s32 $0x5000, s5;
	s15 =	sadd.s32 $0x6000, s5;
	[dreg:$0x8] =	wrdreg s23  }
0x13: {  	s16 =	sadd.s32 $0x7000, s5;
	s17 =	sadd.s32 $0x8000, s5;
	[dreg:$0x9] =	wrdreg s24  }
0x14: {  	s18 =	sadd.s32 $0x9000, s5;
	s22 =	simm.s32 $0x80;
	[dreg:$0xa] =	wrdreg s25  }
0x15: {  	s1 =	simm.s32 $0x1;
	s9 =	simm.s32 $0x0;
	[dreg:$0xb] =	wrdreg s26  }
0x16: {  	s23 =	simm.s32 $0x5000;
	s24 =	simm.s32 $0x7000;
	s26 =	simm.s32 $0x9000  }
0x17: {  	v0 =	vimm.f32 $0.0e+00;
	s21 =	simm.s32 $0x2;
	s25 =	simm.s32 $0x3;
	s0 =	simm.s32 $0x4  }
.LBB2_1:
0x18: {  	s11 =	simm.s32 $0x100;
	s10 =	simm.s32 $0x0  }
.LBB2_2:
0x19: {  	p0 =	sne.s32 s11, $0x3F00;
	[tilespmem:s10+$0xF030] =	vst v0;
	s12 =	smov.u32 s11;
	s11 =	sadd.s32 $0x100, s11  }
.Ltmp0:
0x1a: {  	[tilespmem:s10+$0xF020] =	vst v0;
	(pc) =	sbr.rel @p0 .LBB2_2-.Ltmp0, $3  }
0x1b: {  	[tilespmem:s10+$0xF000] =	vst v0  }
0x1c: {  	[tilespmem:s10+$0xF010] =	vst v0;
	_ =	sdelay $0x1  }
0x1d: {  	s10 =	sshra.s32 s12, $0x2  }
0x1e: {  	[tilespmem:s10+$0xF030] =	vst v0  }
0x1f: {  	[tilespmem:s10+$0xF020] =	vst v0  }
0x20: {  	[tilespmem:s10+$0xF000] =	vst v0  }
0x21: {  	[tilespmem:s10+$0xF010] =	vst v0  }
0x22: {  	[spmem:s5] =	stream.linear.scatter [tilespmem:s19], [sflag:$0xB], $0x1000, $0x38;
	[tilespmem:$0x1A000] =	vst v63  }
0x23: {  	_ =	swait.ge [sflag:s20], $0x1000  }
0x24: {  	[sflag:s20] =	ssyncset.done $0x0  }
0x25: {  	s11 =	rddreg [dreg:$0x8];
	[sflag:s20] =	ssyncadd.s32 $0xFFFFF000  }
0x26: {  	[spmem:s11] =	stream.linear.scatter [tilespmem:s19], [sflag:$0xB], $0x1000, $0x38;
	[tilespmem:$0x1A000] =	vst v63  }
0x27: {  	_ =	swait.ge [sflag:s20], $0x1000  }
0x28: {  	[sflag:s20] =	ssyncset.done $0x0  }
0x29: {  	s12 =	rddreg [dreg:$0x9];
	[sflag:s20] =	ssyncadd.s32 $0xFFFFF000  }
0x2a: {  	[spmem:s12] =	stream.linear.scatter [tilespmem:s19], [sflag:$0xB], $0x1000, $0x38;
	[tilespmem:$0x1A000] =	vst v63  }
0x2b: {  	_ =	swait.ge [sflag:s20], $0x1000  }
0x2c: {  	[sflag:s20] =	ssyncset.done $0x0  }
0x2d: {  	s11 =	rddreg [dreg:$0xa];
	[sflag:s20] =	ssyncadd.s32 $0xFFFFF000  }
0x2e: {  	[spmem:s11] =	stream.linear.scatter [tilespmem:s19], [sflag:$0xB], $0x1000, $0x38;
	[tilespmem:$0x1A000] =	vst v63  }
0x2f: {  	_ =	swait.ge [sflag:s20], $0x1000  }
0x30: {  	[sflag:s20] =	ssyncset.done $0x0  }
0x31: {  	s12 =	rddreg [dreg:$0xb];
	[sflag:s20] =	ssyncadd.s32 $0xFFFFF000  }
0x32: {  	[spmem:s12] =	stream.linear.scatter [tilespmem:s19], [sflag:$0xB], $0x1000, $0x38;
	[tilespmem:$0x1A000] =	vst v63  }
0x33: {  	_ =	swait.ge [sflag:s20], $0x1000  }
0x34: {  	[sflag:s20] =	ssyncset.done $0x0  }
0x35: {  	[sflag:s20] =	ssyncadd.s32 $0xFFFFF000  }
0x36: {  	[spmem:s14] =	stream.linear.scatter [tilespmem:s19], [sflag:$0xB], $0x1000, $0x38;
	[tilespmem:$0x1A000] =	vst v63  }
0x37: {  	_ =	swait.ge [sflag:s20], $0x1000  }
0x38: {  	[sflag:s20] =	ssyncset.done $0x0  }
0x39: {  	[sflag:s20] =	ssyncadd.s32 $0xFFFFF000  }
0x3a: {  	[spmem:s15] =	stream.linear.scatter [tilespmem:s19], [sflag:$0xB], $0x1000, $0x38;
	[tilespmem:$0x1A000] =	vst v63  }
0x3b: {  	_ =	swait.ge [sflag:s20], $0x1000  }
0x3c: {  	[sflag:s20] =	ssyncset.done $0x0  }
0x3d: {  	[sflag:s20] =	ssyncadd.s32 $0xFFFFF000  }
0x3e: {  	[spmem:s16] =	stream.linear.scatter [tilespmem:s19], [sflag:$0xB], $0x1000, $0x38;
	[tilespmem:$0x1A000] =	vst v63  }
0x3f: {  	_ =	swait.ge [sflag:s20], $0x1000  }
0x40: {  	[sflag:s20] =	ssyncset.done $0x0  }
0x41: {  	[sflag:s20] =	ssyncadd.s32 $0xFFFFF000  }
0x42: {  	[spmem:s17] =	stream.linear.scatter [tilespmem:s19], [sflag:$0xB], $0x1000, $0x38;
	[tilespmem:$0x1A000] =	vst v63  }
0x43: {  	_ =	swait.ge [sflag:s20], $0x1000  }
0x44: {  	[sflag:s20] =	ssyncset.done $0x0  }
0x45: {  	[sflag:s20] =	ssyncadd.s32 $0xFFFFF000  }
0x46: {  	[spmem:s18] =	stream.linear.scatter [tilespmem:s19], [sflag:$0xB], $0x1000, $0x38;
	[tilespmem:$0x1A000] =	vst v63  }
0x47: {  	_ =	swait.ge [sflag:s20], $0x1000  }
0x48: {  	[sflag:s20] =	ssyncset.done $0x0  }
0x49: {  	[sflag:s20] =	ssyncadd.s32 $0xFFFFF000  }
0x4a: {  	[bflag:$0x0] =	sbarrier.arrive $0xFFFF  }
0x4b: {  	s10 =	simm.s32 $0x0;
	s11 =	rddreg [dreg:$0x4]  }
0x4c: {  	[tilespmem:s10], [sflag:$0xB] =	stream.linear.gather [hbm4b:s11+s10], $0x2800, $0x38;
	[tilespmem:$0x1A000] =	vst v63  }
0x4d: {  	_ =	swait.ge [sflag:s20], $0x2800  }
0x4e: {  	[sflag:s20] =	ssyncset.done $0x0  }
0x4f: {  	s12 =	simm.s32 $0x2800;
	s11 =	rddreg [dreg:$0x5];
	[sflag:s20] =	ssyncadd.s32 $0xFFFFD800  }
0x50: {  	[tilespmem:s12], [sflag:$0xB] =	stream.linear.gather [hbm4b:s11+s10], $0x2800, $0x38;
	[tilespmem:$0x1A000] =	vst v63  }
0x51: {  	_ =	swait.ge [sflag:s20], $0x2800  }
0x52: {  	[sflag:s20] =	ssyncset.done $0x0  }
0x53: {  	s10 =	simm.s32 $0x70;
	[sflag:s20] =	ssyncadd.s32 $0xFFFFD800  }
0x54: {  	v3 =	vld [tilespmem:s10+$0xFFFFFF90]  }
0x55: {  	v5 =	vld [tilespmem:s10+$0xFFFFFFA0]  }
0x56: {  	v4 =	vld [tilespmem:s10+$0xFFFFFFB0]  }
0x57: {  	v2 =	vld [tilespmem:s10+$0xFFFFFFC0]  }
0x58: {  	v1 =	vld [tilespmem:s10+$0xFFFFFFD0]  }
0x59: {  	s11 =	simm.s32 $0x3C0;
	v6 =	vshll.u32 v3, $0x1;
	v3 =	vld [tilespmem:s10+$0xFFFFFFE0]  }
.LBB2_4:
0x5a: {  	p0 =	sne.s32 s11, $0x9FC0;
	[tilespmem:s10+$0xFFFFFF90] =	vst v6;
	v5 =	vshll.u32 v5, $0x1;
	v6 =	vld [tilespmem:s10+$0x0]  }
0x5b: {  	s12 =	sshra.s32 s11, $0x2;
	[tilespmem:s10+$0xFFFFFFA0] =	vst v5;
	v4 =	vshll.u32 v4, $0x1;
	v7 =	vld [tilespmem:s10+$0xFFFFFFF0]  }
0x5c: {  	v8 =	vld [tilespmem:s12+$0xFFFFFF90];
	[tilespmem:s10+$0xFFFFFFB0] =	vst v4;
	v2 =	vshll.u32 v2, $0x1  }
.Ltmp1:
0x5d: {  	v5 =	vld [tilespmem:s12+$0xFFFFFFA0];
	[tilespmem:s10+$0xFFFFFFC0] =	vst v2;
	v1 =	vshll.u32 v1, $0x1;
	(pc) =	sbr.rel @p0 .LBB2_4-.Ltmp1, $4  }
0x5e: {  	v4 =	vld [tilespmem:s12+$0xFFFFFFB0];
	[tilespmem:s10+$0xFFFFFFD0] =	vst v1;
	v1 =	vshll.u32 v3, $0x1  }
0x5f: {  	v2 =	vld [tilespmem:s12+$0xFFFFFFC0];
	[tilespmem:s10+$0xFFFFFFE0] =	vst v1;
	v3 =	vshll.u32 v6, $0x1  }
0x60: {  	v1 =	vld [tilespmem:s12+$0xFFFFFFD0];
	v7 =	vshll.u32 v7, $0x1;
	[tilespmem:s10+$0x0] =	vst v3  }
0x61: {  	s11 =	sadd.s32 $0x200, s11;
	v6 =	vshll.u32 v8, $0x1;
	v3 =	vld [tilespmem:s12+$0xFFFFFFE0];
	[tilespmem:s10+$0xFFFFFFF0] =	vst v7;
	s10 =	smov.u32 s12  }
0x62: {  	[tilespmem:s10+$0xFFFFFF90] =	vst v6;
	v5 =	vshll.u32 v5, $0x1;
	v62 =	vld [tilespmem:s10+$0x0]  }
0x63: {  	v63 =	vld [tilespmem:s10+$0xFFFFFFF0];
	[tilespmem:s10+$0xFFFFFFA0] =	vst v5;
	v4 =	vshll.u32 v4, $0x1  }
0x64: {  	[tilespmem:s10+$0xFFFFFFB0] =	vst v4;
	v2 =	vshll.u32 v2, $0x1  }
0x65: {  	[tilespmem:s10+$0xFFFFFFC0] =	vst v2;
	v1 =	vshll.u32 v1, $0x1  }
0x66: {  	[tilespmem:s10+$0xFFFFFFD0] =	vst v1;
	v1 =	vshll.u32 v3, $0x1  }
0x67: {  	[tilespmem:s10+$0xFFFFFFE0] =	vst v1;
	v1 =	vshll.u32 v62, $0x1  }
0x68: {  	v2 =	vshll.u32 v63, $0x1;
	[tilespmem:s10+$0x0] =	vst v1  }
0x69: {  	s12 =	simm.s32 $0x0;
	[tilespmem:s10+$0xFFFFFFF0] =	vst v2  }
0x6a: {  	[tilespmem:s23], [sflag:$0x1] =	stream.indirect.gather [hbm4b:s4+s22], $0x40, s12, s22, $0xb8;
	[tilespmem:$0x1A000] =	vst v63  }
0x6b: {  	_ = 	snop  }
0x6c: {  	[tilespmem:s24], [sflag:$0x2] =	stream.indirect.gather [hbm4b:s4+s22], $0x40, s22, s22, $0xb8;
	[tilespmem:$0x1A000] =	vst v63  }
0x6d: {  	s11 =	simm.s32 $0x100  }
0x6e: {  	[tilespmem:s26], [sflag:$0x3] =	stream.indirect.gather [hbm4b:s4+s22], $0x40, s11, s22, $0xb8;
	[tilespmem:$0x1A000] =	vst v63  }
0x6f: {  	s12 =	simm.s32 $0x180  }
0x70: {  	[tilespmem:s29], [sflag:$0x4] =	stream.indirect.gather [hbm4b:s4+s22], $0x40, s12, s22, $0xb8;
	[tilespmem:$0x1A000] =	vst v63  }
0x71: {  	s11 =	simm.s32 $0x200  }
0x72: {  	[tilespmem:s31], [sflag:$0x5] =	stream.indirect.gather [hbm4b:s4+s22], $0x40, s11, s22, $0xb8;
	[tilespmem:$0x1A000] =	vst v63  }
0x73: {  	_ =	swait.ge [sflag:s1], $0x2000  }
0x74: {  	[sflag:s1] =	ssyncset.done $0x0  }
0x75: {  	s12 =	simm.s32 $0x2800;
	[sflag:s1] =	ssyncadd.s32 $0xFFFFE000  }
0x76: {  	[spmem:s2] =	stream.indirect.scatter.add.f32 [tilespmem:s23], [sflag:$0x6], $0x40, s12, s22, $0xb8;
	[tilespmem:$0x1A000] =	vst v63  }
0x77: {  	_ =	swait.ge [sflag:s21], $0x2000  }
0x78: {  	[sflag:s21] =	ssyncset.done $0x0  }
0x79: {  	s11 =	simm.s32 $0x2880;
	[sflag:s21] =	ssyncadd.s32 $0xFFFFE000  }
0x7a: {  	[spmem:s2] =	stream.indirect.scatter.add.f32 [tilespmem:s24], [sflag:$0x7], $0x40, s11, s22, $0xb8;
	[tilespmem:$0x1A000] =	vst v63  }
0x7b: {  	_ =	swait.ge [sflag:s25], $0x2000  }
0x7c: {  	[sflag:s25] =	ssyncset.done $0x0  }
0x7d: {  	s12 =	simm.s32 $0x2900;
	[sflag:s25] =	ssyncadd.s32 $0xFFFFE000  }
0x7e: {  	[spmem:s2] =	stream.indirect.scatter.add.f32 [tilespmem:s26], [sflag:$0x8], $0x40, s12, s22, $0xb8;
	[tilespmem:$0x1A000] =	vst v63  }
0x7f: {  	_ =	swait.ge [sflag:s0], $0x2000  }
0x80: {  	[sflag:s0] =	ssyncset.done $0x0  }
0x81: {  	s11 =	simm.s32 $0x2980;
	[sflag:s0] =	ssyncadd.s32 $0xFFFFE000  }
0x82: {  	[spmem:s2] =	stream.indirect.scatter.add.f32 [tilespmem:s29], [sflag:$0x9], $0x40, s11, s22, $0xb8;
	[tilespmem:$0x1A000] =	vst v63  }
0x83: {  	_ =	swait.ge [sflag:s28], $0x2000  }
0x84: {  	[sflag:s28] =	ssyncset.done $0x0  }
0x85: {  	s12 =	simm.s32 $0x2A00;
	[sflag:s28] =	ssyncadd.s32 $0xFFFFE000  }
0x86: {  	[spmem:s2] =	stream.indirect.scatter.add.f32 [tilespmem:s31], [sflag:$0xA], $0x40, s12, s22, $0xb8;
	[tilespmem:$0x1A000] =	vst v63  }
0x87: {  	_ =	swait.ge [sflag:s30], $0x2000  }
0x88: {  	[sflag:s30] =	ssyncset.done $0x0  }
0x89: {  	s11 =	simm.s32 $0x280;
	[sflag:s30] =	ssyncadd.s32 $0xFFFFE000  }
0x8a: {  	[tilespmem:s23], [sflag:$0x1] =	stream.indirect.gather [hbm4b:s4+s22], $0x40, s11, s22, $0xb8;
	[tilespmem:$0x1A000] =	vst v63  }
0x8b: {  	_ =	swait.ge [sflag:s3], $0x2000  }
0x8c: {  	[sflag:s3] =	ssyncset.done $0x0  }
0x8d: {  	s12 =	simm.s32 $0x300;
	[sflag:s3] =	ssyncadd.s32 $0xFFFFE000  }
0x8e: {  	[tilespmem:s24], [sflag:$0x2] =	stream.indirect.gather [hbm4b:s4+s22], $0x40, s12, s22, $0xb8;
	[tilespmem:$0x1A000] =	vst v63  }
0x8f: {  	_ =	swait.ge [sflag:s6], $0x2000  }
0x90: {  	[sflag:s6] =	ssyncset.done $0x0  }
0x91: {  	s11 =	simm.s32 $0x380;
	[sflag:s6] =	ssyncadd.s32 $0xFFFFE000  }
0x92: {  	[tilespmem:s26], [sflag:$0x3] =	stream.indirect.gather [hbm4b:s4+s22], $0x40, s11, s22, $0xb8;
	[tilespmem:$0x1A000] =	vst v63  }
0x93: {  	_ =	swait.ge [sflag:s7], $0x2000  }
0x94: {  	[sflag:s7] =	ssyncset.done $0x0  }
0x95: {  	s12 =	simm.s32 $0x400;
	[sflag:s7] =	ssyncadd.s32 $0xFFFFE000  }
0x96: {  	[tilespmem:s29], [sflag:$0x4] =	stream.indirect.gather [hbm4b:s4+s22], $0x40, s12, s22, $0xb8;
	[tilespmem:$0x1A000] =	vst v63  }
0x97: {  	_ =	swait.ge [sflag:s8], $0x2000  }
0x98: {  	[sflag:s8] =	ssyncset.done $0x0  }
0x99: {  	s10 =	simm.s32 $0xA00;
	s11 =	simm.s32 $0x480;
	[sflag:s8] =	ssyncadd.s32 $0xFFFFE000  }
.LBB2_6:
0x9a: {  	[tilespmem:s31], [sflag:$0x5] =	stream.indirect.gather [hbm4b:s4+s22], $0x40, s11, s22, $0xb8;
	[tilespmem:$0x1A000] =	vst v63  }
0x9b: {  	s11 =	smov.u32 s10  }
0x9c: {  	p0 =	sne.s32 s10, $0x8C00;
	s10 =	sadd.s32 $0xA00, s10;
	_ =	swait.ge [sflag:s1], $0x2000  }
0x9d: {  	s11 =	sshra.s32 s11, $0x2;
	[sflag:s1] =	ssyncset.done $0x0  }
0x9e: {  	s12 =	sadd.s32 $0x2800, s11;
	[sflag:s1] =	ssyncadd.s32 $0xFFFFE000  }
0x9f: {  	[spmem:s2] =	stream.indirect.scatter.add.f32 [tilespmem:s23], [sflag:$0x6], $0x40, s12, s22, $0xb8;
	[tilespmem:$0x1A000] =	vst v63  }
0xa0: {  	_ =	swait.ge [sflag:s21], $0x2000  }
0xa1: {  	[sflag:s21] =	ssyncset.done $0x0  }
0xa2: {  	s12 =	sadd.s32 $0x2880, s11;
	[sflag:s21] =	ssyncadd.s32 $0xFFFFE000  }
0xa3: {  	[spmem:s2] =	stream.indirect.scatter.add.f32 [tilespmem:s24], [sflag:$0x7], $0x40, s12, s22, $0xb8;
	[tilespmem:$0x1A000] =	vst v63  }
0xa4: {  	_ =	swait.ge [sflag:s25], $0x2000  }
0xa5: {  	[sflag:s25] =	ssyncset.done $0x0  }
0xa6: {  	s12 =	sadd.s32 $0x2900, s11;
	[sflag:s25] =	ssyncadd.s32 $0xFFFFE000  }
0xa7: {  	[spmem:s2] =	stream.indirect.scatter.add.f32 [tilespmem:s26], [sflag:$0x8], $0x40, s12, s22, $0xb8;
	[tilespmem:$0x1A000] =	vst v63  }
0xa8: {  	_ =	swait.ge [sflag:s0], $0x2000  }
0xa9: {  	[sflag:s0] =	ssyncset.done $0x0  }
0xaa: {  	s12 =	sadd.s32 $0x2980, s11;
	[sflag:s0] =	ssyncadd.s32 $0xFFFFE000  }
0xab: {  	[spmem:s2] =	stream.indirect.scatter.add.f32 [tilespmem:s29], [sflag:$0x9], $0x40, s12, s22, $0xb8;
	[tilespmem:$0x1A000] =	vst v63  }
0xac: {  	_ =	swait.ge [sflag:s28], $0x2000  }
0xad: {  	[sflag:s28] =	ssyncset.done $0x0  }
0xae: {  	s12 =	sadd.s32 $0x2A00, s11;
	[sflag:s28] =	ssyncadd.s32 $0xFFFFE000  }
0xaf: {  	[spmem:s2] =	stream.indirect.scatter.add.f32 [tilespmem:s31], [sflag:$0xA], $0x40, s12, s22, $0xb8;
	[tilespmem:$0x1A000] =	vst v63  }
0xb0: {  	_ =	swait.ge [sflag:s30], $0x2000  }
0xb1: {  	[sflag:s30] =	ssyncset.done $0x0  }
0xb2: {  	s12 =	sadd.s32 $0x280, s11;
	[sflag:s30] =	ssyncadd.s32 $0xFFFFE000  }
0xb3: {  	[tilespmem:s23], [sflag:$0x1] =	stream.indirect.gather [hbm4b:s4+s22], $0x40, s12, s22, $0xb8;
	[tilespmem:$0x1A000] =	vst v63  }
0xb4: {  	_ =	swait.ge [sflag:s3], $0x2000  }
0xb5: {  	[sflag:s3] =	ssyncset.done $0x0  }
0xb6: {  	s12 =	sadd.s32 $0x300, s11;
	[sflag:s3] =	ssyncadd.s32 $0xFFFFE000  }
0xb7: {  	[tilespmem:s24], [sflag:$0x2] =	stream.indirect.gather [hbm4b:s4+s22], $0x40, s12, s22, $0xb8;
	[tilespmem:$0x1A000] =	vst v63  }
0xb8: {  	_ =	swait.ge [sflag:s6], $0x2000  }
0xb9: {  	[sflag:s6] =	ssyncset.done $0x0  }
0xba: {  	s12 =	sadd.s32 $0x380, s11;
	[sflag:s6] =	ssyncadd.s32 $0xFFFFE000  }
0xbb: {  	[tilespmem:s26], [sflag:$0x3] =	stream.indirect.gather [hbm4b:s4+s22], $0x40, s12, s22, $0xb8;
	[tilespmem:$0x1A000] =	vst v63  }
0xbc: {  	_ =	swait.ge [sflag:s7], $0x2000  }
0xbd: {  	[sflag:s7] =	ssyncset.done $0x0  }
.Ltmp2:
0xbe: {  	s12 =	sadd.s32 $0x400, s11;
	[sflag:s7] =	ssyncadd.s32 $0xFFFFE000;
	(pc) =	sbr.rel @p0 .LBB2_6-.Ltmp2, $4  }
0xbf: {  	[tilespmem:s29], [sflag:$0x4] =	stream.indirect.gather [hbm4b:s4+s22], $0x40, s12, s22, $0xb8;
	[tilespmem:$0x1A000] =	vst v63  }
0xc0: {  	_ =	swait.ge [sflag:s8], $0x2000  }
0xc1: {  	[sflag:s8] =	ssyncset.done $0x0  }
0xc2: {  	s11 =	sadd.s32 $0x480, s11;
	[sflag:s8] =	ssyncadd.s32 $0xFFFFE000  }
0xc3: {  	[tilespmem:s31], [sflag:$0x5] =	stream.indirect.gather [hbm4b:s4+s22], $0x40, s11, s22, $0xb8;
	[tilespmem:$0x1A000] =	vst v63  }
0xc4: {  	_ =	swait.ge [sflag:s1], $0x2000  }
0xc5: {  	[sflag:s1] =	ssyncset.done $0x0  }
0xc6: {  	s10 =	simm.s32 $0x4D80;
	[sflag:s1] =	ssyncadd.s32 $0xFFFFE000  }
0xc7: {  	[spmem:s2] =	stream.indirect.scatter.add.f32 [tilespmem:s23], [sflag:$0x6], $0x40, s10, s22, $0xb8;
	[tilespmem:$0x1A000] =	vst v63  }
0xc8: {  	_ =	swait.ge [sflag:s21], $0x2000  }
0xc9: {  	[sflag:s21] =	ssyncset.done $0x0  }
0xca: {  	s11 =	simm.s32 $0x4E00;
	[sflag:s21] =	ssyncadd.s32 $0xFFFFE000  }
0xcb: {  	[spmem:s2] =	stream.indirect.scatter.add.f32 [tilespmem:s24], [sflag:$0x7], $0x40, s11, s22, $0xb8;
	[tilespmem:$0x1A000] =	vst v63  }
0xcc: {  	_ =	swait.ge [sflag:s25], $0x2000  }
0xcd: {  	[sflag:s25] =	ssyncset.done $0x0  }
0xce: {  	s12 =	simm.s32 $0x4E80;
	[sflag:s25] =	ssyncadd.s32 $0xFFFFE000  }
0xcf: {  	[spmem:s2] =	stream.indirect.scatter.add.f32 [tilespmem:s26], [sflag:$0x8], $0x40, s12, s22, $0xb8;
	[tilespmem:$0x1A000] =	vst v63  }
0xd0: {  	_ =	swait.ge [sflag:s0], $0x2000  }
0xd1: {  	[sflag:s0] =	ssyncset.done $0x0  }
0xd2: {  	s11 =	simm.s32 $0x4F00;
	[sflag:s0] =	ssyncadd.s32 $0xFFFFE000  }
0xd3: {  	[spmem:s2] =	stream.indirect.scatter.add.f32 [tilespmem:s29], [sflag:$0x9], $0x40, s11, s22, $0xb8;
	[tilespmem:$0x1A000] =	vst v63  }
0xd4: {  	_ =	swait.ge [sflag:s28], $0x2000  }
0xd5: {  	[sflag:s28] =	ssyncset.done $0x0  }
0xd6: {  	s12 =	simm.s32 $0x4F80;
	[sflag:s28] =	ssyncadd.s32 $0xFFFFE000  }
0xd7: {  	[spmem:s2] =	stream.indirect.scatter.add.f32 [tilespmem:s31], [sflag:$0xA], $0x40, s12, s22, $0xb8;
	[tilespmem:$0x1A000] =	vst v63  }
0xd8: {  	_ =	swait.ge [sflag:s30], $0x2000  }
0xd9: {  	[sflag:s30] =	ssyncset.done $0x0  }
0xda: {  	[sflag:s30] =	ssyncadd.s32 $0xFFFFE000  }
0xdb: {  	_ =	swait.ge [sflag:s3], $0x2000  }
0xdc: {  	[sflag:s3] =	ssyncset.done $0x0  }
0xdd: {  	[sflag:s3] =	ssyncadd.s32 $0xFFFFE000  }
0xde: {  	_ =	swait.ge [sflag:s6], $0x2000  }
0xdf: {  	[sflag:s6] =	ssyncset.done $0x0  }
0xe0: {  	[sflag:s6] =	ssyncadd.s32 $0xFFFFE000  }
0xe1: {  	_ =	swait.ge [sflag:s7], $0x2000  }
0xe2: {  	[sflag:s7] =	ssyncset.done $0x0  }
0xe3: {  	[sflag:s7] =	ssyncadd.s32 $0xFFFFE000  }
0xe4: {  	_ =	swait.ge [sflag:s8], $0x2000  }
0xe5: {  	[sflag:s8] =	ssyncset.done $0x0  }
0xe6: {  	s11 =	stileid.u32;
	[sflag:s8] =	ssyncadd.s32 $0xFFFFE000  }
0xe7: {  	s10 =	sshll.u32 s11, $0x6;
	[bflag:$0x0] =	sbarrier.arrive $0xFFFF  }
0xe8: {  	s11 =	sshrl.u32 s5, $0x3;
	s10 =	sor.u32 $0x1C0B, s10;
	s12 =	rddreg [dreg:$0x6]  }
0xe9: {  	[hbm:s12@s13], [sflag:s10] =	dma.strided [spmem:s11@s6], $0x1400, s1, $0x8   }
0xea: {  	_ =	swait.ge [sflag:s20], $0x1400  }
0xeb: {  	s9 =	sadd.s32 $0x1, s9;
	s12 =	rddreg [dreg:$0x7]  }
0xec: {  	p0 =	sne.s32 s9, s12  }
.Ltmp3:
0xed: {  	_ = 	snop;
	(pc) =	sbr.rel @p0 .LBB2_1-.Ltmp3, $3  }
0xee: {  	_ =	sdelay $0x1  }
0xef: {  	[sflag:s20] =	ssyncset.done $0x0  }
0xf0: {  	[sflag:s20] =	ssyncadd.s32 $0xFFFFEC00  }
0xf1: {  	_ =	sfence.sel $0x180000  }
0xf2: {  	[bflag:$0x0] =	sbarrier.arrive $0xFFFF  }
0xf3: {  	_ =	strace $0x9000004D  }
0xf4: {  	s0 =	stileid.u32;
	[bflag:$0x2] =	sbarrier.arrive $0xFFFF  }
0xf5: {  	p0 =	sne.s32 s0, $0x0;
	s0 =	rddreg [dreg:$0x3]  }
0xf6: {  	s0 =	sadd.s32 @!p0 $0x100000, s0  }
0xf7: {  	[sflag:s0] =	ssyncadd.tile.s32 @!p0 $0x1;
	_ =	shalt  }
.Lfunc_end2:
_tile_overlayer_lowered:
.L_overlay_start_2:
0xf8: {  	(tag) =	ssettag $0x2  }
0xf9: {  	s0 =	rddreg [dreg:$0x0];
	s2 =	stileid.u32  }
0xfa: {  	s1 =	rddreg [dreg:$0x1];
	p0 =	sne.s32 s2, $0x0  }
0xfb: {  	s3 =	rddreg [dreg:$0x2];
	[bflag:$0x3] =	sbarrier.arrive $0xFFFF;
	s2 =	simm.s32 @!p0 $0x1C0B  }
0xfc: {  	[timem:s3], [sflag:s2] =	dma.local @!p0 [hbm:s0], s1  }
0xfd: {  	s0 =	simm.s32 @!p0 $0xB  }
0xfe: {  	_ =	swait.ge @!p0 [sflag:s0], s1  }
0xff: {  	s1 =	ssub.s32 @!p0 $0x0, s1;
	[sflag:s0] =	ssyncset.done @!p0 $0x0  }
0x100: {  	[sflag:s0] =	ssyncadd.s32 @!p0 s1  }
0x101: {  	[bflag:$0x3] =	sbarrier.arrive $0xFFFF  }
0x102: {  	_ =	shalt  }

// kernel: kernel.9.cloned.1.call-start
scs
__scs_entry_jumppad:
0x0: {  	(pc) =	sbr.rel $0x88, $3  }
0x1: {  	(tag) =	ssettag $0x0;
	lr =	simm.s32 $0x1  }
0x2: {  	[smem:$0x3F9B] =	sst lr;
	_ =	strace $0xD0000000  }
0x3: {  	_ = 	snop  }
0x4: {  	_ = 	snop  }
0x5: {  	_ = 	snop  }
0x6: {  	_ = 	snop  }
0x7: {  	_ = 	snop  }
__scs_overlays_trampoline_lowered:
0x8: {  	[smem:$0x3FAA] =	sst s0  }
0x9: {  	[smem:$0x3FAB] =	sst s1  }
0xa: {  	[smem:$0x3FAC] =	sst s2  }
0xb: {  	[smem:$0x3FAD] =	sst s3  }
0xc: {  	[smem:$0x3FAE] =	sst s4  }
0xd: {  	[smem:$0x3FAF] =	sst s5  }
0xe: {  	[smem:$0x3FB0] =	sst s6  }
0xf: {  	[smem:$0x3FB1] =	sst s7  }
0x10: {  	[smem:$0x3FB2] =	sst s8  }
0x11: {  	[smem:$0x3FB3] =	sst s9;
	s0 =	simm.s32 @!p0 $0x0  }
0x12: {  	s1 =	sld [smem:$0x3F99];
	s0 =	simm.s32 @p0 $0x1  }
0x13: {  	[smem:$0x3FB4] =	sst s0;
	s0 =	simm.s32 @!p1 $0x0  }
0x14: {  	s2 =	sld [smem:$0x3F98];
	s0 =	simm.s32 @p1 $0x1  }
0x15: {  	[smem:$0x3FB5] =	sst s0;
	s0 =	simm.s32 @!p2 $0x0  }
0x16: {  	s3 =	sld [smem:$0x3FDB];
	s0 =	simm.s32 @p2 $0x1  }
0x17: {  	s4 =	simm.s32 $0x1BF5;
	[smem:$0x3FB7] =	sst s0  }
0x18: {  	s0 =	sld [smem:$0x3F9A];
	_ =	swait.ge [sflag:s4], $0x0  }
0x19: {  	s7 =	sld [smem:$0x3F9B]  }
0x1a: {  	s8 =	sadd.s32 $0xFFFFE003, lr  }
0x1b: {  	s9 =	sadd.s32 $0xFFFFFEF7, lr;
	s5 =	simm.s32 $0xFFFFFFFF;
	p2 =	slt.u32 s8, $0xFFFFF086  }
0x1c: {  	p1 =	slt.u32 s9, $0xF7A;
	s5 =	simm.s32 @!p2 $0x0  }
0x1d: {  	s5 =	simm.s32 @p1 $0x1;
	p0 =	seq.s32 s7, s2  }
0x1e: {  	s7 =	smul.u32 @!p0 $0xF7A, s2;
	p2 =	seq.s32 @!p0 s5, $0x0  }
0x1f: {  	s9 =	smul.u32 $0xF7A, s1;
	s8 =	simm.s32 @!p0 $0x1BF5;
	p2 =	por !p2, p0  }
0x20: {  	[sflag:s8] =	ssyncset.s32 @!p0 $0xFFFFF086;
	s6 =	sadd.s32 @!p0 s3, s7;
	s7 =	simm.s32 @!p0 $0x108  }
0x21: {  	s3 =	sadd.s32 s3, s9;
	s6 =	sadd.s32 @!p0 $0x88, s6;
	s7 =	simm.s32 @p2 $0x1082  }
0x22: {  	[simem:s7], [sflag:s8] =	dma.local @!p0 [hbm:s6], $0xF7A  }
0x23: {  	s9 =	sor.u32 $0xD0000000, s2;
	s6 =	simm.s32 $0x108;
	_ =	swait.ge @!p0 [sflag:s8], $0x0  }
0x24: {  	s3 =	sadd.s32 $0x88, s3;
	s6 =	simm.s32 @!p1 $0x1082;
	[sflag:s4] =	ssyncset.s32 $0xFFFFF086  }
0x25: {  	[simem:s6], [sflag:s4] =	dma.local [hbm:s3], $0xF7A  }
0x26: {  	[smem:$0x3F9B] =	sst s1;
	(tag) =	ssettag s2;
	_ =	strace s9  }
0x27: {  	s1 =	sld [smem:$0x3FAB]  }
0x28: {  	s2 =	sld [smem:$0x3FAC]  }
0x29: {  	s4 =	sld [smem:$0x3FAE]  }
0x2a: {  	p0 =	seq.s32 s5, $0x0;
	s5 =	sld [smem:$0x3FAF]  }
0x2b: {  	s6 =	sld [smem:$0x3FB0]  }
0x2c: {  	s7 =	sld [smem:$0x3FB1]  }
0x2d: {  	s3 =	simm.s32 $0x108;
	s8 =	sld [smem:$0x3FB2]  }
0x2e: {  	s3 =	simm.s32 @!p0 $0x1082;
	s9 =	sld [smem:$0x3FB3]  }
0x2f: {  	lr =	sadd.s32 s0, s3;
	s0 =	sld [smem:$0x3FAA]  }
0x30: {  	s3 =	sld [smem:$0x3FAD]  }
0x31: {  	[smem:$0x3FB6] =	sst s10  }
0x32: {  	s10 =	sld [smem:$0x3FB4];
	_ =	sdelay $0x3  }
0x33: {  	p0 =	seq.s32 s10, $0x1;
	s10 =	sld [smem:$0x3FB6];
	_ =	sdelay $0x3  }
0x34: {  	[smem:$0x3FB6] =	sst s10  }
0x35: {  	s10 =	sld [smem:$0x3FB5];
	_ =	sdelay $0x3  }
0x36: {  	p1 =	seq.s32 s10, $0x1;
	s10 =	sld [smem:$0x3FB6];
	_ =	sdelay $0x3  }
0x37: {  	[smem:$0x3FB6] =	sst s10  }
0x38: {  	s10 =	sld [smem:$0x3FB7]  }
0x39: {  	_ = 	snop;
	(pc) =	sbr.ind lr, $3  }
0x3a: {  	_ = 	snop  }
0x3b: {  	_ = 	snop  }
0x3c: {  	p2 =	seq.s32 s10, $0x1;
	s10 =	sld [smem:$0x3FB6]  }
0x3d: {  	_ =	shalt  }
0x3e: {  	_ =	shalt  }
0x3f: {  	_ =	shalt  }
0x40: {  	_ =	shalt  }
0x41: {  	_ =	shalt  }
0x42: {  	_ =	shalt  }
0x43: {  	_ =	shalt  }
0x44: {  	_ =	shalt  }
0x45: {  	_ =	shalt  }
0x46: {  	_ =	shalt  }
0x47: {  	_ =	shalt  }
0x48: {  	_ =	shalt  }
0x49: {  	_ =	shalt  }
0x4a: {  	_ =	shalt  }
0x4b: {  	_ =	shalt  }
0x4c: {  	_ =	shalt  }
0x4d: {  	_ =	shalt  }
0x4e: {  	_ =	shalt  }
0x4f: {  	_ =	shalt  }
0x50: {  	_ =	shalt  }
0x51: {  	_ =	shalt  }
0x52: {  	_ =	shalt  }
0x53: {  	_ =	shalt  }
0x54: {  	_ =	shalt  }
0x55: {  	_ =	shalt  }
0x56: {  	_ =	shalt  }
0x57: {  	_ =	shalt  }
0x58: {  	_ =	shalt  }
0x59: {  	_ =	shalt  }
0x5a: {  	_ =	shalt  }
0x5b: {  	_ =	shalt  }
0x5c: {  	_ =	shalt  }
0x5d: {  	_ =	shalt  }
0x5e: {  	_ =	shalt  }
0x5f: {  	_ =	shalt  }
0x60: {  	_ =	shalt  }
0x61: {  	_ =	shalt  }
0x62: {  	_ =	shalt  }
0x63: {  	_ =	shalt  }
0x64: {  	_ =	shalt  }
0x65: {  	_ =	shalt  }
0x66: {  	_ =	shalt  }
0x67: {  	_ =	shalt  }
0x68: {  	_ =	shalt  }
0x69: {  	_ =	shalt  }
0x6a: {  	_ =	shalt  }
0x6b: {  	_ =	shalt  }
0x6c: {  	_ =	shalt  }
0x6d: {  	_ =	shalt  }
0x6e: {  	_ =	shalt  }
0x6f: {  	_ =	shalt  }
0x70: {  	_ =	shalt  }
0x71: {  	_ =	shalt  }
0x72: {  	_ =	shalt  }
0x73: {  	_ =	shalt  }
0x74: {  	_ =	shalt  }
0x75: {  	_ =	shalt  }
0x76: {  	_ =	shalt  }
0x77: {  	_ =	shalt  }
0x78: {  	_ =	shalt  }
0x79: {  	_ =	shalt  }
0x7a: {  	_ =	shalt  }
0x7b: {  	_ =	shalt  }
0x7c: {  	_ =	shalt  }
0x7d: {  	_ =	shalt  }
0x7e: {  	_ =	shalt  }
0x7f: {  	_ =	shalt  }
0x80: {  	_ =	shalt  }
0x81: {  	_ =	shalt  }
0x82: {  	_ =	shalt  }
0x83: {  	_ =	shalt  }
0x84: {  	_ =	shalt  }
0x85: {  	_ =	shalt  }
0x86: {  	_ =	shalt  }
0x87: {  	_ =	shalt  }
.Lfunc_end0:
.L_simem_size_0:
called_computation_lowered:
.L_overlay_start_0:
0x88: {  	s2 =	sld [smem:$0x3FD9]  }
0x89: {  	s3 =	sld [smem:$0x3FFE];
	_ =	sdelay $0x1  }
0x8a: {  	s1 =	srdreg.scid  }
0x8b: {  	s0 =	sand.u32 $0x1, s1  }
0x8c: {  	s16 =	sshll.u32 s0, $0xA;
	s2 =	sadd.s32 s3, s2  }
0x8d: {  	s2 =	sadd.s32 s2, s16  }
0x8e: {  	[smem:$0x3FC2] =	sst s2  }
0x8f: {  	_ = 	snop  }
0x90: {  	(tm) =	ssettm $0x1  }
0x91: {  	s17 =	sld [smem:$0x3FFB];
	_ =	sdelay $0x3  }
0x92: {  	_ =	strace s17  }
0x93: {  	s2 =	sld [smem:$0x3FFC];
	_ =	sdelay $0x3  }
0x94: {  	_ =	strace s2  }
0x95: {  	s2 =	sld [smem:$0x3FFD];
	_ =	sdelay $0x3  }
0x96: {  	_ =	strace s2  }
0x97: {  	_ =	strace $0x8FFFFFFF  }
0x98: {  	s18 =	sld [smem:$0x3FDB];
	_ =	sdelay $0x1  }
0x99: {  	s19 =	simm.s32 $_scs_section_size  }
0x9a: {  	s4 =	simm.s32 $_size__tile_overlayer_lowered;
	s5 =	simm.s32 $_tile_overlayer_lowered  }
0x9b: {  	s22 =	simm.s32 $0x1BFF;
	s21 =	sshll.u32 s5, $0x1;
	s2 =	sadd.s32 s19, s18  }
0x9c: {  	s6 =	simm.s32 $0x0;
	s20 =	sshll.u32 s4, $0x1;
	s4 =	sadd.s32 s21, s2  }
0x9d: {  	[timem:s6], [sflag:s22] =	dma.local [hbm:s4], s20  }
0x9e: {  	_ =	swait.ge [sflag:s22], s20  }
0x9f: {  	s3 =	ssub.s32 $0x0, s20;
	[sflag:s22] =	ssyncset.done $0x0  }
0xa0: {  	[sflag:s22] =	ssyncadd.s32 s3;
	_ =	sdelay $0x1  }
0xa1: {  	s23 =	simm.s32 $0x1B8B  }
0xa2: {  	_ =	swait.ge [sflag:s23], $0x1  }
0xa3: {  	[sflag:s23] =	ssyncset.done $0x0  }
0xa4: {  	s25 =	simm.s32 $0x1B8E;
	s24 =	sld [smem:$0x3FFE];
	[sflag:s23] =	ssyncadd.s32 $0xFFFFFFFF  }
0xa5: {  	s26 =	simm.s32 $execute0_lowered;
	[smem:$0x3FD2] =	sst s25  }
0xa6: {  	s4 =	sshll.u32 s26, $0x1;
	_ =	strace $0x80000046;
	[dreg:$0x1] =	wrdreg $0xFFFFFFFF  }
0xa7: {  	s28 =	simm.s32 $_size_execute0_lowered;
	s2 =	sadd.s32 s2, s4;
	[dreg:$0x0] =	wrdreg $0x0  }
0xa8: {  	s4 =	sshll.u32 s28, $0x1;
	[dreg:$0x2] =	wrdreg s2  }
0xa9: {  	[dreg:$0x3] =	wrdreg s4  }
0xaa: {  	[dreg:$0x4] =	wrdreg $0xC0  }
0xab: {  	_ =	task [dreg:s6], $0x5FFFF  }
0xac: {  	[dreg:$0x1] =	wrdreg $0xFFFFFFFF  }
0xad: {  	[dreg:$0x0] =	wrdreg $0x60  }
0xae: {  	[dreg:$0x2] =	wrdreg s24  }
0xaf: {  	[dreg:$0x3] =	wrdreg $0x29E00  }
0xb0: {  	[dreg:$0x4] =	wrdreg $0x9  }
0xb1: {  	_ =	task.clear_ibuf [dreg:s6], $0x5FFFF;
	_ =	strace $0x90000046  }
0xb2: {  	s29 =	simm.s32 $0x9;
	_ =	strace $0x80000048  }
0xb3: {  	_ =	swait.ge [sflag:s29], $0x1  }
0xb4: {  	[sflag:s29] =	ssyncadd.s32 $0xFFFFFFFF  }
0xb5: {  	_ =	strace $0x90000048  }
0xb6: {  	_ =	sfence  }
0xb7: {  	s30 =	sld [smem:$0x0];
	_ =	sdelay $0x2  }
0xb8: {  	s31 =	sshll.u32 s1, $0xD;
	s1 =	sshrl.u32 s1, $0x2  }
0xb9: {  	s3 =	sand.u32 $0x4000, s31;
	s1 =	sadd.s32 s1, s30  }
0xba: {  	s0 =	sor.u32 s3, s0;
	s1 =	sshll.u32 s1, $0x11  }
0xbb: {  	s0 =	sor.u32 s1, s0  }
0xbc: {  	s0 =	sadd.s32 $0x8F2B, s0  }
0xbd: {  	[sflag:s0] =	ssyncadd.remote.s32 $0x1  }
0xbe: {  	_ =	sfence.sel $0xFFFF  }
0xbf: {  	[dreg:$0x0] =	wrdreg $0xFFFFFFFF;
	(pc) =	sbr.abs _section_cstart, $3  }
0xc0: {  	[dreg:$0x1] =	wrdreg $0xFFFFFFFF  }
0xc1: {  	_ =	task.clear_ibuf [dreg:s6], $0x2FFFF;
	_ =	strace $0x9FFFFFFF  }
0xc2: {  	(tm) =	ssettm $0x7FFFFFFF  }
0xc3: {  	_ =	shalt  }
tec
execute0_lowered:
.L_overlay_start_1:
0x0: {  	(tag) =	ssettag $0x1  }
0x1: {  	s4 =	rddreg [dreg:$0x0]  }
0x2: {  	s2 =	rddreg [dreg:$0x1]  }
0x3: {  	s0 =	rddreg [dreg:$0x2];
	s3 =	srdreg.scid  }
0x4: {  	s1 =	stileid.u32;
	s10 =	simm.s32 $0x50;
	s11 =	simm.s32 $0x2710  }
0x5: {  	s12 =	simm.s32 $0x1;
	s15 =	simm.s32 $0x0;
	s5 =	sand.u32 $0x1, s3  }
0x6: {  	s6 =	sshll.u32 s1, $0x1;
	s7 =	smul.u32 $0x280, s1;
	s3 =	simm.s32 $0x0  }
0x7: {  	s13 =	sshll.u32 s1, $0x6;
	s6 =	sor.u32 s5, s6;
	s8 =	smul.u32 $0x2800, s5  }
0x8: {  	[smem:$0x7FF] =	sst s3;
	s5 =	ssub.s32 $0x2, s5;
	s13 =	sor.u32 $0x1C02, s13  }
0x9: {  	s6 =	smul.u32 $0x4E2, s6;
	s9 =	sshrl.u32 s5, $0x1;
	s8 =	sadd.s32 s7, s8  }
0xa: {  	_ =	strace $0x80000047;
	s9 =	ssub.s32 s5, s9;
	s8 =	sshrl.u32 s8, $0x3  }
0xb: {  	s6 =	sadd.s32 s6, s4;
	s8 =	sadd.s32 s8, s4;
	s4 =	sadd.s32 s7, s2  }
0xc: {  	s5 =	sadd.s32 $0x3000, s6;
	s7 =	smax.u32 s9, $0x1;
	s9 =	simm.s32 $0x2  }
0xd: {  	v0 =	vimm.f32 $1.000000000e+00;
	v1 =	vimm.f32 $0.0e+00;
	s6 =	sadd.s32 $0xCE00, s8;
	s8 =	simm.s32 $0x2760;
	s14 =	sshrl.u32 s4, $0x3  }
.LBB2_1:
0xe: {  	[tilespmem:$0x2710] =	vst v0  }
0xf: {  	[tilespmem:$0x2720] =	vst v0  }
0x10: {  	[tilespmem:$0x2730] =	vst v0  }
0x11: {  	[tilespmem:$0x2740] =	vst v0  }
0x12: {  	[tilespmem:$0x2750] =	vst v0  }
0x13: {  	[tilespmem:$0x2760] =	vst v1  }
0x14: {  	[tilespmem:$0x2770] =	vst v1  }
0x15: {  	[tilespmem:$0x2780] =	vst v1  }
0x16: {  	[tilespmem:$0x2790] =	vst v1  }
0x17: {  	[tilespmem:$0x27A0] =	vst v1  }
0x18: {  	[tilespmem:$0x27B0] =	vst v1  }
0x19: {  	[tilespmem:$0x27C0] =	vst v1  }
0x1a: {  	[tilespmem:$0x27D0] =	vst v1  }
0x1b: {  	[tilespmem:$0x27E0] =	vst v1  }
0x1c: {  	[tilespmem:$0x27F0] =	vst v1  }
0x1d: {  	[tilespmem:$0x2800] =	vst v1  }
0x1e: {  	[tilespmem:$0x2810] =	vst v1  }
0x1f: {  	[tilespmem:$0x2820] =	vst v1  }
0x20: {  	[tilespmem:$0x2830] =	vst v1  }
0x21: {  	[tilespmem:$0x2840] =	vst v1  }
0x22: {  	[tilespmem:$0x2850] =	vst v1  }
0x23: {  	[tilespmem:$0x2860] =	vst v1  }
0x24: {  	[tilespmem:$0x2870] =	vst v1  }
0x25: {  	[tilespmem:$0x2880] =	vst v1  }
0x26: {  	[tilespmem:$0x2890] =	vst v1  }
0x27: {  	[tilespmem:$0x28A0] =	vst v1  }
0x28: {  	[tilespmem:$0x28B0] =	vst v1  }
0x29: {  	[tilespmem:$0x28C0] =	vst v1  }
0x2a: {  	[tilespmem:$0x28D0] =	vst v1  }
0x2b: {  	[tilespmem:$0x28E0] =	vst v1  }
0x2c: {  	[tilespmem:$0x28F0] =	vst v1  }
0x2d: {  	[tilespmem:$0x2900] =	vst v1  }
0x2e: {  	[tilespmem:$0x2910] =	vst v1  }
0x2f: {  	[tilespmem:$0x2920] =	vst v1  }
0x30: {  	[tilespmem:$0x2930] =	vst v1  }
0x31: {  	[tilespmem:$0x2940] =	vst v1  }
0x32: {  	[tilespmem:$0x2950] =	vst v1  }
0x33: {  	[tilespmem:$0x2960] =	vst v1  }
0x34: {  	[tilespmem:$0x2970] =	vst v1  }
0x35: {  	[tilespmem:$0x2980] =	vst v1  }
0x36: {  	[tilespmem:$0x2990] =	vst v1  }
0x37: {  	[tilespmem:$0x29A0] =	vst v1  }
0x38: {  	[tilespmem:$0x29B0] =	vst v1  }
0x39: {  	[tilespmem:$0x29C0] =	vst v1  }
0x3a: {  	[tilespmem:$0x29D0] =	vst v1  }
0x3b: {  	[spmem:s4] =	stream.linear.scatter [tilespmem:s8], [sflag:$0x2], $0x280, $0x38;
	[tilespmem:$0x2C60] =	vst v63  }
0x3c: {  	_ =	swait.ge [sflag:s9], $0x280  }
0x3d: {  	[sflag:s9] =	ssyncset.done $0x0  }
0x3e: {  	[sflag:s9] =	ssyncadd.s32 $0xFFFFFD80  }
0x3f: {  	[bflag:$0x0] =	sbarrier.arrive $0xFFFF  }
0x40: {  	[tilespmem:s3], [sflag:$0x2] =	stream.linear.gather [hbm4b:s5+s3], $0x2710, $0x38;
	[tilespmem:$0x2C60] =	vst v63  }
0x41: {  	_ =	swait.ge [sflag:s9], $0x2710  }
0x42: {  	[sflag:s9] =	ssyncset.done $0x0  }
0x43: {  	s16 =	simm.s32 $0x0;
	[sflag:s9] =	ssyncadd.s32 $0xFFFFD8F0  }
0x44: {  	[spmem:s2] =	stream.indirect.scatter.add.f32 [tilespmem:s11], [sflag:$0x1], $0x1, s16, s10, $0xb8;
	[tilespmem:$0x2C60] =	vst v63  }
0x45: {  	s28 =	simm.s32 $0x50  }
0x46: {  	[spmem:s2] =	stream.indirect.scatter.add.f32 [tilespmem:s11], [sflag:$0x1], $0x1, s28, s10, $0xb8;
	[tilespmem:$0x2C60] =	vst v63  }
0x47: {  	s29 =	simm.s32 $0xA0  }
0x48: {  	[spmem:s2] =	stream.indirect.scatter.add.f32 [tilespmem:s11], [sflag:$0x1], $0x1, s29, s10, $0xb8;
	[tilespmem:$0x2C60] =	vst v63  }
0x49: {  	s30 =	simm.s32 $0xF0  }
0x4a: {  	[spmem:s2] =	stream.indirect.scatter.add.f32 [tilespmem:s11], [sflag:$0x1], $0x1, s30, s10, $0xb8;
	[tilespmem:$0x2C60] =	vst v63  }
0x4b: {  	s31 =	simm.s32 $0x140  }
0x4c: {  	[spmem:s2] =	stream.indirect.scatter.add.f32 [tilespmem:s11], [sflag:$0x1], $0x1, s31, s10, $0xb8;
	[tilespmem:$0x2C60] =	vst v63  }
0x4d: {  	_ =	swait.ge [sflag:s12], $0x50  }
0x4e: {  	[sflag:s12] =	ssyncset.done $0x0  }
0x4f: {  	[sflag:s12] =	ssyncadd.s32 $0xFFFFFFB0  }
0x50: {  	_ =	swait.ge [sflag:s12], $0x50  }
0x51: {  	[sflag:s12] =	ssyncset.done $0x0  }
0x52: {  	[sflag:s12] =	ssyncadd.s32 $0xFFFFFFB0  }
0x53: {  	_ =	swait.ge [sflag:s12], $0x50  }
0x54: {  	[sflag:s12] =	ssyncset.done $0x0  }
0x55: {  	[sflag:s12] =	ssyncadd.s32 $0xFFFFFFB0  }
0x56: {  	_ =	swait.ge [sflag:s12], $0x50  }
0x57: {  	[sflag:s12] =	ssyncset.done $0x0  }
0x58: {  	[sflag:s12] =	ssyncadd.s32 $0xFFFFFFB0  }
0x59: {  	_ =	swait.ge [sflag:s12], $0x50  }
0x5a: {  	s17 =	simm.s32 $0xC80;
	s16 =	simm.s32 $0x640;
	[sflag:s12] =	ssyncset.done $0x0  }
.LBB2_2:
0x5b: {  	s18 =	sshra.s32 s16, $0x2  }
0x5c: {  	[sflag:s12] =	ssyncadd.s32 $0xFFFFFFB0;
	s16 =	smov.u32 s17;
	s19 =	sadd.s32 $0x640, s17  }
0x5d: {  	[spmem:s2] =	stream.indirect.scatter.add.f32 [tilespmem:s11], [sflag:$0x1], $0x1, s18, s10, $0xb8;
	[tilespmem:$0x2C60] =	vst v63  }
0x5e: {  	p0 =	sne.s32 s17, $0x9600;
	s17 =	sadd.s32 $0x50, s18  }
0x5f: {  	[spmem:s2] =	stream.indirect.scatter.add.f32 [tilespmem:s11], [sflag:$0x1], $0x1, s17, s10, $0xb8;
	[tilespmem:$0x2C60] =	vst v63  }
0x60: {  	s17 =	sadd.s32 $0xA0, s18  }
0x61: {  	[spmem:s2] =	stream.indirect.scatter.add.f32 [tilespmem:s11], [sflag:$0x1], $0x1, s17, s10, $0xb8;
	[tilespmem:$0x2C60] =	vst v63  }
0x62: {  	s17 =	sadd.s32 $0xF0, s18  }
0x63: {  	[spmem:s2] =	stream.indirect.scatter.add.f32 [tilespmem:s11], [sflag:$0x1], $0x1, s17, s10, $0xb8;
	[tilespmem:$0x2C60] =	vst v63  }
0x64: {  	s17 =	sadd.s32 $0x140, s18  }
0x65: {  	[spmem:s2] =	stream.indirect.scatter.add.f32 [tilespmem:s11], [sflag:$0x1], $0x1, s17, s10, $0xb8;
	[tilespmem:$0x2C60] =	vst v63  }
0x66: {  	_ =	swait.ge [sflag:s12], $0x50  }
0x67: {  	[sflag:s12] =	ssyncset.done $0x0  }
0x68: {  	[sflag:s12] =	ssyncadd.s32 $0xFFFFFFB0  }
0x69: {  	_ =	swait.ge [sflag:s12], $0x50  }
0x6a: {  	[sflag:s12] =	ssyncset.done $0x0  }
0x6b: {  	[sflag:s12] =	ssyncadd.s32 $0xFFFFFFB0  }
0x6c: {  	_ =	swait.ge [sflag:s12], $0x50  }
0x6d: {  	[sflag:s12] =	ssyncset.done $0x0  }
0x6e: {  	[sflag:s12] =	ssyncadd.s32 $0xFFFFFFB0  }
.Ltmp0:
0x6f: {  	_ =	swait.ge [sflag:s12], $0x50;
	(pc) =	sbr.rel @p0 .LBB2_2-.Ltmp0, $4  }
0x70: {  	[sflag:s12] =	ssyncset.done $0x0  }
0x71: {  	[sflag:s12] =	ssyncadd.s32 $0xFFFFFFB0  }
0x72: {  	_ =	swait.ge [sflag:s12], $0x50  }
0x73: {  	s17 =	smov.u32 s19;
	[sflag:s12] =	ssyncset.done $0x0  }
0x74: {  	s16 =	sshra.s32 s16, $0x2;
	[sflag:s12] =	ssyncadd.s32 $0xFFFFFFB0  }
0x75: {  	[spmem:s2] =	stream.indirect.scatter.add.f32 [tilespmem:s11], [sflag:$0x1], $0x1, s16, s10, $0xb8;
	[tilespmem:$0x2C60] =	vst v63  }
0x76: {  	s17 =	sadd.s32 $0x50, s16  }
0x77: {  	[spmem:s2] =	stream.indirect.scatter.add.f32 [tilespmem:s11], [sflag:$0x1], $0x1, s17, s10, $0xb8;
	[tilespmem:$0x2C60] =	vst v63  }
0x78: {  	s30 =	sadd.s32 $0xA0, s16  }
0x79: {  	[spmem:s2] =	stream.indirect.scatter.add.f32 [tilespmem:s11], [sflag:$0x1], $0x1, s30, s10, $0xb8;
	[tilespmem:$0x2C60] =	vst v63  }
0x7a: {  	s31 =	sadd.s32 $0xF0, s16  }
0x7b: {  	[spmem:s2] =	stream.indirect.scatter.add.f32 [tilespmem:s11], [sflag:$0x1], $0x1, s31, s10, $0xb8;
	[tilespmem:$0x2C60] =	vst v63  }
0x7c: {  	s16 =	sadd.s32 $0x140, s16  }
0x7d: {  	[spmem:s2] =	stream.indirect.scatter.add.f32 [tilespmem:s11], [sflag:$0x1], $0x1, s16, s10, $0xb8;
	[tilespmem:$0x2C60] =	vst v63  }
0x7e: {  	_ =	swait.ge [sflag:s12], $0x50  }
0x7f: {  	[sflag:s12] =	ssyncset.done $0x0  }
0x80: {  	[sflag:s12] =	ssyncadd.s32 $0xFFFFFFB0  }
0x81: {  	_ =	swait.ge [sflag:s12], $0x50  }
0x82: {  	[sflag:s12] =	ssyncset.done $0x0  }
0x83: {  	[sflag:s12] =	ssyncadd.s32 $0xFFFFFFB0  }
0x84: {  	_ =	swait.ge [sflag:s12], $0x50  }
0x85: {  	[sflag:s12] =	ssyncset.done $0x0  }
0x86: {  	[sflag:s12] =	ssyncadd.s32 $0xFFFFFFB0  }
0x87: {  	_ =	swait.ge [sflag:s12], $0x50  }
0x88: {  	[sflag:s12] =	ssyncset.done $0x0  }
0x89: {  	[sflag:s12] =	ssyncadd.s32 $0xFFFFFFB0  }
0x8a: {  	_ =	swait.ge [sflag:s12], $0x50  }
0x8b: {  	s15 =	sadd.s32 $0x1, s15;
	[sflag:s12] =	ssyncset.done $0x0  }
0x8c: {  	p0 =	sne.s32 s15, s7;
	[sflag:s12] =	ssyncadd.s32 $0xFFFFFFB0  }
.Ltmp1:
0x8d: {  	[bflag:$0x0] =	sbarrier.arrive $0xFFFF;
	(pc) =	sbr.rel @p0 .LBB2_1-.Ltmp1, $4  }
0x8e: {  	[hbm:s6], [sflag:s13] =	dma.local [spmem:s14], $0x50  }
0x8f: {  	_ =	swait.ge [sflag:s9], $0x50  }
0x90: {  	[sflag:s9] =	ssyncset.done $0x0  }
0x91: {  	[sflag:s9] =	ssyncadd.s32 $0xFFFFFFB0  }
0x92: {  	_ =	sfence.sel $0x180000  }
0x93: {  	[bflag:$0x0] =	sbarrier.arrive $0xFFFF  }
0x94: {  	p0 =	sne.s32 s1, $0x0;
	_ =	strace $0x90000047  }
0x95: {  	s0 =	sadd.s32 @!p0 $0x100000, s0;
	[bflag:$0x2] =	sbarrier.arrive $0xFFFF  }
0x96: {  	[sflag:s0] =	ssyncadd.tile.s32 @!p0 $0x1;
	_ =	shalt  }
.Lfunc_end2:
_tile_overlayer_lowered:
.L_overlay_start_2:
0x97: {  	(tag) =	ssettag $0x2  }
0x98: {  	s0 =	rddreg [dreg:$0x0];
	s2 =	stileid.u32  }
0x99: {  	s1 =	rddreg [dreg:$0x1];
	p0 =	sne.s32 s2, $0x0  }
0x9a: {  	s3 =	rddreg [dreg:$0x2];
	[bflag:$0x3] =	sbarrier.arrive $0xFFFF;
	s2 =	simm.s32 @!p0 $0x1C02  }
0x9b: {  	[timem:s3], [sflag:s2] =	dma.local @!p0 [hbm:s0], s1  }
0x9c: {  	s0 =	simm.s32 @!p0 $0x2  }
0x9d: {  	_ =	swait.ge @!p0 [sflag:s0], s1  }
0x9e: {  	s1 =	ssub.s32 @!p0 $0x0, s1;
	[sflag:s0] =	ssyncset.done @!p0 $0x0  }
0x9f: {  	[sflag:s0] =	ssyncadd.s32 @!p0 s1  }
0xa0: {  	[bflag:$0x3] =	sbarrier.arrive $0xFFFF  }
0xa1: {  	_ =	shalt  }

</sc_bundles>
